<compile_context>
chip_gen: v7x
topology: tpu7x:2x2x1
jax: 0.10.2.dev20260603
libtpu: 0.0.44.dev20260713+nightly
codegen_flags: <defaults>
</compile_context>

<pallas_src>
import jax
import jax.numpy as jnp
from jax import lax
from jax.experimental import pallas as pl
from jax.experimental.pallas import tpu as pltpu
from jax.experimental.pallas import tpu_sc as plsc

NC, NS, L = 2, 16, 16
NW = NC * NS
ROWS, COLS = 128, 32768
RPW = ROWS // NW
NVEC = COLS // L
CVEC = 16
NCHUNK = NVEC // CVEC
NGRP = NCHUNK // L


def _treemax(vs):
    while len(vs) > 1:
        nxt = [jnp.maximum(vs[i], vs[i + 1]) for i in range(0, len(vs) - 1, 2)]
        if len(vs) % 2:
            nxt.append(vs[-1])
        vs = nxt
    return vs[0]


def _insert5(ms, v):
    out = []
    for i in range(4):
        hi = jnp.maximum(ms[i], v)
        v = jnp.minimum(ms[i], v)
        out.append(hi)
    out.append(jnp.maximum(ms[4], v))
    return out


def _merge5(a, b):
    r = []
    for k in range(5):
        cur = jnp.maximum(a[k], b[k])
        for i in range(k):
            cur = jnp.maximum(cur, jnp.minimum(a[i], b[k - 1 - i]))
        r.append(cur)
    return r


def _splat(val):
    return jnp.full((L,), val, dtype=jnp.int32)


def _body(logits_ref, wtab_ref, out_ref,
          bufd, cmbuf, gmbuf, idxbuf, cand, wtab, obuf,
          sem0, sem1, wsem):
    wid = lax.axis_index("s") * NC + lax.axis_index("c")
    base = wid * RPW

    wd = pltpu.async_copy(wtab_ref, wtab, wsem)
    pltpu.async_copy(logits_ref.at[base + 0], bufd.at[pl.ds(0, COLS)], sem0)
    pltpu.async_copy(logits_ref.at[base + 1], bufd.at[pl.ds(COLS, COLS)], sem1)
    wd.wait()

    neg = jnp.full((L,), -jnp.inf, dtype=jnp.float32)
    lane = lax.iota(jnp.int32, L)

    def process_row(off):
        def chunkmax(c, _):
            cb = off + c * (CVEC * L)
            m = _treemax([bufd[pl.ds(cb + i * L, L)] for i in range(CVEC)])
            cmbuf[pl.ds(c * L, L)] = m
            return 0

        lax.fori_loop(0, NCHUNK, chunkmax, 0, unroll=4)

        def grpmax(g, _):
            gm = _treemax([
                plsc.load_gather(cmbuf, [g * (L * CVEC) + lane * L + l])
                for l in range(CVEC)])
            gmbuf[pl.ds(g * L, L)] = gm
            return 0

        lax.fori_loop(0, NGRP, grpmax, 0)

        def ins(g, ms):
            return tuple(_insert5(list(ms), gmbuf[pl.ds(g * L, L)]))

        ms = list(lax.fori_loop(0, NGRP, ins, (neg,) * 5))
        for s in (1, 2, 4, 8):
            perm = jnp.bitwise_xor(lane, s)
            part = []
            for i in range(5):
                cand[...] = ms[i]
                part.append(plsc.load_gather(cand, [perm]))
            ms = _merge5(ms, part)
        tvec = ms[4]

        def compact(g, nvec):
            gm = gmbuf[pl.ds(g * L, L)]
            mask = gm >= tvec
            ids = g * L + lane
            pos = nvec + plsc.cumsum(mask.astype(jnp.int32)) - 1
            plsc.store_scatter(idxbuf, [pos], ids, mask=mask)
            return nvec + plsc.all_reduce_population_count(mask)

        nvec = lax.fori_loop(0, NGRP, compact, _splat(0))
        n = jnp.max(nvec)

        def scan_chunk(i, ms):
            cidv = plsc.load_gather(idxbuf, [_splat(0) + i])
            bv = off + cidv * (CVEC * L) + lane
            ms = list(ms)
            for i2 in range(CVEC):
                ms = _insert5(ms, plsc.load_gather(bufd, [bv + i2 * L]))
            return tuple(ms)

        ms = list(lax.fori_loop(0, n, scan_chunk, (neg,) * 5))

        for s in (1, 2, 4, 8):
            perm = jnp.bitwise_xor(lane, s)
            part = []
            for i in range(5):
                cand[...] = ms[i]
                part.append(plsc.load_gather(cand, [perm]))
            ms = _merge5(ms, part)
        return ms

    def row_body(j, T5):
        par = j % 2
        off = par * COLS

        @pl.when(par == 0)
        def _():
            pltpu.make_async_copy(
                logits_ref.at[base], bufd.at[pl.ds(0, COLS)], sem0).wait()

        @pl.when(par == 1)
        def _():
            pltpu.make_async_copy(
                logits_ref.at[base], bufd.at[pl.ds(COLS, COLS)], sem1).wait()

        ms = process_row(off)

        @pl.when(jnp.logical_and(j < RPW - 2, par == 0))
        def _():
            pltpu.async_copy(
                logits_ref.at[base + j + 2], bufd.at[pl.ds(0, COLS)], sem0)

        @pl.when(jnp.logical_and(j < RPW - 2, par == 1))
        def _():
            pltpu.async_copy(
                logits_ref.at[base + j + 2], bufd.at[pl.ds(COLS, COLS)], sem1)

        is_j = lane == j
        return tuple(jnp.where(is_j, ms[i], T5[i]) for i in range(5))

    T5 = list(lax.fori_loop(0, RPW, row_body, (neg,) * 5))

    def w(r):
        return wtab[r]

    h = []
    for jo in range(5):
        acc = w(25 + jo)
        for i in range(5):
            acc = acc + w(jo * 5 + i) * T5[i]
        h.append(jnp.maximum(acc, 0.0))
    z = w(35)
    for jo in range(5):
        z = z + w(30 + jo) * h[jo]
    obuf[...] = 1.0 / (1.0 + jnp.exp(-z))
    pltpu.sync_copy(obuf, out_ref.at[wid])


@jax.jit
def _run(logits, wtab):
    mesh = plsc.VectorSubcoreMesh(
        core_axis_name="c", subcore_axis_name="s",
        num_cores=NC, num_subcores=NS)
    f = pl.kernel(
        _body,
        out_type=jax.ShapeDtypeStruct((NW, L), jnp.float32),
        mesh=mesh,
        compiler_params=pltpu.CompilerParams(needs_layout_passes=False),
        scratch_types=[
            pltpu.VMEM((2 * COLS,), jnp.float32),
            pltpu.VMEM((NCHUNK * L,), jnp.float32),
            pltpu.VMEM((NGRP * L,), jnp.float32),
            pltpu.VMEM((NCHUNK + L,), jnp.int32),
            pltpu.VMEM((L,), jnp.float32),
            pltpu.VMEM((36, L), jnp.float32),
            pltpu.VMEM((L,), jnp.float32),
            pltpu.SemaphoreType.DMA,
            pltpu.SemaphoreType.DMA,
            pltpu.SemaphoreType.DMA,
        ],
    )
    return f(logits, wtab)


def kernel(logits, features, W1, b1, W2, b2):
    del features
    wvec = jnp.concatenate(
        [W1.reshape(-1), b1.reshape(-1), W2.reshape(-1), b2.reshape(-1)])
    wtab = jnp.broadcast_to(wvec[:, None], (36, L)).astype(jnp.float32)
    out32 = _run(logits, wtab)
    return out32[:, :RPW].reshape(ROWS, 1)

# --- scband reference (transcript-rebuilt; emitter-appended) ---
"""Pipeline reference for scband-selection6-87634512708155 (READ-ONLY COPY).

The authoritative reference and input builder live on the scoring server;
editing this copy changes nothing except your own understanding.
"""

import jax, jax.numpy as jnp
import numpy as np


def setup_inputs(seed: int = 0) -> dict:
    key = jax.random.key(seed)
    k1, k2, k3, k4, k5, k6 = jax.random.split(key, 6)
    logits = jax.random.normal(k1, (128, 32768), dtype=jnp.float32)
    features = jax.random.normal(k2, (128, 512), dtype=jnp.float32)
    # fc1: Linear(5, 5); fc2: Linear(5, 1) -- torch default init approximated
    bound1 = 1.0 / np.sqrt(5.0)
    W1 = jax.random.uniform(k3, (5, 5), dtype=jnp.float32, minval=-bound1, maxval=bound1)
    b1 = jax.random.uniform(k4, (5,), dtype=jnp.float32, minval=-bound1, maxval=bound1)
    W2 = jax.random.uniform(k5, (1, 5), dtype=jnp.float32, minval=-bound1, maxval=bound1)
    b2 = jax.random.uniform(k6, (1,), dtype=jnp.float32, minval=-bound1, maxval=bound1)
    return {"logits": logits, "features": features, "W1": W1, "b1": b1, "W2": W2, "b2": b2}


def reference(logits, features, W1, b1, W2, b2):
    # logits.topk(k=5, largest=True, sorted=True)[0]
    top_vals, _ = jax.lax.top_k(logits, 5)
    x = top_vals @ W1.T + b1
    x = jnp.maximum(x, 0.0)
    x = x @ W2.T + b2
    x = jax.nn.sigmoid(x)
    return x

if __name__ == "__main__":
    import jax
    _d = setup_inputs()
    print(jax.jit(kernel)(*tuple(_d.values())))

</pallas_src>

<mosaic_0001>
#map = affine_map<(d0, d1) -> (0, 0)>
module attributes {stable_mosaic.version = 14 : i64} {
  func.func @_body(%arg0: i32, %arg1: i32, %arg2: memref<128x32768xf32, #tpu.memory_space<hbm>>, %arg3: memref<36x16xf32, #tpu.memory_space<hbm>>, %arg4: memref<32x16xf32, #tpu.memory_space<hbm>>, %arg5: memref<65536xf32, #tpu.memory_space<vmem>>, %arg6: memref<2048xf32, #tpu.memory_space<vmem>>, %arg7: memref<128xf32, #tpu.memory_space<vmem>>, %arg8: memref<144xi32, #tpu.memory_space<vmem>>, %arg9: memref<16xf32, #tpu.memory_space<vmem>>, %arg10: memref<36x16xf32, #tpu.memory_space<vmem>>, %arg11: memref<16xf32, #tpu.memory_space<vmem>>, %arg12: memref<!tpu.dma_semaphore, #tpu.memory_space<semaphore_mem>>, %arg13: memref<!tpu.dma_semaphore, #tpu.memory_space<semaphore_mem>>, %arg14: memref<!tpu.dma_semaphore, #tpu.memory_space<semaphore_mem>>) attributes {dimension_semantics = [#tpu.dimension_semantics<core_parallel>, #tpu.dimension_semantics<subcore_parallel>], iteration_bounds = array<i64: 2, 16>, scalar_prefetch = 0 : i64, scratch_operands = 10 : i64, tpu.core_type = #tpu.core_type<sc_vector_subcore>, window_params = [{transform_indices = #map}, {transform_indices = #map}, {transform_indices = #map}]} {
    %mul3A = arith.constant 2 : i32
    %mul3A_0 = arith.muli %arg1, %mul3A : i32
    %add3A = arith.addi %mul3A_0, %arg0 : i32
    %mul3A_1 = arith.constant 4 : i32
    %mul3A_2 = arith.muli %add3A, %mul3A_1 : i32
    tpu.enqueue_dma source(%arg3 : memref<36x16xf32, #tpu.memory_space<hbm>>) target(%arg10 : memref<36x16xf32, #tpu.memory_space<vmem>>) target_semaphore(%arg14 : memref<!tpu.dma_semaphore, #tpu.memory_space<semaphore_mem>>)
    %add3A_3 = arith.constant 0 : i32
    %add3A_4 = arith.addi %mul3A_2, %add3A_3 : i32
    %dma_start3A = arith.constant 0 : i32
    %dma_start3A_5 = tpu.memref_slice %arg5[%dma_start3A] : memref<65536xf32, #tpu.memory_space<vmem>> -> memref<32768xf32, #tpu.memory_space<vmem>>
    %dma_start3A_6 = arith.constant 0 : i32
    %dma_start3A_7 = tpu.memref_slice %arg2[%add3A_4, %dma_start3A_6] : memref<128x32768xf32, #tpu.memory_space<hbm>> -> memref<1x32768xf32, #tpu.memory_space<hbm>>
    %dma_start3A_8 = tpu.memref_squeeze %dma_start3A_7 : memref<1x32768xf32, #tpu.memory_space<hbm>> -> memref<32768xf32, #tpu.memory_space<hbm>>
    %dma_start3A_9 = arith.constant 0 : i32
    %dma_start3A_10 = tpu.memref_slice %arg5[%dma_start3A_9] : memref<65536xf32, #tpu.memory_space<vmem>> -> memref<32768xf32, #tpu.memory_space<vmem>>
    %dma_start3A_11 = arith.constant 0 : i32
    %dma_start3A_12 = tpu.memref_slice %arg2[%add3A_4, %dma_start3A_11] : memref<128x32768xf32, #tpu.memory_space<hbm>> -> memref<1x32768xf32, #tpu.memory_space<hbm>>
    %dma_start3A_13 = tpu.memref_squeeze %dma_start3A_12 : memref<1x32768xf32, #tpu.memory_space<hbm>> -> memref<32768xf32, #tpu.memory_space<hbm>>
    tpu.enqueue_dma source(%dma_start3A_13 : memref<32768xf32, #tpu.memory_space<hbm>>) target(%dma_start3A_10 : memref<32768xf32, #tpu.memory_space<vmem>>) target_semaphore(%arg12 : memref<!tpu.dma_semaphore, #tpu.memory_space<semaphore_mem>>)
    %add3A_14 = arith.constant 1 : i32
    %add3A_15 = arith.addi %mul3A_2, %add3A_14 : i32
    %dma_start3A_16 = arith.constant 32768 : i32
    %dma_start3A_17 = tpu.memref_slice %arg5[%dma_start3A_16] : memref<65536xf32, #tpu.memory_space<vmem>> -> memref<32768xf32, #tpu.memory_space<vmem>>
    %dma_start3A_18 = arith.constant 0 : i32
    %dma_start3A_19 = tpu.memref_slice %arg2[%add3A_15, %dma_start3A_18] : memref<128x32768xf32, #tpu.memory_space<hbm>> -> memref<1x32768xf32, #tpu.memory_space<hbm>>
    %dma_start3A_20 = tpu.memref_squeeze %dma_start3A_19 : memref<1x32768xf32, #tpu.memory_space<hbm>> -> memref<32768xf32, #tpu.memory_space<hbm>>
    %dma_start3A_21 = arith.constant 32768 : i32
    %dma_start3A_22 = tpu.memref_slice %arg5[%dma_start3A_21] : memref<65536xf32, #tpu.memory_space<vmem>> -> memref<32768xf32, #tpu.memory_space<vmem>>
    %dma_start3A_23 = arith.constant 0 : i32
    %dma_start3A_24 = tpu.memref_slice %arg2[%add3A_15, %dma_start3A_23] : memref<128x32768xf32, #tpu.memory_space<hbm>> -> memref<1x32768xf32, #tpu.memory_space<hbm>>
    %dma_start3A_25 = tpu.memref_squeeze %dma_start3A_24 : memref<1x32768xf32, #tpu.memory_space<hbm>> -> memref<32768xf32, #tpu.memory_space<hbm>>
    tpu.enqueue_dma source(%dma_start3A_25 : memref<32768xf32, #tpu.memory_space<hbm>>) target(%dma_start3A_22 : memref<32768xf32, #tpu.memory_space<vmem>>) target_semaphore(%arg13 : memref<!tpu.dma_semaphore, #tpu.memory_space<semaphore_mem>>)
    tpu.wait_dma2 semaphore(%arg14 : memref<!tpu.dma_semaphore, #tpu.memory_space<semaphore_mem>>) src(%arg3 : memref<36x16xf32, #tpu.memory_space<hbm>>) dst(%arg10 : memref<36x16xf32, #tpu.memory_space<vmem>>)
    %broadcast_in_dim3A = arith.constant 0xFF800000 : f32
    %broadcast_in_dim3A_26 = vector.broadcast %broadcast_in_dim3A : f32 to vector<16xf32>
    %iota3A = tpu.iota {dimensions = array<i32: 0>} : vector<16xi32>
    %scan3A = arith.constant 0 : i32
    %scan3A_27 = arith.constant 4 : i32
    %scan3A_28 = arith.addi %scan3A, %scan3A_27 : i32
    %scan3A_29 = arith.constant 1 : i32
    %scan3A_30:5 = scf.for %scan3A_257 = %scan3A to %scan3A_28 step %scan3A_29 iter_args(%scan3A_258 = %broadcast_in_dim3A_26, %scan3A_259 = %broadcast_in_dim3A_26, %scan3A_260 = %broadcast_in_dim3A_26, %scan3A_261 = %broadcast_in_dim3A_26, %scan3A_262 = %broadcast_in_dim3A_26) -> (vector<16xf32>, vector<16xf32>, vector<16xf32>, vector<16xf32>, vector<16xf32>)  : i32 {
      %jit3A = arith.constant 2 : i32
      %eq3A = arith.constant 0 : i32
      %eq3A_263 = arith.cmpi eq, %jit3A, %eq3A : i32
      %jit3A_264 = arith.constant 1 : i32
      %select_n3A = arith.select %eq3A_263, %jit3A_264, %jit3A : i32
      %rem3A = arith.remsi %scan3A_257, %select_n3A : i32
      %ne3A = arith.constant 0 : i32
      %ne3A_265 = arith.cmpi ne, %rem3A, %ne3A : i32
      %lt3A = arith.constant 0 : i32
      %lt3A_266 = arith.cmpi slt, %rem3A, %lt3A : i32
      %lt3A_267 = arith.constant 0 : i32
      %lt3A_268 = arith.cmpi slt, %select_n3A, %lt3A_267 : i32
      %ne3A_269 = arith.xori %lt3A_266, %lt3A_268 : i1
      %and3A = arith.andi %ne3A_269, %ne3A_265 : i1
      %add3A_270 = arith.addi %rem3A, %select_n3A : i32
      %select_n3A_271 = arith.select %and3A, %add3A_270, %rem3A : i32
      %mul3A_272 = arith.constant 32768 : i32
      %mul3A_273 = arith.muli %select_n3A_271, %mul3A_272 : i32
      %eq3A_274 = arith.constant 0 : i32
      %eq3A_275 = arith.cmpi eq, %select_n3A_271, %eq3A_274 : i32
      %convert_element_type3A = arith.extui %eq3A_275 : i1 to i32
      %cond3A = arith.constant 0 : i32
      %cond3A_276 = arith.cmpi ne, %convert_element_type3A, %cond3A : i32
      scf.if %cond3A_276 {
        %dma_wait3A = arith.constant 0 : i32
        %dma_wait3A_691 = tpu.memref_slice %arg5[%dma_wait3A] : memref<65536xf32, #tpu.memory_space<vmem>> -> memref<32768xf32, #tpu.memory_space<vmem>>
        %dma_wait3A_692 = arith.constant 0 : i32
        %dma_wait3A_693 = tpu.memref_slice %arg2[%mul3A_2, %dma_wait3A_692] : memref<128x32768xf32, #tpu.memory_space<hbm>> -> memref<1x32768xf32, #tpu.memory_space<hbm>>
        %dma_wait3A_694 = tpu.memref_squeeze %dma_wait3A_693 : memref<1x32768xf32, #tpu.memory_space<hbm>> -> memref<32768xf32, #tpu.memory_space<hbm>>
        %dma_wait3A_695 = arith.constant 0 : i32
        %dma_wait3A_696 = tpu.memref_slice %arg5[%dma_wait3A_695] : memref<65536xf32, #tpu.memory_space<vmem>> -> memref<32768xf32, #tpu.memory_space<vmem>>
        %dma_wait3A_697 = arith.constant 0 : i32
        %dma_wait3A_698 = tpu.memref_slice %arg2[%mul3A_2, %dma_wait3A_697] : memref<128x32768xf32, #tpu.memory_space<hbm>> -> memref<1x32768xf32, #tpu.memory_space<hbm>>
        %dma_wait3A_699 = tpu.memref_squeeze %dma_wait3A_698 : memref<1x32768xf32, #tpu.memory_space<hbm>> -> memref<32768xf32, #tpu.memory_space<hbm>>
        tpu.wait_dma2 semaphore(%arg12 : memref<!tpu.dma_semaphore, #tpu.memory_space<semaphore_mem>>) src(%dma_wait3A_699 : memref<32768xf32, #tpu.memory_space<hbm>>) dst(%dma_wait3A_696 : memref<32768xf32, #tpu.memory_space<vmem>>)
      } else {
      }
      %eq3A_277 = arith.constant 1 : i32
      %eq3A_278 = arith.cmpi eq, %select_n3A_271, %eq3A_277 : i32
      %convert_element_type3A_279 = arith.extui %eq3A_278 : i1 to i32
      %cond3A_280 = arith.constant 0 : i32
      %cond3A_281 = arith.cmpi ne, %convert_element_type3A_279, %cond3A_280 : i32
      scf.if %cond3A_281 {
        %dma_wait3A = arith.constant 32768 : i32
        %dma_wait3A_691 = tpu.memref_slice %arg5[%dma_wait3A] : memref<65536xf32, #tpu.memory_space<vmem>> -> memref<32768xf32, #tpu.memory_space<vmem>>
        %dma_wait3A_692 = arith.constant 0 : i32
        %dma_wait3A_693 = tpu.memref_slice %arg2[%mul3A_2, %dma_wait3A_692] : memref<128x32768xf32, #tpu.memory_space<hbm>> -> memref<1x32768xf32, #tpu.memory_space<hbm>>
        %dma_wait3A_694 = tpu.memref_squeeze %dma_wait3A_693 : memref<1x32768xf32, #tpu.memory_space<hbm>> -> memref<32768xf32, #tpu.memory_space<hbm>>
        %dma_wait3A_695 = arith.constant 32768 : i32
        %dma_wait3A_696 = tpu.memref_slice %arg5[%dma_wait3A_695] : memref<65536xf32, #tpu.memory_space<vmem>> -> memref<32768xf32, #tpu.memory_space<vmem>>
        %dma_wait3A_697 = arith.constant 0 : i32
        %dma_wait3A_698 = tpu.memref_slice %arg2[%mul3A_2, %dma_wait3A_697] : memref<128x32768xf32, #tpu.memory_space<hbm>> -> memref<1x32768xf32, #tpu.memory_space<hbm>>
        %dma_wait3A_699 = tpu.memref_squeeze %dma_wait3A_698 : memref<1x32768xf32, #tpu.memory_space<hbm>> -> memref<32768xf32, #tpu.memory_space<hbm>>
        tpu.wait_dma2 semaphore(%arg13 : memref<!tpu.dma_semaphore, #tpu.memory_space<semaphore_mem>>) src(%dma_wait3A_699 : memref<32768xf32, #tpu.memory_space<hbm>>) dst(%dma_wait3A_696 : memref<32768xf32, #tpu.memory_space<vmem>>)
      } else {
      }
      %scan3A_282 = arith.constant 0 : i32
      %scan3A_283 = arith.constant 0 : i32
      %scan3A_284 = arith.constant 128 : i32
      %scan3A_285 = arith.addi %scan3A_283, %scan3A_284 : i32
      %scan3A_286 = arith.constant 4 : i32
      %scan3A_287 = scf.for %scan3A_691 = %scan3A_283 to %scan3A_285 step %scan3A_286 iter_args(%scan3A_692 = %scan3A_282) -> (i32)  : i32 {
        %mul3A_693 = arith.constant 256 : i32
        %mul3A_694 = arith.muli %scan3A_691, %mul3A_693 : i32
        %add3A_695 = arith.addi %mul3A_273, %mul3A_694 : i32
        %add3A_696 = arith.constant 0 : i32
        %add3A_697 = arith.addi %add3A_695, %add3A_696 : i32
        %get3A_698 = arith.index_cast %add3A_697 : i32 to index
        %get3A_699 = tpu.vector_load %arg5[%get3A_698] {strides = array<i32>} : memref<65536xf32, #tpu.memory_space<vmem>>, vector<16xf32>,
        %add3A_700 = arith.constant 16 : i32
        %add3A_701 = arith.addi %add3A_695, %add3A_700 : i32
        %get3A_702 = arith.index_cast %add3A_701 : i32 to index
        %get3A_703 = tpu.vector_load %arg5[%get3A_702] {strides = array<i32>} : memref<65536xf32, #tpu.memory_space<vmem>>, vector<16xf32>,
        %add3A_704 = arith.constant 32 : i32
        %add3A_705 = arith.addi %add3A_695, %add3A_704 : i32
        %get3A_706 = arith.index_cast %add3A_705 : i32 to index
        %get3A_707 = tpu.vector_load %arg5[%get3A_706] {strides = array<i32>} : memref<65536xf32, #tpu.memory_space<vmem>>, vector<16xf32>,
        %add3A_708 = arith.constant 48 : i32
        %add3A_709 = arith.addi %add3A_695, %add3A_708 : i32
        %get3A_710 = arith.index_cast %add3A_709 : i32 to index
        %get3A_711 = tpu.vector_load %arg5[%get3A_710] {strides = array<i32>} : memref<65536xf32, #tpu.memory_space<vmem>>, vector<16xf32>,
        %add3A_712 = arith.constant 64 : i32
        %add3A_713 = arith.addi %add3A_695, %add3A_712 : i32
        %get3A_714 = arith.index_cast %add3A_713 : i32 to index
        %get3A_715 = tpu.vector_load %arg5[%get3A_714] {strides = array<i32>} : memref<65536xf32, #tpu.memory_space<vmem>>, vector<16xf32>,
        %add3A_716 = arith.constant 80 : i32
        %add3A_717 = arith.addi %add3A_695, %add3A_716 : i32
        %get3A_718 = arith.index_cast %add3A_717 : i32 to index
        %get3A_719 = tpu.vector_load %arg5[%get3A_718] {strides = array<i32>} : memref<65536xf32, #tpu.memory_space<vmem>>, vector<16xf32>,
        %add3A_720 = arith.constant 96 : i32
        %add3A_721 = arith.addi %add3A_695, %add3A_720 : i32
        %get3A_722 = arith.index_cast %add3A_721 : i32 to index
        %get3A_723 = tpu.vector_load %arg5[%get3A_722] {strides = array<i32>} : memref<65536xf32, #tpu.memory_space<vmem>>, vector<16xf32>,
        %add3A_724 = arith.constant 112 : i32
        %add3A_725 = arith.addi %add3A_695, %add3A_724 : i32
        %get3A_726 = arith.index_cast %add3A_725 : i32 to index
        %get3A_727 = tpu.vector_load %arg5[%get3A_726] {strides = array<i32>} : memref<65536xf32, #tpu.memory_space<vmem>>, vector<16xf32>,
        %add3A_728 = arith.constant 128 : i32
        %add3A_729 = arith.addi %add3A_695, %add3A_728 : i32
        %get3A_730 = arith.index_cast %add3A_729 : i32 to index
        %get3A_731 = tpu.vector_load %arg5[%get3A_730] {strides = array<i32>} : memref<65536xf32, #tpu.memory_space<vmem>>, vector<16xf32>,
        %add3A_732 = arith.constant 144 : i32
        %add3A_733 = arith.addi %add3A_695, %add3A_732 : i32
        %get3A_734 = arith.index_cast %add3A_733 : i32 to index
        %get3A_735 = tpu.vector_load %arg5[%get3A_734] {strides = array<i32>} : memref<65536xf32, #tpu.memory_space<vmem>>, vector<16xf32>,
        %add3A_736 = arith.constant 160 : i32
        %add3A_737 = arith.addi %add3A_695, %add3A_736 : i32
        %get3A_738 = arith.index_cast %add3A_737 : i32 to index
        %get3A_739 = tpu.vector_load %arg5[%get3A_738] {strides = array<i32>} : memref<65536xf32, #tpu.memory_space<vmem>>, vector<16xf32>,
        %add3A_740 = arith.constant 176 : i32
        %add3A_741 = arith.addi %add3A_695, %add3A_740 : i32
        %get3A_742 = arith.index_cast %add3A_741 : i32 to index
        %get3A_743 = tpu.vector_load %arg5[%get3A_742] {strides = array<i32>} : memref<65536xf32, #tpu.memory_space<vmem>>, vector<16xf32>,
        %add3A_744 = arith.constant 192 : i32
        %add3A_745 = arith.addi %add3A_695, %add3A_744 : i32
        %get3A_746 = arith.index_cast %add3A_745 : i32 to index
        %get3A_747 = tpu.vector_load %arg5[%get3A_746] {strides = array<i32>} : memref<65536xf32, #tpu.memory_space<vmem>>, vector<16xf32>,
        %add3A_748 = arith.constant 208 : i32
        %add3A_749 = arith.addi %add3A_695, %add3A_748 : i32
        %get3A_750 = arith.index_cast %add3A_749 : i32 to index
        %get3A_751 = tpu.vector_load %arg5[%get3A_750] {strides = array<i32>} : memref<65536xf32, #tpu.memory_space<vmem>>, vector<16xf32>,
        %add3A_752 = arith.constant 224 : i32
        %add3A_753 = arith.addi %add3A_695, %add3A_752 : i32
        %get3A_754 = arith.index_cast %add3A_753 : i32 to index
        %get3A_755 = tpu.vector_load %arg5[%get3A_754] {strides = array<i32>} : memref<65536xf32, #tpu.memory_space<vmem>>, vector<16xf32>,
        %add3A_756 = arith.constant 240 : i32
        %add3A_757 = arith.addi %add3A_695, %add3A_756 : i32
        %get3A_758 = arith.index_cast %add3A_757 : i32 to index
        %get3A_759 = tpu.vector_load %arg5[%get3A_758] {strides = array<i32>} : memref<65536xf32, #tpu.memory_space<vmem>>, vector<16xf32>,
        %max3A_760 = arith.maximumf %get3A_699, %get3A_703 : vector<16xf32>
        %max3A_761 = arith.maximumf %get3A_707, %get3A_711 : vector<16xf32>
        %max3A_762 = arith.maximumf %get3A_715, %get3A_719 : vector<16xf32>
        %max3A_763 = arith.maximumf %get3A_723, %get3A_727 : vector<16xf32>
        %max3A_764 = arith.maximumf %get3A_731, %get3A_735 : vector<16xf32>
        %max3A_765 = arith.maximumf %get3A_739, %get3A_743 : vector<16xf32>
        %max3A_766 = arith.maximumf %get3A_747, %get3A_751 : vector<16xf32>
        %max3A_767 = arith.maximumf %get3A_755, %get3A_759 : vector<16xf32>
        %max3A_768 = arith.maximumf %max3A_760, %max3A_761 : vector<16xf32>
        %max3A_769 = arith.maximumf %max3A_762, %max3A_763 : vector<16xf32>
        %max3A_770 = arith.maximumf %max3A_764, %max3A_765 : vector<16xf32>
        %max3A_771 = arith.maximumf %max3A_766, %max3A_767 : vector<16xf32>
        %max3A_772 = arith.maximumf %max3A_768, %max3A_769 : vector<16xf32>
        %max3A_773 = arith.maximumf %max3A_770, %max3A_771 : vector<16xf32>
        %max3A_774 = arith.maximumf %max3A_772, %max3A_773 : vector<16xf32>
        %mul3A_775 = arith.constant 16 : i32
        %mul3A_776 = arith.muli %scan3A_691, %mul3A_775 : i32
        %swap3A_777 = arith.index_cast %mul3A_776 : i32 to index
        %swap3A_778 = tpu.vector_load %arg6[%swap3A_777] {strides = array<i32>} : memref<2048xf32, #tpu.memory_space<vmem>>, vector<16xf32>,
        tpu.vector_store %arg6[%swap3A_777], %max3A_774 {strides = array<i32>} : memref<2048xf32, #tpu.memory_space<vmem>>, vector<16xf32>,
        %scan3A_779 = arith.constant 0 : i32
        %scan3A_780 = arith.constant 1 : i32
        %scan3A_781 = arith.addi %scan3A_691, %scan3A_780 : i32
        %mul3A_782 = arith.constant 256 : i32
        %mul3A_783 = arith.muli %scan3A_781, %mul3A_782 : i32
        %add3A_784 = arith.addi %mul3A_273, %mul3A_783 : i32
        %add3A_785 = arith.constant 0 : i32
        %add3A_786 = arith.addi %add3A_784, %add3A_785 : i32
        %get3A_787 = arith.index_cast %add3A_786 : i32 to index
        %get3A_788 = tpu.vector_load %arg5[%get3A_787] {strides = array<i32>} : memref<65536xf32, #tpu.memory_space<vmem>>, vector<16xf32>,
        %add3A_789 = arith.constant 16 : i32
        %add3A_790 = arith.addi %add3A_784, %add3A_789 : i32
        %get3A_791 = arith.index_cast %add3A_790 : i32 to index
        %get3A_792 = tpu.vector_load %arg5[%get3A_791] {strides = array<i32>} : memref<65536xf32, #tpu.memory_space<vmem>>, vector<16xf32>,
        %add3A_793 = arith.constant 32 : i32
        %add3A_794 = arith.addi %add3A_784, %add3A_793 : i32
        %get3A_795 = arith.index_cast %add3A_794 : i32 to index
        %get3A_796 = tpu.vector_load %arg5[%get3A_795] {strides = array<i32>} : memref<65536xf32, #tpu.memory_space<vmem>>, vector<16xf32>,
        %add3A_797 = arith.constant 48 : i32
        %add3A_798 = arith.addi %add3A_784, %add3A_797 : i32
        %get3A_799 = arith.index_cast %add3A_798 : i32 to index
        %get3A_800 = tpu.vector_load %arg5[%get3A_799] {strides = array<i32>} : memref<65536xf32, #tpu.memory_space<vmem>>, vector<16xf32>,
        %add3A_801 = arith.constant 64 : i32
        %add3A_802 = arith.addi %add3A_784, %add3A_801 : i32
        %get3A_803 = arith.index_cast %add3A_802 : i32 to index
        %get3A_804 = tpu.vector_load %arg5[%get3A_803] {strides = array<i32>} : memref<65536xf32, #tpu.memory_space<vmem>>, vector<16xf32>,
        %add3A_805 = arith.constant 80 : i32
        %add3A_806 = arith.addi %add3A_784, %add3A_805 : i32
        %get3A_807 = arith.index_cast %add3A_806 : i32 to index
        %get3A_808 = tpu.vector_load %arg5[%get3A_807] {strides = array<i32>} : memref<65536xf32, #tpu.memory_space<vmem>>, vector<16xf32>,
        %add3A_809 = arith.constant 96 : i32
        %add3A_810 = arith.addi %add3A_784, %add3A_809 : i32
        %get3A_811 = arith.index_cast %add3A_810 : i32 to index
        %get3A_812 = tpu.vector_load %arg5[%get3A_811] {strides = array<i32>} : memref<65536xf32, #tpu.memory_space<vmem>>, vector<16xf32>,
        %add3A_813 = arith.constant 112 : i32
        %add3A_814 = arith.addi %add3A_784, %add3A_813 : i32
        %get3A_815 = arith.index_cast %add3A_814 : i32 to index
        %get3A_816 = tpu.vector_load %arg5[%get3A_815] {strides = array<i32>} : memref<65536xf32, #tpu.memory_space<vmem>>, vector<16xf32>,
        %add3A_817 = arith.constant 128 : i32
        %add3A_818 = arith.addi %add3A_784, %add3A_817 : i32
        %get3A_819 = arith.index_cast %add3A_818 : i32 to index
        %get3A_820 = tpu.vector_load %arg5[%get3A_819] {strides = array<i32>} : memref<65536xf32, #tpu.memory_space<vmem>>, vector<16xf32>,
        %add3A_821 = arith.constant 144 : i32
        %add3A_822 = arith.addi %add3A_784, %add3A_821 : i32
        %get3A_823 = arith.index_cast %add3A_822 : i32 to index
        %get3A_824 = tpu.vector_load %arg5[%get3A_823] {strides = array<i32>} : memref<65536xf32, #tpu.memory_space<vmem>>, vector<16xf32>,
        %add3A_825 = arith.constant 160 : i32
        %add3A_826 = arith.addi %add3A_784, %add3A_825 : i32
        %get3A_827 = arith.index_cast %add3A_826 : i32 to index
        %get3A_828 = tpu.vector_load %arg5[%get3A_827] {strides = array<i32>} : memref<65536xf32, #tpu.memory_space<vmem>>, vector<16xf32>,
        %add3A_829 = arith.constant 176 : i32
        %add3A_830 = arith.addi %add3A_784, %add3A_829 : i32
        %get3A_831 = arith.index_cast %add3A_830 : i32 to index
        %get3A_832 = tpu.vector_load %arg5[%get3A_831] {strides = array<i32>} : memref<65536xf32, #tpu.memory_space<vmem>>, vector<16xf32>,
        %add3A_833 = arith.constant 192 : i32
        %add3A_834 = arith.addi %add3A_784, %add3A_833 : i32
        %get3A_835 = arith.index_cast %add3A_834 : i32 to index
        %get3A_836 = tpu.vector_load %arg5[%get3A_835] {strides = array<i32>} : memref<65536xf32, #tpu.memory_space<vmem>>, vector<16xf32>,
        %add3A_837 = arith.constant 208 : i32
        %add3A_838 = arith.addi %add3A_784, %add3A_837 : i32
        %get3A_839 = arith.index_cast %add3A_838 : i32 to index
        %get3A_840 = tpu.vector_load %arg5[%get3A_839] {strides = array<i32>} : memref<65536xf32, #tpu.memory_space<vmem>>, vector<16xf32>,
        %add3A_841 = arith.constant 224 : i32
        %add3A_842 = arith.addi %add3A_784, %add3A_841 : i32
        %get3A_843 = arith.index_cast %add3A_842 : i32 to index
        %get3A_844 = tpu.vector_load %arg5[%get3A_843] {strides = array<i32>} : memref<65536xf32, #tpu.memory_space<vmem>>, vector<16xf32>,
        %add3A_845 = arith.constant 240 : i32
        %add3A_846 = arith.addi %add3A_784, %add3A_845 : i32
        %get3A_847 = arith.index_cast %add3A_846 : i32 to index
        %get3A_848 = tpu.vector_load %arg5[%get3A_847] {strides = array<i32>} : memref<65536xf32, #tpu.memory_space<vmem>>, vector<16xf32>,
        %max3A_849 = arith.maximumf %get3A_788, %get3A_792 : vector<16xf32>
        %max3A_850 = arith.maximumf %get3A_796, %get3A_800 : vector<16xf32>
        %max3A_851 = arith.maximumf %get3A_804, %get3A_808 : vector<16xf32>
        %max3A_852 = arith.maximumf %get3A_812, %get3A_816 : vector<16xf32>
        %max3A_853 = arith.maximumf %get3A_820, %get3A_824 : vector<16xf32>
        %max3A_854 = arith.maximumf %get3A_828, %get3A_832 : vector<16xf32>
        %max3A_855 = arith.maximumf %get3A_836, %get3A_840 : vector<16xf32>
        %max3A_856 = arith.maximumf %get3A_844, %get3A_848 : vector<16xf32>
        %max3A_857 = arith.maximumf %max3A_849, %max3A_850 : vector<16xf32>
        %max3A_858 = arith.maximumf %max3A_851, %max3A_852 : vector<16xf32>
        %max3A_859 = arith.maximumf %max3A_853, %max3A_854 : vector<16xf32>
        %max3A_860 = arith.maximumf %max3A_855, %max3A_856 : vector<16xf32>
        %max3A_861 = arith.maximumf %max3A_857, %max3A_858 : vector<16xf32>
        %max3A_862 = arith.maximumf %max3A_859, %max3A_860 : vector<16xf32>
        %max3A_863 = arith.maximumf %max3A_861, %max3A_862 : vector<16xf32>
        %mul3A_864 = arith.constant 16 : i32
        %mul3A_865 = arith.muli %scan3A_781, %mul3A_864 : i32
        %swap3A_866 = arith.index_cast %mul3A_865 : i32 to index
        %swap3A_867 = tpu.vector_load %arg6[%swap3A_866] {strides = array<i32>} : memref<2048xf32, #tpu.memory_space<vmem>>, vector<16xf32>,
        tpu.vector_store %arg6[%swap3A_866], %max3A_863 {strides = array<i32>} : memref<2048xf32, #tpu.memory_space<vmem>>, vector<16xf32>,
        %scan3A_868 = arith.constant 0 : i32
        %scan3A_869 = arith.constant 2 : i32
        %scan3A_870 = arith.addi %scan3A_691, %scan3A_869 : i32
        %mul3A_871 = arith.constant 256 : i32
        %mul3A_872 = arith.muli %scan3A_870, %mul3A_871 : i32
        %add3A_873 = arith.addi %mul3A_273, %mul3A_872 : i32
        %add3A_874 = arith.constant 0 : i32
        %add3A_875 = arith.addi %add3A_873, %add3A_874 : i32
        %get3A_876 = arith.index_cast %add3A_875 : i32 to index
        %get3A_877 = tpu.vector_load %arg5[%get3A_876] {strides = array<i32>} : memref<65536xf32, #tpu.memory_space<vmem>>, vector<16xf32>,
        %add3A_878 = arith.constant 16 : i32
        %add3A_879 = arith.addi %add3A_873, %add3A_878 : i32
        %get3A_880 = arith.index_cast %add3A_879 : i32 to index
        %get3A_881 = tpu.vector_load %arg5[%get3A_880] {strides = array<i32>} : memref<65536xf32, #tpu.memory_space<vmem>>, vector<16xf32>,
        %add3A_882 = arith.constant 32 : i32
        %add3A_883 = arith.addi %add3A_873, %add3A_882 : i32
        %get3A_884 = arith.index_cast %add3A_883 : i32 to index
        %get3A_885 = tpu.vector_load %arg5[%get3A_884] {strides = array<i32>} : memref<65536xf32, #tpu.memory_space<vmem>>, vector<16xf32>,
        %add3A_886 = arith.constant 48 : i32
        %add3A_887 = arith.addi %add3A_873, %add3A_886 : i32
        %get3A_888 = arith.index_cast %add3A_887 : i32 to index
        %get3A_889 = tpu.vector_load %arg5[%get3A_888] {strides = array<i32>} : memref<65536xf32, #tpu.memory_space<vmem>>, vector<16xf32>,
        %add3A_890 = arith.constant 64 : i32
        %add3A_891 = arith.addi %add3A_873, %add3A_890 : i32
        %get3A_892 = arith.index_cast %add3A_891 : i32 to index
        %get3A_893 = tpu.vector_load %arg5[%get3A_892] {strides = array<i32>} : memref<65536xf32, #tpu.memory_space<vmem>>, vector<16xf32>,
        %add3A_894 = arith.constant 80 : i32
        %add3A_895 = arith.addi %add3A_873, %add3A_894 : i32
        %get3A_896 = arith.index_cast %add3A_895 : i32 to index
        %get3A_897 = tpu.vector_load %arg5[%get3A_896] {strides = array<i32>} : memref<65536xf32, #tpu.memory_space<vmem>>, vector<16xf32>,
        %add3A_898 = arith.constant 96 : i32
        %add3A_899 = arith.addi %add3A_873, %add3A_898 : i32
        %get3A_900 = arith.index_cast %add3A_899 : i32 to index
        %get3A_901 = tpu.vector_load %arg5[%get3A_900] {strides = array<i32>} : memref<65536xf32, #tpu.memory_space<vmem>>, vector<16xf32>,
        %add3A_902 = arith.constant 112 : i32
        %add3A_903 = arith.addi %add3A_873, %add3A_902 : i32
        %get3A_904 = arith.index_cast %add3A_903 : i32 to index
        %get3A_905 = tpu.vector_load %arg5[%get3A_904] {strides = array<i32>} : memref<65536xf32, #tpu.memory_space<vmem>>, vector<16xf32>,
        %add3A_906 = arith.constant 128 : i32
        %add3A_907 = arith.addi %add3A_873, %add3A_906 : i32
        %get3A_908 = arith.index_cast %add3A_907 : i32 to index
        %get3A_909 = tpu.vector_load %arg5[%get3A_908] {strides = array<i32>} : memref<65536xf32, #tpu.memory_space<vmem>>, vector<16xf32>,
        %add3A_910 = arith.constant 144 : i32
        %add3A_911 = arith.addi %add3A_873, %add3A_910 : i32
        %get3A_912 = arith.index_cast %add3A_911 : i32 to index
        %get3A_913 = tpu.vector_load %arg5[%get3A_912] {strides = array<i32>} : memref<65536xf32, #tpu.memory_space<vmem>>, vector<16xf32>,
        %add3A_914 = arith.constant 160 : i32
        %add3A_915 = arith.addi %add3A_873, %add3A_914 : i32
        %get3A_916 = arith.index_cast %add3A_915 : i32 to index
        %get3A_917 = tpu.vector_load %arg5[%get3A_916] {strides = array<i32>} : memref<65536xf32, #tpu.memory_space<vmem>>, vector<16xf32>,
        %add3A_918 = arith.constant 176 : i32
        %add3A_919 = arith.addi %add3A_873, %add3A_918 : i32
        %get3A_920 = arith.index_cast %add3A_919 : i32 to index
        %get3A_921 = tpu.vector_load %arg5[%get3A_920] {strides = array<i32>} : memref<65536xf32, #tpu.memory_space<vmem>>, vector<16xf32>,
        %add3A_922 = arith.constant 192 : i32
        %add3A_923 = arith.addi %add3A_873, %add3A_922 : i32
        %get3A_924 = arith.index_cast %add3A_923 : i32 to index
        %get3A_925 = tpu.vector_load %arg5[%get3A_924] {strides = array<i32>} : memref<65536xf32, #tpu.memory_space<vmem>>, vector<16xf32>,
        %add3A_926 = arith.constant 208 : i32
        %add3A_927 = arith.addi %add3A_873, %add3A_926 : i32
        %get3A_928 = arith.index_cast %add3A_927 : i32 to index
        %get3A_929 = tpu.vector_load %arg5[%get3A_928] {strides = array<i32>} : memref<65536xf32, #tpu.memory_space<vmem>>, vector<16xf32>,
        %add3A_930 = arith.constant 224 : i32
        %add3A_931 = arith.addi %add3A_873, %add3A_930 : i32
        %get3A_932 = arith.index_cast %add3A_931 : i32 to index
        %get3A_933 = tpu.vector_load %arg5[%get3A_932] {strides = array<i32>} : memref<65536xf32, #tpu.memory_space<vmem>>, vector<16xf32>,
        %add3A_934 = arith.constant 240 : i32
        %add3A_935 = arith.addi %add3A_873, %add3A_934 : i32
        %get3A_936 = arith.index_cast %add3A_935 : i32 to index
        %get3A_937 = tpu.vector_load %arg5[%get3A_936] {strides = array<i32>} : memref<65536xf32, #tpu.memory_space<vmem>>, vector<16xf32>,
        %max3A_938 = arith.maximumf %get3A_877, %get3A_881 : vector<16xf32>
        %max3A_939 = arith.maximumf %get3A_885, %get3A_889 : vector<16xf32>
        %max3A_940 = arith.maximumf %get3A_893, %get3A_897 : vector<16xf32>
        %max3A_941 = arith.maximumf %get3A_901, %get3A_905 : vector<16xf32>
        %max3A_942 = arith.maximumf %get3A_909, %get3A_913 : vector<16xf32>
        %max3A_943 = arith.maximumf %get3A_917, %get3A_921 : vector<16xf32>
        %max3A_944 = arith.maximumf %get3A_925, %get3A_929 : vector<16xf32>
        %max3A_945 = arith.maximumf %get3A_933, %get3A_937 : vector<16xf32>
        %max3A_946 = arith.maximumf %max3A_938, %max3A_939 : vector<16xf32>
        %max3A_947 = arith.maximumf %max3A_940, %max3A_941 : vector<16xf32>
        %max3A_948 = arith.maximumf %max3A_942, %max3A_943 : vector<16xf32>
        %max3A_949 = arith.maximumf %max3A_944, %max3A_945 : vector<16xf32>
        %max3A_950 = arith.maximumf %max3A_946, %max3A_947 : vector<16xf32>
        %max3A_951 = arith.maximumf %max3A_948, %max3A_949 : vector<16xf32>
        %max3A_952 = arith.maximumf %max3A_950, %max3A_951 : vector<16xf32>
        %mul3A_953 = arith.constant 16 : i32
        %mul3A_954 = arith.muli %scan3A_870, %mul3A_953 : i32
        %swap3A_955 = arith.index_cast %mul3A_954 : i32 to index
        %swap3A_956 = tpu.vector_load %arg6[%swap3A_955] {strides = array<i32>} : memref<2048xf32, #tpu.memory_space<vmem>>, vector<16xf32>,
        tpu.vector_store %arg6[%swap3A_955], %max3A_952 {strides = array<i32>} : memref<2048xf32, #tpu.memory_space<vmem>>, vector<16xf32>,
        %scan3A_957 = arith.constant 0 : i32
        %scan3A_958 = arith.constant 3 : i32
        %scan3A_959 = arith.addi %scan3A_691, %scan3A_958 : i32
        %mul3A_960 = arith.constant 256 : i32
        %mul3A_961 = arith.muli %scan3A_959, %mul3A_960 : i32
        %add3A_962 = arith.addi %mul3A_273, %mul3A_961 : i32
        %add3A_963 = arith.constant 0 : i32
        %add3A_964 = arith.addi %add3A_962, %add3A_963 : i32
        %get3A_965 = arith.index_cast %add3A_964 : i32 to index
        %get3A_966 = tpu.vector_load %arg5[%get3A_965] {strides = array<i32>} : memref<65536xf32, #tpu.memory_space<vmem>>, vector<16xf32>,
        %add3A_967 = arith.constant 16 : i32
        %add3A_968 = arith.addi %add3A_962, %add3A_967 : i32
        %get3A_969 = arith.index_cast %add3A_968 : i32 to index
        %get3A_970 = tpu.vector_load %arg5[%get3A_969] {strides = array<i32>} : memref<65536xf32, #tpu.memory_space<vmem>>, vector<16xf32>,
        %add3A_971 = arith.constant 32 : i32
        %add3A_972 = arith.addi %add3A_962, %add3A_971 : i32
        %get3A_973 = arith.index_cast %add3A_972 : i32 to index
        %get3A_974 = tpu.vector_load %arg5[%get3A_973] {strides = array<i32>} : memref<65536xf32, #tpu.memory_space<vmem>>, vector<16xf32>,
        %add3A_975 = arith.constant 48 : i32
        %add3A_976 = arith.addi %add3A_962, %add3A_975 : i32
        %get3A_977 = arith.index_cast %add3A_976 : i32 to index
        %get3A_978 = tpu.vector_load %arg5[%get3A_977] {strides = array<i32>} : memref<65536xf32, #tpu.memory_space<vmem>>, vector<16xf32>,
        %add3A_979 = arith.constant 64 : i32
        %add3A_980 = arith.addi %add3A_962, %add3A_979 : i32
        %get3A_981 = arith.index_cast %add3A_980 : i32 to index
        %get3A_982 = tpu.vector_load %arg5[%get3A_981] {strides = array<i32>} : memref<65536xf32, #tpu.memory_space<vmem>>, vector<16xf32>,
        %add3A_983 = arith.constant 80 : i32
        %add3A_984 = arith.addi %add3A_962, %add3A_983 : i32
        %get3A_985 = arith.index_cast %add3A_984 : i32 to index
        %get3A_986 = tpu.vector_load %arg5[%get3A_985] {strides = array<i32>} : memref<65536xf32, #tpu.memory_space<vmem>>, vector<16xf32>,
        %add3A_987 = arith.constant 96 : i32
        %add3A_988 = arith.addi %add3A_962, %add3A_987 : i32
        %get3A_989 = arith.index_cast %add3A_988 : i32 to index
        %get3A_990 = tpu.vector_load %arg5[%get3A_989] {strides = array<i32>} : memref<65536xf32, #tpu.memory_space<vmem>>, vector<16xf32>,
        %add3A_991 = arith.constant 112 : i32
        %add3A_992 = arith.addi %add3A_962, %add3A_991 : i32
        %get3A_993 = arith.index_cast %add3A_992 : i32 to index
        %get3A_994 = tpu.vector_load %arg5[%get3A_993] {strides = array<i32>} : memref<65536xf32, #tpu.memory_space<vmem>>, vector<16xf32>,
        %add3A_995 = arith.constant 128 : i32
        %add3A_996 = arith.addi %add3A_962, %add3A_995 : i32
        %get3A_997 = arith.index_cast %add3A_996 : i32 to index
        %get3A_998 = tpu.vector_load %arg5[%get3A_997] {strides = array<i32>} : memref<65536xf32, #tpu.memory_space<vmem>>, vector<16xf32>,
        %add3A_999 = arith.constant 144 : i32
        %add3A_1000 = arith.addi %add3A_962, %add3A_999 : i32
        %get3A_1001 = arith.index_cast %add3A_1000 : i32 to index
        %get3A_1002 = tpu.vector_load %arg5[%get3A_1001] {strides = array<i32>} : memref<65536xf32, #tpu.memory_space<vmem>>, vector<16xf32>,
        %add3A_1003 = arith.constant 160 : i32
        %add3A_1004 = arith.addi %add3A_962, %add3A_1003 : i32
        %get3A_1005 = arith.index_cast %add3A_1004 : i32 to index
        %get3A_1006 = tpu.vector_load %arg5[%get3A_1005] {strides = array<i32>} : memref<65536xf32, #tpu.memory_space<vmem>>, vector<16xf32>,
        %add3A_1007 = arith.constant 176 : i32
        %add3A_1008 = arith.addi %add3A_962, %add3A_1007 : i32
        %get3A_1009 = arith.index_cast %add3A_1008 : i32 to index
        %get3A_1010 = tpu.vector_load %arg5[%get3A_1009] {strides = array<i32>} : memref<65536xf32, #tpu.memory_space<vmem>>, vector<16xf32>,
        %add3A_1011 = arith.constant 192 : i32
        %add3A_1012 = arith.addi %add3A_962, %add3A_1011 : i32
        %get3A_1013 = arith.index_cast %add3A_1012 : i32 to index
        %get3A_1014 = tpu.vector_load %arg5[%get3A_1013] {strides = array<i32>} : memref<65536xf32, #tpu.memory_space<vmem>>, vector<16xf32>,
        %add3A_1015 = arith.constant 208 : i32
        %add3A_1016 = arith.addi %add3A_962, %add3A_1015 : i32
        %get3A_1017 = arith.index_cast %add3A_1016 : i32 to index
        %get3A_1018 = tpu.vector_load %arg5[%get3A_1017] {strides = array<i32>} : memref<65536xf32, #tpu.memory_space<vmem>>, vector<16xf32>,
        %add3A_1019 = arith.constant 224 : i32
        %add3A_1020 = arith.addi %add3A_962, %add3A_1019 : i32
        %get3A_1021 = arith.index_cast %add3A_1020 : i32 to index
        %get3A_1022 = tpu.vector_load %arg5[%get3A_1021] {strides = array<i32>} : memref<65536xf32, #tpu.memory_space<vmem>>, vector<16xf32>,
        %add3A_1023 = arith.constant 240 : i32
        %add3A_1024 = arith.addi %add3A_962, %add3A_1023 : i32
        %get3A_1025 = arith.index_cast %add3A_1024 : i32 to index
        %get3A_1026 = tpu.vector_load %arg5[%get3A_1025] {strides = array<i32>} : memref<65536xf32, #tpu.memory_space<vmem>>, vector<16xf32>,
        %max3A_1027 = arith.maximumf %get3A_966, %get3A_970 : vector<16xf32>
        %max3A_1028 = arith.maximumf %get3A_974, %get3A_978 : vector<16xf32>
        %max3A_1029 = arith.maximumf %get3A_982, %get3A_986 : vector<16xf32>
        %max3A_1030 = arith.maximumf %get3A_990, %get3A_994 : vector<16xf32>
        %max3A_1031 = arith.maximumf %get3A_998, %get3A_1002 : vector<16xf32>
        %max3A_1032 = arith.maximumf %get3A_1006, %get3A_1010 : vector<16xf32>
        %max3A_1033 = arith.maximumf %get3A_1014, %get3A_1018 : vector<16xf32>
        %max3A_1034 = arith.maximumf %get3A_1022, %get3A_1026 : vector<16xf32>
        %max3A_1035 = arith.maximumf %max3A_1027, %max3A_1028 : vector<16xf32>
        %max3A_1036 = arith.maximumf %max3A_1029, %max3A_1030 : vector<16xf32>
        %max3A_1037 = arith.maximumf %max3A_1031, %max3A_1032 : vector<16xf32>
        %max3A_1038 = arith.maximumf %max3A_1033, %max3A_1034 : vector<16xf32>
        %max3A_1039 = arith.maximumf %max3A_1035, %max3A_1036 : vector<16xf32>
        %max3A_1040 = arith.maximumf %max3A_1037, %max3A_1038 : vector<16xf32>
        %max3A_1041 = arith.maximumf %max3A_1039, %max3A_1040 : vector<16xf32>
        %mul3A_1042 = arith.constant 16 : i32
        %mul3A_1043 = arith.muli %scan3A_959, %mul3A_1042 : i32
        %swap3A_1044 = arith.index_cast %mul3A_1043 : i32 to index
        %swap3A_1045 = tpu.vector_load %arg6[%swap3A_1044] {strides = array<i32>} : memref<2048xf32, #tpu.memory_space<vmem>>, vector<16xf32>,
        tpu.vector_store %arg6[%swap3A_1044], %max3A_1041 {strides = array<i32>} : memref<2048xf32, #tpu.memory_space<vmem>>, vector<16xf32>,
        %scan3A_1046 = arith.constant 0 : i32
        scf.yield %scan3A_1046 : i32
      }
      %scan3A_288 = arith.constant 128 : i32
      %scan3A_289 = arith.constant 0 : i32
      %scan3A_290 = arith.constant 0 : i32
      %scan3A_291 = arith.constant 8 : i32
      %scan3A_292 = arith.addi %scan3A_290, %scan3A_291 : i32
      %scan3A_293 = arith.constant 1 : i32
      %scan3A_294 = scf.for %scan3A_691 = %scan3A_290 to %scan3A_292 step %scan3A_293 iter_args(%scan3A_692 = %scan3A_289) -> (i32)  : i32 {
        %mul3A_693 = arith.constant 256 : i32
        %mul3A_694 = arith.muli %scan3A_691, %mul3A_693 : i32
        %mul3A_695 = arith.constant 16 : i32
        %mul3A_696 = vector.broadcast %mul3A_695 : i32 to vector<16xi32>
        %mul3A_697 = arith.muli %iota3A, %mul3A_696 : vector<16xi32>
        %add3A_698 = vector.broadcast %mul3A_694 : i32 to vector<16xi32>
        %add3A_699 = arith.addi %add3A_698, %mul3A_697 : vector<16xi32>
        %add3A_700 = arith.constant 0 : i32
        %add3A_701 = vector.broadcast %add3A_700 : i32 to vector<16xi32>
        %add3A_702 = arith.addi %add3A_699, %add3A_701 : vector<16xi32>
        %gather3A_703 = tpu.vector_load_idx %arg6[%add3A_702] : memref<2048xf32, #tpu.memory_space<vmem>>[vector<16xi32>], vector<16xf32>,
        %mul3A_704 = arith.constant 256 : i32
        %mul3A_705 = arith.muli %scan3A_691, %mul3A_704 : i32
        %mul3A_706 = arith.constant 16 : i32
        %mul3A_707 = vector.broadcast %mul3A_706 : i32 to vector<16xi32>
        %mul3A_708 = arith.muli %iota3A, %mul3A_707 : vector<16xi32>
        %add3A_709 = vector.broadcast %mul3A_705 : i32 to vector<16xi32>
        %add3A_710 = arith.addi %add3A_709, %mul3A_708 : vector<16xi32>
        %add3A_711 = arith.constant 1 : i32
        %add3A_712 = vector.broadcast %add3A_711 : i32 to vector<16xi32>
        %add3A_713 = arith.addi %add3A_710, %add3A_712 : vector<16xi32>
        %gather3A_714 = tpu.vector_load_idx %arg6[%add3A_713] : memref<2048xf32, #tpu.memory_space<vmem>>[vector<16xi32>], vector<16xf32>,
        %mul3A_715 = arith.constant 256 : i32
        %mul3A_716 = arith.muli %scan3A_691, %mul3A_715 : i32
        %mul3A_717 = arith.constant 16 : i32
        %mul3A_718 = vector.broadcast %mul3A_717 : i32 to vector<16xi32>
        %mul3A_719 = arith.muli %iota3A, %mul3A_718 : vector<16xi32>
        %add3A_720 = vector.broadcast %mul3A_716 : i32 to vector<16xi32>
        %add3A_721 = arith.addi %add3A_720, %mul3A_719 : vector<16xi32>
        %add3A_722 = arith.constant 2 : i32
        %add3A_723 = vector.broadcast %add3A_722 : i32 to vector<16xi32>
        %add3A_724 = arith.addi %add3A_721, %add3A_723 : vector<16xi32>
        %gather3A_725 = tpu.vector_load_idx %arg6[%add3A_724] : memref<2048xf32, #tpu.memory_space<vmem>>[vector<16xi32>], vector<16xf32>,
        %mul3A_726 = arith.constant 256 : i32
        %mul3A_727 = arith.muli %scan3A_691, %mul3A_726 : i32
        %mul3A_728 = arith.constant 16 : i32
        %mul3A_729 = vector.broadcast %mul3A_728 : i32 to vector<16xi32>
        %mul3A_730 = arith.muli %iota3A, %mul3A_729 : vector<16xi32>
        %add3A_731 = vector.broadcast %mul3A_727 : i32 to vector<16xi32>
        %add3A_732 = arith.addi %add3A_731, %mul3A_730 : vector<16xi32>
        %add3A_733 = arith.constant 3 : i32
        %add3A_734 = vector.broadcast %add3A_733 : i32 to vector<16xi32>
        %add3A_735 = arith.addi %add3A_732, %add3A_734 : vector<16xi32>
        %gather3A_736 = tpu.vector_load_idx %arg6[%add3A_735] : memref<2048xf32, #tpu.memory_space<vmem>>[vector<16xi32>], vector<16xf32>,
        %mul3A_737 = arith.constant 256 : i32
        %mul3A_738 = arith.muli %scan3A_691, %mul3A_737 : i32
        %mul3A_739 = arith.constant 16 : i32
        %mul3A_740 = vector.broadcast %mul3A_739 : i32 to vector<16xi32>
        %mul3A_741 = arith.muli %iota3A, %mul3A_740 : vector<16xi32>
        %add3A_742 = vector.broadcast %mul3A_738 : i32 to vector<16xi32>
        %add3A_743 = arith.addi %add3A_742, %mul3A_741 : vector<16xi32>
        %add3A_744 = arith.constant 4 : i32
        %add3A_745 = vector.broadcast %add3A_744 : i32 to vector<16xi32>
        %add3A_746 = arith.addi %add3A_743, %add3A_745 : vector<16xi32>
        %gather3A_747 = tpu.vector_load_idx %arg6[%add3A_746] : memref<2048xf32, #tpu.memory_space<vmem>>[vector<16xi32>], vector<16xf32>,
        %mul3A_748 = arith.constant 256 : i32
        %mul3A_749 = arith.muli %scan3A_691, %mul3A_748 : i32
        %mul3A_750 = arith.constant 16 : i32
        %mul3A_751 = vector.broadcast %mul3A_750 : i32 to vector<16xi32>
        %mul3A_752 = arith.muli %iota3A, %mul3A_751 : vector<16xi32>
        %add3A_753 = vector.broadcast %mul3A_749 : i32 to vector<16xi32>
        %add3A_754 = arith.addi %add3A_753, %mul3A_752 : vector<16xi32>
        %add3A_755 = arith.constant 5 : i32
        %add3A_756 = vector.broadcast %add3A_755 : i32 to vector<16xi32>
        %add3A_757 = arith.addi %add3A_754, %add3A_756 : vector<16xi32>
        %gather3A_758 = tpu.vector_load_idx %arg6[%add3A_757] : memref<2048xf32, #tpu.memory_space<vmem>>[vector<16xi32>], vector<16xf32>,
        %mul3A_759 = arith.constant 256 : i32
        %mul3A_760 = arith.muli %scan3A_691, %mul3A_759 : i32
        %mul3A_761 = arith.constant 16 : i32
        %mul3A_762 = vector.broadcast %mul3A_761 : i32 to vector<16xi32>
        %mul3A_763 = arith.muli %iota3A, %mul3A_762 : vector<16xi32>
        %add3A_764 = vector.broadcast %mul3A_760 : i32 to vector<16xi32>
        %add3A_765 = arith.addi %add3A_764, %mul3A_763 : vector<16xi32>
        %add3A_766 = arith.constant 6 : i32
        %add3A_767 = vector.broadcast %add3A_766 : i32 to vector<16xi32>
        %add3A_768 = arith.addi %add3A_765, %add3A_767 : vector<16xi32>
        %gather3A_769 = tpu.vector_load_idx %arg6[%add3A_768] : memref<2048xf32, #tpu.memory_space<vmem>>[vector<16xi32>], vector<16xf32>,
        %mul3A_770 = arith.constant 256 : i32
        %mul3A_771 = arith.muli %scan3A_691, %mul3A_770 : i32
        %mul3A_772 = arith.constant 16 : i32
        %mul3A_773 = vector.broadcast %mul3A_772 : i32 to vector<16xi32>
        %mul3A_774 = arith.muli %iota3A, %mul3A_773 : vector<16xi32>
        %add3A_775 = vector.broadcast %mul3A_771 : i32 to vector<16xi32>
        %add3A_776 = arith.addi %add3A_775, %mul3A_774 : vector<16xi32>
        %add3A_777 = arith.constant 7 : i32
        %add3A_778 = vector.broadcast %add3A_777 : i32 to vector<16xi32>
        %add3A_779 = arith.addi %add3A_776, %add3A_778 : vector<16xi32>
        %gather3A_780 = tpu.vector_load_idx %arg6[%add3A_779] : memref<2048xf32, #tpu.memory_space<vmem>>[vector<16xi32>], vector<16xf32>,
        %mul3A_781 = arith.constant 256 : i32
        %mul3A_782 = arith.muli %scan3A_691, %mul3A_781 : i32
        %mul3A_783 = arith.constant 16 : i32
        %mul3A_784 = vector.broadcast %mul3A_783 : i32 to vector<16xi32>
        %mul3A_785 = arith.muli %iota3A, %mul3A_784 : vector<16xi32>
        %add3A_786 = vector.broadcast %mul3A_782 : i32 to vector<16xi32>
        %add3A_787 = arith.addi %add3A_786, %mul3A_785 : vector<16xi32>
        %add3A_788 = arith.constant 8 : i32
        %add3A_789 = vector.broadcast %add3A_788 : i32 to vector<16xi32>
        %add3A_790 = arith.addi %add3A_787, %add3A_789 : vector<16xi32>
        %gather3A_791 = tpu.vector_load_idx %arg6[%add3A_790] : memref<2048xf32, #tpu.memory_space<vmem>>[vector<16xi32>], vector<16xf32>,
        %mul3A_792 = arith.constant 256 : i32
        %mul3A_793 = arith.muli %scan3A_691, %mul3A_792 : i32
        %mul3A_794 = arith.constant 16 : i32
        %mul3A_795 = vector.broadcast %mul3A_794 : i32 to vector<16xi32>
        %mul3A_796 = arith.muli %iota3A, %mul3A_795 : vector<16xi32>
        %add3A_797 = vector.broadcast %mul3A_793 : i32 to vector<16xi32>
        %add3A_798 = arith.addi %add3A_797, %mul3A_796 : vector<16xi32>
        %add3A_799 = arith.constant 9 : i32
        %add3A_800 = vector.broadcast %add3A_799 : i32 to vector<16xi32>
        %add3A_801 = arith.addi %add3A_798, %add3A_800 : vector<16xi32>
        %gather3A_802 = tpu.vector_load_idx %arg6[%add3A_801] : memref<2048xf32, #tpu.memory_space<vmem>>[vector<16xi32>], vector<16xf32>,
        %mul3A_803 = arith.constant 256 : i32
        %mul3A_804 = arith.muli %scan3A_691, %mul3A_803 : i32
        %mul3A_805 = arith.constant 16 : i32
        %mul3A_806 = vector.broadcast %mul3A_805 : i32 to vector<16xi32>
        %mul3A_807 = arith.muli %iota3A, %mul3A_806 : vector<16xi32>
        %add3A_808 = vector.broadcast %mul3A_804 : i32 to vector<16xi32>
        %add3A_809 = arith.addi %add3A_808, %mul3A_807 : vector<16xi32>
        %add3A_810 = arith.constant 10 : i32
        %add3A_811 = vector.broadcast %add3A_810 : i32 to vector<16xi32>
        %add3A_812 = arith.addi %add3A_809, %add3A_811 : vector<16xi32>
        %gather3A_813 = tpu.vector_load_idx %arg6[%add3A_812] : memref<2048xf32, #tpu.memory_space<vmem>>[vector<16xi32>], vector<16xf32>,
        %mul3A_814 = arith.constant 256 : i32
        %mul3A_815 = arith.muli %scan3A_691, %mul3A_814 : i32
        %mul3A_816 = arith.constant 16 : i32
        %mul3A_817 = vector.broadcast %mul3A_816 : i32 to vector<16xi32>
        %mul3A_818 = arith.muli %iota3A, %mul3A_817 : vector<16xi32>
        %add3A_819 = vector.broadcast %mul3A_815 : i32 to vector<16xi32>
        %add3A_820 = arith.addi %add3A_819, %mul3A_818 : vector<16xi32>
        %add3A_821 = arith.constant 11 : i32
        %add3A_822 = vector.broadcast %add3A_821 : i32 to vector<16xi32>
        %add3A_823 = arith.addi %add3A_820, %add3A_822 : vector<16xi32>
        %gather3A_824 = tpu.vector_load_idx %arg6[%add3A_823] : memref<2048xf32, #tpu.memory_space<vmem>>[vector<16xi32>], vector<16xf32>,
        %mul3A_825 = arith.constant 256 : i32
        %mul3A_826 = arith.muli %scan3A_691, %mul3A_825 : i32
        %mul3A_827 = arith.constant 16 : i32
        %mul3A_828 = vector.broadcast %mul3A_827 : i32 to vector<16xi32>
        %mul3A_829 = arith.muli %iota3A, %mul3A_828 : vector<16xi32>
        %add3A_830 = vector.broadcast %mul3A_826 : i32 to vector<16xi32>
        %add3A_831 = arith.addi %add3A_830, %mul3A_829 : vector<16xi32>
        %add3A_832 = arith.constant 12 : i32
        %add3A_833 = vector.broadcast %add3A_832 : i32 to vector<16xi32>
        %add3A_834 = arith.addi %add3A_831, %add3A_833 : vector<16xi32>
        %gather3A_835 = tpu.vector_load_idx %arg6[%add3A_834] : memref<2048xf32, #tpu.memory_space<vmem>>[vector<16xi32>], vector<16xf32>,
        %mul3A_836 = arith.constant 256 : i32
        %mul3A_837 = arith.muli %scan3A_691, %mul3A_836 : i32
        %mul3A_838 = arith.constant 16 : i32
        %mul3A_839 = vector.broadcast %mul3A_838 : i32 to vector<16xi32>
        %mul3A_840 = arith.muli %iota3A, %mul3A_839 : vector<16xi32>
        %add3A_841 = vector.broadcast %mul3A_837 : i32 to vector<16xi32>
        %add3A_842 = arith.addi %add3A_841, %mul3A_840 : vector<16xi32>
        %add3A_843 = arith.constant 13 : i32
        %add3A_844 = vector.broadcast %add3A_843 : i32 to vector<16xi32>
        %add3A_845 = arith.addi %add3A_842, %add3A_844 : vector<16xi32>
        %gather3A_846 = tpu.vector_load_idx %arg6[%add3A_845] : memref<2048xf32, #tpu.memory_space<vmem>>[vector<16xi32>], vector<16xf32>,
        %mul3A_847 = arith.constant 256 : i32
        %mul3A_848 = arith.muli %scan3A_691, %mul3A_847 : i32
        %mul3A_849 = arith.constant 16 : i32
        %mul3A_850 = vector.broadcast %mul3A_849 : i32 to vector<16xi32>
        %mul3A_851 = arith.muli %iota3A, %mul3A_850 : vector<16xi32>
        %add3A_852 = vector.broadcast %mul3A_848 : i32 to vector<16xi32>
        %add3A_853 = arith.addi %add3A_852, %mul3A_851 : vector<16xi32>
        %add3A_854 = arith.constant 14 : i32
        %add3A_855 = vector.broadcast %add3A_854 : i32 to vector<16xi32>
        %add3A_856 = arith.addi %add3A_853, %add3A_855 : vector<16xi32>
        %gather3A_857 = tpu.vector_load_idx %arg6[%add3A_856] : memref<2048xf32, #tpu.memory_space<vmem>>[vector<16xi32>], vector<16xf32>,
        %mul3A_858 = arith.constant 256 : i32
        %mul3A_859 = arith.muli %scan3A_691, %mul3A_858 : i32
        %mul3A_860 = arith.constant 16 : i32
        %mul3A_861 = vector.broadcast %mul3A_860 : i32 to vector<16xi32>
        %mul3A_862 = arith.muli %iota3A, %mul3A_861 : vector<16xi32>
        %add3A_863 = vector.broadcast %mul3A_859 : i32 to vector<16xi32>
        %add3A_864 = arith.addi %add3A_863, %mul3A_862 : vector<16xi32>
        %add3A_865 = arith.constant 15 : i32
        %add3A_866 = vector.broadcast %add3A_865 : i32 to vector<16xi32>
        %add3A_867 = arith.addi %add3A_864, %add3A_866 : vector<16xi32>
        %gather3A_868 = tpu.vector_load_idx %arg6[%add3A_867] : memref<2048xf32, #tpu.memory_space<vmem>>[vector<16xi32>], vector<16xf32>,
        %max3A_869 = arith.maximumf %gather3A_703, %gather3A_714 : vector<16xf32>
        %max3A_870 = arith.maximumf %gather3A_725, %gather3A_736 : vector<16xf32>
        %max3A_871 = arith.maximumf %gather3A_747, %gather3A_758 : vector<16xf32>
        %max3A_872 = arith.maximumf %gather3A_769, %gather3A_780 : vector<16xf32>
        %max3A_873 = arith.maximumf %gather3A_791, %gather3A_802 : vector<16xf32>
        %max3A_874 = arith.maximumf %gather3A_813, %gather3A_824 : vector<16xf32>
        %max3A_875 = arith.maximumf %gather3A_835, %gather3A_846 : vector<16xf32>
        %max3A_876 = arith.maximumf %gather3A_857, %gather3A_868 : vector<16xf32>
        %max3A_877 = arith.maximumf %max3A_869, %max3A_870 : vector<16xf32>
        %max3A_878 = arith.maximumf %max3A_871, %max3A_872 : vector<16xf32>
        %max3A_879 = arith.maximumf %max3A_873, %max3A_874 : vector<16xf32>
        %max3A_880 = arith.maximumf %max3A_875, %max3A_876 : vector<16xf32>
        %max3A_881 = arith.maximumf %max3A_877, %max3A_878 : vector<16xf32>
        %max3A_882 = arith.maximumf %max3A_879, %max3A_880 : vector<16xf32>
        %max3A_883 = arith.maximumf %max3A_881, %max3A_882 : vector<16xf32>
        %mul3A_884 = arith.constant 16 : i32
        %mul3A_885 = arith.muli %scan3A_691, %mul3A_884 : i32
        %swap3A_886 = arith.index_cast %mul3A_885 : i32 to index
        %swap3A_887 = tpu.vector_load %arg7[%swap3A_886] {strides = array<i32>} : memref<128xf32, #tpu.memory_space<vmem>>, vector<16xf32>,
        tpu.vector_store %arg7[%swap3A_886], %max3A_883 {strides = array<i32>} : memref<128xf32, #tpu.memory_space<vmem>>, vector<16xf32>,
        %scan3A_888 = arith.constant 0 : i32
        scf.yield %scan3A_888 : i32
      }
      %scan3A_295 = arith.constant 8 : i32
      %scan3A_296 = arith.constant 0 : i32
      %scan3A_297 = arith.constant 8 : i32
      %scan3A_298 = arith.addi %scan3A_296, %scan3A_297 : i32
      %scan3A_299 = arith.constant 1 : i32
      %scan3A_300:5 = scf.for %scan3A_691 = %scan3A_296 to %scan3A_298 step %scan3A_299 iter_args(%scan3A_692 = %broadcast_in_dim3A_26, %scan3A_693 = %broadcast_in_dim3A_26, %scan3A_694 = %broadcast_in_dim3A_26, %scan3A_695 = %broadcast_in_dim3A_26, %scan3A_696 = %broadcast_in_dim3A_26) -> (vector<16xf32>, vector<16xf32>, vector<16xf32>, vector<16xf32>, vector<16xf32>)  : i32 {
        %mul3A_697 = arith.constant 16 : i32
        %mul3A_698 = arith.muli %scan3A_691, %mul3A_697 : i32
        %get3A_699 = arith.index_cast %mul3A_698 : i32 to index
        %get3A_700 = tpu.vector_load %arg7[%get3A_699] {strides = array<i32>} : memref<128xf32, #tpu.memory_space<vmem>>, vector<16xf32>,
        %max3A_701 = arith.maximumf %scan3A_692, %get3A_700 : vector<16xf32>
        %min3A_702 = arith.minimumf %scan3A_692, %get3A_700 : vector<16xf32>
        %max3A_703 = arith.maximumf %scan3A_693, %min3A_702 : vector<16xf32>
        %min3A_704 = arith.minimumf %scan3A_693, %min3A_702 : vector<16xf32>
        %max3A_705 = arith.maximumf %scan3A_694, %min3A_704 : vector<16xf32>
        %min3A_706 = arith.minimumf %scan3A_694, %min3A_704 : vector<16xf32>
        %max3A_707 = arith.maximumf %scan3A_695, %min3A_706 : vector<16xf32>
        %min3A_708 = arith.minimumf %scan3A_695, %min3A_706 : vector<16xf32>
        %max3A_709 = arith.maximumf %scan3A_696, %min3A_708 : vector<16xf32>
        scf.yield %max3A_701, %max3A_703, %max3A_705, %max3A_707, %max3A_709 : vector<16xf32>, vector<16xf32>, vector<16xf32>, vector<16xf32>, vector<16xf32>
      }
      %scan3A_301 = arith.constant 8 : i32
      %xor3A = arith.constant 1 : i32
      %xor3A_302 = vector.broadcast %xor3A : i32 to vector<16xi32>
      %xor3A_303 = arith.xori %iota3A, %xor3A_302 : vector<16xi32>
      %swap3A_304 = arith.constant 0 : index
      %swap3A_305 = tpu.vector_load %arg9[%swap3A_304] {strides = array<i32>} : memref<16xf32, #tpu.memory_space<vmem>>, vector<16xf32>,
      tpu.vector_store %arg9[%swap3A_304], %scan3A_300#0 {strides = array<i32>} : memref<16xf32, #tpu.memory_space<vmem>>, vector<16xf32>,
      %gather3A = tpu.vector_load_idx %arg9[%xor3A_303] : memref<16xf32, #tpu.memory_space<vmem>>[vector<16xi32>], vector<16xf32>,
      %swap3A_306 = arith.constant 0 : index
      %swap3A_307 = tpu.vector_load %arg9[%swap3A_306] {strides = array<i32>} : memref<16xf32, #tpu.memory_space<vmem>>, vector<16xf32>,
      tpu.vector_store %arg9[%swap3A_306], %scan3A_300#1 {strides = array<i32>} : memref<16xf32, #tpu.memory_space<vmem>>, vector<16xf32>,
      %gather3A_308 = tpu.vector_load_idx %arg9[%xor3A_303] : memref<16xf32, #tpu.memory_space<vmem>>[vector<16xi32>], vector<16xf32>,
      %swap3A_309 = arith.constant 0 : index
      %swap3A_310 = tpu.vector_load %arg9[%swap3A_309] {strides = array<i32>} : memref<16xf32, #tpu.memory_space<vmem>>, vector<16xf32>,
      tpu.vector_store %arg9[%swap3A_309], %scan3A_300#2 {strides = array<i32>} : memref<16xf32, #tpu.memory_space<vmem>>, vector<16xf32>,
      %gather3A_311 = tpu.vector_load_idx %arg9[%xor3A_303] : memref<16xf32, #tpu.memory_space<vmem>>[vector<16xi32>], vector<16xf32>,
      %swap3A_312 = arith.constant 0 : index
      %swap3A_313 = tpu.vector_load %arg9[%swap3A_312] {strides = array<i32>} : memref<16xf32, #tpu.memory_space<vmem>>, vector<16xf32>,
      tpu.vector_store %arg9[%swap3A_312], %scan3A_300#3 {strides = array<i32>} : memref<16xf32, #tpu.memory_space<vmem>>, vector<16xf32>,
      %gather3A_314 = tpu.vector_load_idx %arg9[%xor3A_303] : memref<16xf32, #tpu.memory_space<vmem>>[vector<16xi32>], vector<16xf32>,
      %swap3A_315 = arith.constant 0 : index
      %swap3A_316 = tpu.vector_load %arg9[%swap3A_315] {strides = array<i32>} : memref<16xf32, #tpu.memory_space<vmem>>, vector<16xf32>,
      tpu.vector_store %arg9[%swap3A_315], %scan3A_300#4 {strides = array<i32>} : memref<16xf32, #tpu.memory_space<vmem>>, vector<16xf32>,
      %gather3A_317 = tpu.vector_load_idx %arg9[%xor3A_303] : memref<16xf32, #tpu.memory_space<vmem>>[vector<16xi32>], vector<16xf32>,
      %max3A_318 = arith.maximumf %scan3A_300#0, %gather3A : vector<16xf32>
      %max3A_319 = arith.maximumf %scan3A_300#1, %gather3A_308 : vector<16xf32>
      %min3A = arith.minimumf %scan3A_300#0, %gather3A : vector<16xf32>
      %max3A_320 = arith.maximumf %max3A_319, %min3A : vector<16xf32>
      %max3A_321 = arith.maximumf %scan3A_300#2, %gather3A_311 : vector<16xf32>
      %min3A_322 = arith.minimumf %scan3A_300#0, %gather3A_308 : vector<16xf32>
      %max3A_323 = arith.maximumf %max3A_321, %min3A_322 : vector<16xf32>
      %min3A_324 = arith.minimumf %scan3A_300#1, %gather3A : vector<16xf32>
      %max3A_325 = arith.maximumf %max3A_323, %min3A_324 : vector<16xf32>
      %max3A_326 = arith.maximumf %scan3A_300#3, %gather3A_314 : vector<16xf32>
      %min3A_327 = arith.minimumf %scan3A_300#0, %gather3A_311 : vector<16xf32>
      %max3A_328 = arith.maximumf %max3A_326, %min3A_327 : vector<16xf32>
      %min3A_329 = arith.minimumf %scan3A_300#1, %gather3A_308 : vector<16xf32>
      %max3A_330 = arith.maximumf %max3A_328, %min3A_329 : vector<16xf32>
      %min3A_331 = arith.minimumf %scan3A_300#2, %gather3A : vector<16xf32>
      %max3A_332 = arith.maximumf %max3A_330, %min3A_331 : vector<16xf32>
      %max3A_333 = arith.maximumf %scan3A_300#4, %gather3A_317 : vector<16xf32>
      %min3A_334 = arith.minimumf %scan3A_300#0, %gather3A_314 : vector<16xf32>
      %max3A_335 = arith.maximumf %max3A_333, %min3A_334 : vector<16xf32>
      %min3A_336 = arith.minimumf %scan3A_300#1, %gather3A_311 : vector<16xf32>
      %max3A_337 = arith.maximumf %max3A_335, %min3A_336 : vector<16xf32>
      %min3A_338 = arith.minimumf %scan3A_300#2, %gather3A_308 : vector<16xf32>
      %max3A_339 = arith.maximumf %max3A_337, %min3A_338 : vector<16xf32>
      %min3A_340 = arith.minimumf %scan3A_300#3, %gather3A : vector<16xf32>
      %max3A_341 = arith.maximumf %max3A_339, %min3A_340 : vector<16xf32>
      %xor3A_342 = arith.constant 2 : i32
      %xor3A_343 = vector.broadcast %xor3A_342 : i32 to vector<16xi32>
      %xor3A_344 = arith.xori %iota3A, %xor3A_343 : vector<16xi32>
      %swap3A_345 = arith.constant 0 : index
      %swap3A_346 = tpu.vector_load %arg9[%swap3A_345] {strides = array<i32>} : memref<16xf32, #tpu.memory_space<vmem>>, vector<16xf32>,
      tpu.vector_store %arg9[%swap3A_345], %max3A_318 {strides = array<i32>} : memref<16xf32, #tpu.memory_space<vmem>>, vector<16xf32>,
      %gather3A_347 = tpu.vector_load_idx %arg9[%xor3A_344] : memref<16xf32, #tpu.memory_space<vmem>>[vector<16xi32>], vector<16xf32>,
      %swap3A_348 = arith.constant 0 : index
      %swap3A_349 = tpu.vector_load %arg9[%swap3A_348] {strides = array<i32>} : memref<16xf32, #tpu.memory_space<vmem>>, vector<16xf32>,
      tpu.vector_store %arg9[%swap3A_348], %max3A_320 {strides = array<i32>} : memref<16xf32, #tpu.memory_space<vmem>>, vector<16xf32>,
      %gather3A_350 = tpu.vector_load_idx %arg9[%xor3A_344] : memref<16xf32, #tpu.memory_space<vmem>>[vector<16xi32>], vector<16xf32>,
      %swap3A_351 = arith.constant 0 : index
      %swap3A_352 = tpu.vector_load %arg9[%swap3A_351] {strides = array<i32>} : memref<16xf32, #tpu.memory_space<vmem>>, vector<16xf32>,
      tpu.vector_store %arg9[%swap3A_351], %max3A_325 {strides = array<i32>} : memref<16xf32, #tpu.memory_space<vmem>>, vector<16xf32>,
      %gather3A_353 = tpu.vector_load_idx %arg9[%xor3A_344] : memref<16xf32, #tpu.memory_space<vmem>>[vector<16xi32>], vector<16xf32>,
      %swap3A_354 = arith.constant 0 : index
      %swap3A_355 = tpu.vector_load %arg9[%swap3A_354] {strides = array<i32>} : memref<16xf32, #tpu.memory_space<vmem>>, vector<16xf32>,
      tpu.vector_store %arg9[%swap3A_354], %max3A_332 {strides = array<i32>} : memref<16xf32, #tpu.memory_space<vmem>>, vector<16xf32>,
      %gather3A_356 = tpu.vector_load_idx %arg9[%xor3A_344] : memref<16xf32, #tpu.memory_space<vmem>>[vector<16xi32>], vector<16xf32>,
      %swap3A_357 = arith.constant 0 : index
      %swap3A_358 = tpu.vector_load %arg9[%swap3A_357] {strides = array<i32>} : memref<16xf32, #tpu.memory_space<vmem>>, vector<16xf32>,
      tpu.vector_store %arg9[%swap3A_357], %max3A_341 {strides = array<i32>} : memref<16xf32, #tpu.memory_space<vmem>>, vector<16xf32>,
      %gather3A_359 = tpu.vector_load_idx %arg9[%xor3A_344] : memref<16xf32, #tpu.memory_space<vmem>>[vector<16xi32>], vector<16xf32>,
      %max3A_360 = arith.maximumf %max3A_318, %gather3A_347 : vector<16xf32>
      %max3A_361 = arith.maximumf %max3A_320, %gather3A_350 : vector<16xf32>
      %min3A_362 = arith.minimumf %max3A_318, %gather3A_347 : vector<16xf32>
      %max3A_363 = arith.maximumf %max3A_361, %min3A_362 : vector<16xf32>
      %max3A_364 = arith.maximumf %max3A_325, %gather3A_353 : vector<16xf32>
      %min3A_365 = arith.minimumf %max3A_318, %gather3A_350 : vector<16xf32>
      %max3A_366 = arith.maximumf %max3A_364, %min3A_365 : vector<16xf32>
      %min3A_367 = arith.minimumf %max3A_320, %gather3A_347 : vector<16xf32>
      %max3A_368 = arith.maximumf %max3A_366, %min3A_367 : vector<16xf32>
      %max3A_369 = arith.maximumf %max3A_332, %gather3A_356 : vector<16xf32>
      %min3A_370 = arith.minimumf %max3A_318, %gather3A_353 : vector<16xf32>
      %max3A_371 = arith.maximumf %max3A_369, %min3A_370 : vector<16xf32>
      %min3A_372 = arith.minimumf %max3A_320, %gather3A_350 : vector<16xf32>
      %max3A_373 = arith.maximumf %max3A_371, %min3A_372 : vector<16xf32>
      %min3A_374 = arith.minimumf %max3A_325, %gather3A_347 : vector<16xf32>
      %max3A_375 = arith.maximumf %max3A_373, %min3A_374 : vector<16xf32>
      %max3A_376 = arith.maximumf %max3A_341, %gather3A_359 : vector<16xf32>
      %min3A_377 = arith.minimumf %max3A_318, %gather3A_356 : vector<16xf32>
      %max3A_378 = arith.maximumf %max3A_376, %min3A_377 : vector<16xf32>
      %min3A_379 = arith.minimumf %max3A_320, %gather3A_353 : vector<16xf32>
      %max3A_380 = arith.maximumf %max3A_378, %min3A_379 : vector<16xf32>
      %min3A_381 = arith.minimumf %max3A_325, %gather3A_350 : vector<16xf32>
      %max3A_382 = arith.maximumf %max3A_380, %min3A_381 : vector<16xf32>
      %min3A_383 = arith.minimumf %max3A_332, %gather3A_347 : vector<16xf32>
      %max3A_384 = arith.maximumf %max3A_382, %min3A_383 : vector<16xf32>
      %xor3A_385 = arith.constant 4 : i32
      %xor3A_386 = vector.broadcast %xor3A_385 : i32 to vector<16xi32>
      %xor3A_387 = arith.xori %iota3A, %xor3A_386 : vector<16xi32>
      %swap3A_388 = arith.constant 0 : index
      %swap3A_389 = tpu.vector_load %arg9[%swap3A_388] {strides = array<i32>} : memref<16xf32, #tpu.memory_space<vmem>>, vector<16xf32>,
      tpu.vector_store %arg9[%swap3A_388], %max3A_360 {strides = array<i32>} : memref<16xf32, #tpu.memory_space<vmem>>, vector<16xf32>,
      %gather3A_390 = tpu.vector_load_idx %arg9[%xor3A_387] : memref<16xf32, #tpu.memory_space<vmem>>[vector<16xi32>], vector<16xf32>,
      %swap3A_391 = arith.constant 0 : index
      %swap3A_392 = tpu.vector_load %arg9[%swap3A_391] {strides = array<i32>} : memref<16xf32, #tpu.memory_space<vmem>>, vector<16xf32>,
      tpu.vector_store %arg9[%swap3A_391], %max3A_363 {strides = array<i32>} : memref<16xf32, #tpu.memory_space<vmem>>, vector<16xf32>,
      %gather3A_393 = tpu.vector_load_idx %arg9[%xor3A_387] : memref<16xf32, #tpu.memory_space<vmem>>[vector<16xi32>], vector<16xf32>,
      %swap3A_394 = arith.constant 0 : index
      %swap3A_395 = tpu.vector_load %arg9[%swap3A_394] {strides = array<i32>} : memref<16xf32, #tpu.memory_space<vmem>>, vector<16xf32>,
      tpu.vector_store %arg9[%swap3A_394], %max3A_368 {strides = array<i32>} : memref<16xf32, #tpu.memory_space<vmem>>, vector<16xf32>,
      %gather3A_396 = tpu.vector_load_idx %arg9[%xor3A_387] : memref<16xf32, #tpu.memory_space<vmem>>[vector<16xi32>], vector<16xf32>,
      %swap3A_397 = arith.constant 0 : index
      %swap3A_398 = tpu.vector_load %arg9[%swap3A_397] {strides = array<i32>} : memref<16xf32, #tpu.memory_space<vmem>>, vector<16xf32>,
      tpu.vector_store %arg9[%swap3A_397], %max3A_375 {strides = array<i32>} : memref<16xf32, #tpu.memory_space<vmem>>, vector<16xf32>,
      %gather3A_399 = tpu.vector_load_idx %arg9[%xor3A_387] : memref<16xf32, #tpu.memory_space<vmem>>[vector<16xi32>], vector<16xf32>,
      %swap3A_400 = arith.constant 0 : index
      %swap3A_401 = tpu.vector_load %arg9[%swap3A_400] {strides = array<i32>} : memref<16xf32, #tpu.memory_space<vmem>>, vector<16xf32>,
      tpu.vector_store %arg9[%swap3A_400], %max3A_384 {strides = array<i32>} : memref<16xf32, #tpu.memory_space<vmem>>, vector<16xf32>,
      %gather3A_402 = tpu.vector_load_idx %arg9[%xor3A_387] : memref<16xf32, #tpu.memory_space<vmem>>[vector<16xi32>], vector<16xf32>,
      %max3A_403 = arith.maximumf %max3A_360, %gather3A_390 : vector<16xf32>
      %max3A_404 = arith.maximumf %max3A_363, %gather3A_393 : vector<16xf32>
      %min3A_405 = arith.minimumf %max3A_360, %gather3A_390 : vector<16xf32>
      %max3A_406 = arith.maximumf %max3A_404, %min3A_405 : vector<16xf32>
      %max3A_407 = arith.maximumf %max3A_368, %gather3A_396 : vector<16xf32>
      %min3A_408 = arith.minimumf %max3A_360, %gather3A_393 : vector<16xf32>
      %max3A_409 = arith.maximumf %max3A_407, %min3A_408 : vector<16xf32>
      %min3A_410 = arith.minimumf %max3A_363, %gather3A_390 : vector<16xf32>
      %max3A_411 = arith.maximumf %max3A_409, %min3A_410 : vector<16xf32>
      %max3A_412 = arith.maximumf %max3A_375, %gather3A_399 : vector<16xf32>
      %min3A_413 = arith.minimumf %max3A_360, %gather3A_396 : vector<16xf32>
      %max3A_414 = arith.maximumf %max3A_412, %min3A_413 : vector<16xf32>
      %min3A_415 = arith.minimumf %max3A_363, %gather3A_393 : vector<16xf32>
      %max3A_416 = arith.maximumf %max3A_414, %min3A_415 : vector<16xf32>
      %min3A_417 = arith.minimumf %max3A_368, %gather3A_390 : vector<16xf32>
      %max3A_418 = arith.maximumf %max3A_416, %min3A_417 : vector<16xf32>
      %max3A_419 = arith.maximumf %max3A_384, %gather3A_402 : vector<16xf32>
      %min3A_420 = arith.minimumf %max3A_360, %gather3A_399 : vector<16xf32>
      %max3A_421 = arith.maximumf %max3A_419, %min3A_420 : vector<16xf32>
      %min3A_422 = arith.minimumf %max3A_363, %gather3A_396 : vector<16xf32>
      %max3A_423 = arith.maximumf %max3A_421, %min3A_422 : vector<16xf32>
      %min3A_424 = arith.minimumf %max3A_368, %gather3A_393 : vector<16xf32>
      %max3A_425 = arith.maximumf %max3A_423, %min3A_424 : vector<16xf32>
      %min3A_426 = arith.minimumf %max3A_375, %gather3A_390 : vector<16xf32>
      %max3A_427 = arith.maximumf %max3A_425, %min3A_426 : vector<16xf32>
      %xor3A_428 = arith.constant 8 : i32
      %xor3A_429 = vector.broadcast %xor3A_428 : i32 to vector<16xi32>
      %xor3A_430 = arith.xori %iota3A, %xor3A_429 : vector<16xi32>
      %swap3A_431 = arith.constant 0 : index
      %swap3A_432 = tpu.vector_load %arg9[%swap3A_431] {strides = array<i32>} : memref<16xf32, #tpu.memory_space<vmem>>, vector<16xf32>,
      tpu.vector_store %arg9[%swap3A_431], %max3A_403 {strides = array<i32>} : memref<16xf32, #tpu.memory_space<vmem>>, vector<16xf32>,
      %gather3A_433 = tpu.vector_load_idx %arg9[%xor3A_430] : memref<16xf32, #tpu.memory_space<vmem>>[vector<16xi32>], vector<16xf32>,
      %swap3A_434 = arith.constant 0 : index
      %swap3A_435 = tpu.vector_load %arg9[%swap3A_434] {strides = array<i32>} : memref<16xf32, #tpu.memory_space<vmem>>, vector<16xf32>,
      tpu.vector_store %arg9[%swap3A_434], %max3A_406 {strides = array<i32>} : memref<16xf32, #tpu.memory_space<vmem>>, vector<16xf32>,
      %gather3A_436 = tpu.vector_load_idx %arg9[%xor3A_430] : memref<16xf32, #tpu.memory_space<vmem>>[vector<16xi32>], vector<16xf32>,
      %swap3A_437 = arith.constant 0 : index
      %swap3A_438 = tpu.vector_load %arg9[%swap3A_437] {strides = array<i32>} : memref<16xf32, #tpu.memory_space<vmem>>, vector<16xf32>,
      tpu.vector_store %arg9[%swap3A_437], %max3A_411 {strides = array<i32>} : memref<16xf32, #tpu.memory_space<vmem>>, vector<16xf32>,
      %gather3A_439 = tpu.vector_load_idx %arg9[%xor3A_430] : memref<16xf32, #tpu.memory_space<vmem>>[vector<16xi32>], vector<16xf32>,
      %swap3A_440 = arith.constant 0 : index
      %swap3A_441 = tpu.vector_load %arg9[%swap3A_440] {strides = array<i32>} : memref<16xf32, #tpu.memory_space<vmem>>, vector<16xf32>,
      tpu.vector_store %arg9[%swap3A_440], %max3A_418 {strides = array<i32>} : memref<16xf32, #tpu.memory_space<vmem>>, vector<16xf32>,
      %gather3A_442 = tpu.vector_load_idx %arg9[%xor3A_430] : memref<16xf32, #tpu.memory_space<vmem>>[vector<16xi32>], vector<16xf32>,
      %swap3A_443 = arith.constant 0 : index
      %swap3A_444 = tpu.vector_load %arg9[%swap3A_443] {strides = array<i32>} : memref<16xf32, #tpu.memory_space<vmem>>, vector<16xf32>,
      tpu.vector_store %arg9[%swap3A_443], %max3A_427 {strides = array<i32>} : memref<16xf32, #tpu.memory_space<vmem>>, vector<16xf32>,
      %gather3A_445 = tpu.vector_load_idx %arg9[%xor3A_430] : memref<16xf32, #tpu.memory_space<vmem>>[vector<16xi32>], vector<16xf32>,
      %max3A_446 = arith.maximumf %max3A_403, %gather3A_433 : vector<16xf32>
      %max3A_447 = arith.maximumf %max3A_406, %gather3A_436 : vector<16xf32>
      %min3A_448 = arith.minimumf %max3A_403, %gather3A_433 : vector<16xf32>
      %max3A_449 = arith.maximumf %max3A_447, %min3A_448 : vector<16xf32>
      %max3A_450 = arith.maximumf %max3A_411, %gather3A_439 : vector<16xf32>
      %min3A_451 = arith.minimumf %max3A_403, %gather3A_436 : vector<16xf32>
      %max3A_452 = arith.maximumf %max3A_450, %min3A_451 : vector<16xf32>
      %min3A_453 = arith.minimumf %max3A_406, %gather3A_433 : vector<16xf32>
      %max3A_454 = arith.maximumf %max3A_452, %min3A_453 : vector<16xf32>
      %max3A_455 = arith.maximumf %max3A_418, %gather3A_442 : vector<16xf32>
      %min3A_456 = arith.minimumf %max3A_403, %gather3A_439 : vector<16xf32>
      %max3A_457 = arith.maximumf %max3A_455, %min3A_456 : vector<16xf32>
      %min3A_458 = arith.minimumf %max3A_406, %gather3A_436 : vector<16xf32>
      %max3A_459 = arith.maximumf %max3A_457, %min3A_458 : vector<16xf32>
      %min3A_460 = arith.minimumf %max3A_411, %gather3A_433 : vector<16xf32>
      %max3A_461 = arith.maximumf %max3A_459, %min3A_460 : vector<16xf32>
      %max3A_462 = arith.maximumf %max3A_427, %gather3A_445 : vector<16xf32>
      %min3A_463 = arith.minimumf %max3A_403, %gather3A_442 : vector<16xf32>
      %max3A_464 = arith.maximumf %max3A_462, %min3A_463 : vector<16xf32>
      %min3A_465 = arith.minimumf %max3A_406, %gather3A_439 : vector<16xf32>
      %max3A_466 = arith.maximumf %max3A_464, %min3A_465 : vector<16xf32>
      %min3A_467 = arith.minimumf %max3A_411, %gather3A_436 : vector<16xf32>
      %max3A_468 = arith.maximumf %max3A_466, %min3A_467 : vector<16xf32>
      %min3A_469 = arith.minimumf %max3A_418, %gather3A_433 : vector<16xf32>
      %max3A_470 = arith.maximumf %max3A_468, %min3A_469 : vector<16xf32>
      %broadcast_in_dim3A_471 = arith.constant 0 : i32
      %broadcast_in_dim3A_472 = vector.broadcast %broadcast_in_dim3A_471 : i32 to vector<16xi32>
      %scan3A_473 = arith.constant 0 : i32
      %scan3A_474 = arith.constant 8 : i32
      %scan3A_475 = arith.addi %scan3A_473, %scan3A_474 : i32
      %scan3A_476 = arith.constant 1 : i32
      %scan3A_477 = scf.for %scan3A_691 = %scan3A_473 to %scan3A_475 step %scan3A_476 iter_args(%scan3A_692 = %broadcast_in_dim3A_472) -> (vector<16xi32>)  : i32 {
        %mul3A_693 = arith.constant 16 : i32
        %mul3A_694 = arith.muli %scan3A_691, %mul3A_693 : i32
        %get3A_695 = arith.index_cast %mul3A_694 : i32 to index
        %get3A_696 = tpu.vector_load %arg7[%get3A_695] {strides = array<i32>} : memref<128xf32, #tpu.memory_space<vmem>>, vector<16xf32>,
        %ge3A = arith.cmpf oge, %get3A_696, %max3A_470 : vector<16xf32>
        %mul3A_697 = arith.constant 16 : i32
        %mul3A_698 = arith.muli %scan3A_691, %mul3A_697 : i32
        %add3A_699 = vector.broadcast %mul3A_698 : i32 to vector<16xi32>
        %add3A_700 = arith.addi %add3A_699, %iota3A : vector<16xi32>
        %convert_element_type3A_701 = arith.extui %ge3A : vector<16xi1> to vector<16xi32>
        %broadcast_in_dim3A_702 = arith.constant true
        %broadcast_in_dim3A_703 = vector.broadcast %broadcast_in_dim3A_702 : i1 to vector<16xi1>
        %masked_cumsum3A = tpu.scan <sum>, %convert_element_type3A_701 masked %broadcast_in_dim3A_703 : vector<16xi32>, vector<16xi1> -> vector<16xi32>
        %add3A_704 = arith.addi %scan3A_692, %masked_cumsum3A : vector<16xi32>
        %sub3A = arith.constant 1 : i32
        %sub3A_705 = vector.broadcast %sub3A : i32 to vector<16xi32>
        %sub3A_706 = arith.subi %add3A_704, %sub3A_705 : vector<16xi32>
        tpu.vector_store_idx %arg8[%sub3A_706], %add3A_700 masked %ge3A : memref<144xi32, #tpu.memory_space<vmem>>[vector<16xi32>], vector<16xi32>, vector<16xi1>
        %all_reduce_population_count3A = tpu.all_reduce %ge3A {dim = 0 : i64, kind = #tpu.reduction_kind<sum>} : vector<16xi1> -> vector<16xi32>
        %add3A_707 = arith.addi %scan3A_692, %all_reduce_population_count3A : vector<16xi32>
        scf.yield %add3A_707 : vector<16xi32>
      }
      %scan3A_478 = arith.constant 8 : i32
      %reduce_max3A = arith.constant true
      %reduce_max3A_479 = vector.broadcast %reduce_max3A : i1 to vector<16xi1>
      %reduce_max3A_480 = arith.constant -2147483648 : i32
      %reduce_max3A_481 = vector.broadcast %reduce_max3A_480 : i32 to vector<16xi32>
      %reduce_max3A_482 = arith.xori %scan3A_477, %reduce_max3A_481 : vector<16xi32>
      %reduce_max3A_483 = tpu.scan <max>, %reduce_max3A_482 masked %reduce_max3A_479 : vector<16xi32>, vector<16xi1> -> vector<16xi32>
      %reduce_max3A_484 = arith.xori %reduce_max3A_483, %reduce_max3A_481 : vector<16xi32>
      %reduce_max3A_485 = vector.extract %reduce_max3A_484[15] : i32 from vector<16xi32>
      %while3A = arith.constant 0 : i32
      %while3A_486 = arith.subi %reduce_max3A_485, %while3A : i32
      %while3A_487 = arith.addi %while3A, %while3A_486 : i32
      %while3A_488 = arith.constant 1 : i32
      %while3A_489 = arith.divsi %while3A_486, %while3A_488 : i32
      %while3A_490 = arith.muli %while3A_489, %while3A_488 : i32
      %while3A_491 = arith.addi %while3A, %while3A_490 : i32
      %while3A_492 = arith.constant 1 : i32
      %while3A_493:5 = scf.for %while3A_691 = %while3A to %while3A_491 step %while3A_492 iter_args(%while3A_692 = %broadcast_in_dim3A_26, %while3A_693 = %broadcast_in_dim3A_26, %while3A_694 = %broadcast_in_dim3A_26, %while3A_695 = %broadcast_in_dim3A_26, %while3A_696 = %broadcast_in_dim3A_26) -> (vector<16xf32>, vector<16xf32>, vector<16xf32>, vector<16xf32>, vector<16xf32>)  : i32 {
        %broadcast_in_dim3A_697 = arith.constant 0 : i32
        %broadcast_in_dim3A_698 = vector.broadcast %broadcast_in_dim3A_697 : i32 to vector<16xi32>
        %add3A_699 = vector.broadcast %while3A_691 : i32 to vector<16xi32>
        %add3A_700 = arith.addi %broadcast_in_dim3A_698, %add3A_699 : vector<16xi32>
        %gather3A_701 = tpu.vector_load_idx %arg8[%add3A_700] : memref<144xi32, #tpu.memory_space<vmem>>[vector<16xi32>], vector<16xi32>,
        %mul3A_702 = arith.constant 256 : i32
        %mul3A_703 = vector.broadcast %mul3A_702 : i32 to vector<16xi32>
        %mul3A_704 = arith.muli %gather3A_701, %mul3A_703 : vector<16xi32>
        %add3A_705 = vector.broadcast %mul3A_273 : i32 to vector<16xi32>
        %add3A_706 = arith.addi %add3A_705, %mul3A_704 : vector<16xi32>
        %add3A_707 = arith.addi %add3A_706, %iota3A : vector<16xi32>
        %add3A_708 = arith.constant 0 : i32
        %add3A_709 = vector.broadcast %add3A_708 : i32 to vector<16xi32>
        %add3A_710 = arith.addi %add3A_707, %add3A_709 : vector<16xi32>
        %gather3A_711 = tpu.vector_load_idx %arg5[%add3A_710] : memref<65536xf32, #tpu.memory_space<vmem>>[vector<16xi32>], vector<16xf32>,
        %max3A_712 = arith.maximumf %while3A_692, %gather3A_711 : vector<16xf32>
        %min3A_713 = arith.minimumf %while3A_692, %gather3A_711 : vector<16xf32>
        %max3A_714 = arith.maximumf %while3A_693, %min3A_713 : vector<16xf32>
        %min3A_715 = arith.minimumf %while3A_693, %min3A_713 : vector<16xf32>
        %max3A_716 = arith.maximumf %while3A_694, %min3A_715 : vector<16xf32>
        %min3A_717 = arith.minimumf %while3A_694, %min3A_715 : vector<16xf32>
        %max3A_718 = arith.maximumf %while3A_695, %min3A_717 : vector<16xf32>
        %min3A_719 = arith.minimumf %while3A_695, %min3A_717 : vector<16xf32>
        %max3A_720 = arith.maximumf %while3A_696, %min3A_719 : vector<16xf32>
        %add3A_721 = arith.constant 16 : i32
        %add3A_722 = vector.broadcast %add3A_721 : i32 to vector<16xi32>
        %add3A_723 = arith.addi %add3A_707, %add3A_722 : vector<16xi32>
        %gather3A_724 = tpu.vector_load_idx %arg5[%add3A_723] : memref<65536xf32, #tpu.memory_space<vmem>>[vector<16xi32>], vector<16xf32>,
        %max3A_725 = arith.maximumf %max3A_712, %gather3A_724 : vector<16xf32>
        %min3A_726 = arith.minimumf %max3A_712, %gather3A_724 : vector<16xf32>
        %max3A_727 = arith.maximumf %max3A_714, %min3A_726 : vector<16xf32>
        %min3A_728 = arith.minimumf %max3A_714, %min3A_726 : vector<16xf32>
        %max3A_729 = arith.maximumf %max3A_716, %min3A_728 : vector<16xf32>
        %min3A_730 = arith.minimumf %max3A_716, %min3A_728 : vector<16xf32>
        %max3A_731 = arith.maximumf %max3A_718, %min3A_730 : vector<16xf32>
        %min3A_732 = arith.minimumf %max3A_718, %min3A_730 : vector<16xf32>
        %max3A_733 = arith.maximumf %max3A_720, %min3A_732 : vector<16xf32>
        %add3A_734 = arith.constant 32 : i32
        %add3A_735 = vector.broadcast %add3A_734 : i32 to vector<16xi32>
        %add3A_736 = arith.addi %add3A_707, %add3A_735 : vector<16xi32>
        %gather3A_737 = tpu.vector_load_idx %arg5[%add3A_736] : memref<65536xf32, #tpu.memory_space<vmem>>[vector<16xi32>], vector<16xf32>,
        %max3A_738 = arith.maximumf %max3A_725, %gather3A_737 : vector<16xf32>
        %min3A_739 = arith.minimumf %max3A_725, %gather3A_737 : vector<16xf32>
        %max3A_740 = arith.maximumf %max3A_727, %min3A_739 : vector<16xf32>
        %min3A_741 = arith.minimumf %max3A_727, %min3A_739 : vector<16xf32>
        %max3A_742 = arith.maximumf %max3A_729, %min3A_741 : vector<16xf32>
        %min3A_743 = arith.minimumf %max3A_729, %min3A_741 : vector<16xf32>
        %max3A_744 = arith.maximumf %max3A_731, %min3A_743 : vector<16xf32>
        %min3A_745 = arith.minimumf %max3A_731, %min3A_743 : vector<16xf32>
        %max3A_746 = arith.maximumf %max3A_733, %min3A_745 : vector<16xf32>
        %add3A_747 = arith.constant 48 : i32
        %add3A_748 = vector.broadcast %add3A_747 : i32 to vector<16xi32>
        %add3A_749 = arith.addi %add3A_707, %add3A_748 : vector<16xi32>
        %gather3A_750 = tpu.vector_load_idx %arg5[%add3A_749] : memref<65536xf32, #tpu.memory_space<vmem>>[vector<16xi32>], vector<16xf32>,
        %max3A_751 = arith.maximumf %max3A_738, %gather3A_750 : vector<16xf32>
        %min3A_752 = arith.minimumf %max3A_738, %gather3A_750 : vector<16xf32>
        %max3A_753 = arith.maximumf %max3A_740, %min3A_752 : vector<16xf32>
        %min3A_754 = arith.minimumf %max3A_740, %min3A_752 : vector<16xf32>
        %max3A_755 = arith.maximumf %max3A_742, %min3A_754 : vector<16xf32>
        %min3A_756 = arith.minimumf %max3A_742, %min3A_754 : vector<16xf32>
        %max3A_757 = arith.maximumf %max3A_744, %min3A_756 : vector<16xf32>
        %min3A_758 = arith.minimumf %max3A_744, %min3A_756 : vector<16xf32>
        %max3A_759 = arith.maximumf %max3A_746, %min3A_758 : vector<16xf32>
        %add3A_760 = arith.constant 64 : i32
        %add3A_761 = vector.broadcast %add3A_760 : i32 to vector<16xi32>
        %add3A_762 = arith.addi %add3A_707, %add3A_761 : vector<16xi32>
        %gather3A_763 = tpu.vector_load_idx %arg5[%add3A_762] : memref<65536xf32, #tpu.memory_space<vmem>>[vector<16xi32>], vector<16xf32>,
        %max3A_764 = arith.maximumf %max3A_751, %gather3A_763 : vector<16xf32>
        %min3A_765 = arith.minimumf %max3A_751, %gather3A_763 : vector<16xf32>
        %max3A_766 = arith.maximumf %max3A_753, %min3A_765 : vector<16xf32>
        %min3A_767 = arith.minimumf %max3A_753, %min3A_765 : vector<16xf32>
        %max3A_768 = arith.maximumf %max3A_755, %min3A_767 : vector<16xf32>
        %min3A_769 = arith.minimumf %max3A_755, %min3A_767 : vector<16xf32>
        %max3A_770 = arith.maximumf %max3A_757, %min3A_769 : vector<16xf32>
        %min3A_771 = arith.minimumf %max3A_757, %min3A_769 : vector<16xf32>
        %max3A_772 = arith.maximumf %max3A_759, %min3A_771 : vector<16xf32>
        %add3A_773 = arith.constant 80 : i32
        %add3A_774 = vector.broadcast %add3A_773 : i32 to vector<16xi32>
        %add3A_775 = arith.addi %add3A_707, %add3A_774 : vector<16xi32>
        %gather3A_776 = tpu.vector_load_idx %arg5[%add3A_775] : memref<65536xf32, #tpu.memory_space<vmem>>[vector<16xi32>], vector<16xf32>,
        %max3A_777 = arith.maximumf %max3A_764, %gather3A_776 : vector<16xf32>
        %min3A_778 = arith.minimumf %max3A_764, %gather3A_776 : vector<16xf32>
        %max3A_779 = arith.maximumf %max3A_766, %min3A_778 : vector<16xf32>
        %min3A_780 = arith.minimumf %max3A_766, %min3A_778 : vector<16xf32>
        %max3A_781 = arith.maximumf %max3A_768, %min3A_780 : vector<16xf32>
        %min3A_782 = arith.minimumf %max3A_768, %min3A_780 : vector<16xf32>
        %max3A_783 = arith.maximumf %max3A_770, %min3A_782 : vector<16xf32>
        %min3A_784 = arith.minimumf %max3A_770, %min3A_782 : vector<16xf32>
        %max3A_785 = arith.maximumf %max3A_772, %min3A_784 : vector<16xf32>
        %add3A_786 = arith.constant 96 : i32
        %add3A_787 = vector.broadcast %add3A_786 : i32 to vector<16xi32>
        %add3A_788 = arith.addi %add3A_707, %add3A_787 : vector<16xi32>
        %gather3A_789 = tpu.vector_load_idx %arg5[%add3A_788] : memref<65536xf32, #tpu.memory_space<vmem>>[vector<16xi32>], vector<16xf32>,
        %max3A_790 = arith.maximumf %max3A_777, %gather3A_789 : vector<16xf32>
        %min3A_791 = arith.minimumf %max3A_777, %gather3A_789 : vector<16xf32>
        %max3A_792 = arith.maximumf %max3A_779, %min3A_791 : vector<16xf32>
        %min3A_793 = arith.minimumf %max3A_779, %min3A_791 : vector<16xf32>
        %max3A_794 = arith.maximumf %max3A_781, %min3A_793 : vector<16xf32>
        %min3A_795 = arith.minimumf %max3A_781, %min3A_793 : vector<16xf32>
        %max3A_796 = arith.maximumf %max3A_783, %min3A_795 : vector<16xf32>
        %min3A_797 = arith.minimumf %max3A_783, %min3A_795 : vector<16xf32>
        %max3A_798 = arith.maximumf %max3A_785, %min3A_797 : vector<16xf32>
        %add3A_799 = arith.constant 112 : i32
        %add3A_800 = vector.broadcast %add3A_799 : i32 to vector<16xi32>
        %add3A_801 = arith.addi %add3A_707, %add3A_800 : vector<16xi32>
        %gather3A_802 = tpu.vector_load_idx %arg5[%add3A_801] : memref<65536xf32, #tpu.memory_space<vmem>>[vector<16xi32>], vector<16xf32>,
        %max3A_803 = arith.maximumf %max3A_790, %gather3A_802 : vector<16xf32>
        %min3A_804 = arith.minimumf %max3A_790, %gather3A_802 : vector<16xf32>
        %max3A_805 = arith.maximumf %max3A_792, %min3A_804 : vector<16xf32>
        %min3A_806 = arith.minimumf %max3A_792, %min3A_804 : vector<16xf32>
        %max3A_807 = arith.maximumf %max3A_794, %min3A_806 : vector<16xf32>
        %min3A_808 = arith.minimumf %max3A_794, %min3A_806 : vector<16xf32>
        %max3A_809 = arith.maximumf %max3A_796, %min3A_808 : vector<16xf32>
        %min3A_810 = arith.minimumf %max3A_796, %min3A_808 : vector<16xf32>
        %max3A_811 = arith.maximumf %max3A_798, %min3A_810 : vector<16xf32>
        %add3A_812 = arith.constant 128 : i32
        %add3A_813 = vector.broadcast %add3A_812 : i32 to vector<16xi32>
        %add3A_814 = arith.addi %add3A_707, %add3A_813 : vector<16xi32>
        %gather3A_815 = tpu.vector_load_idx %arg5[%add3A_814] : memref<65536xf32, #tpu.memory_space<vmem>>[vector<16xi32>], vector<16xf32>,
        %max3A_816 = arith.maximumf %max3A_803, %gather3A_815 : vector<16xf32>
        %min3A_817 = arith.minimumf %max3A_803, %gather3A_815 : vector<16xf32>
        %max3A_818 = arith.maximumf %max3A_805, %min3A_817 : vector<16xf32>
        %min3A_819 = arith.minimumf %max3A_805, %min3A_817 : vector<16xf32>
        %max3A_820 = arith.maximumf %max3A_807, %min3A_819 : vector<16xf32>
        %min3A_821 = arith.minimumf %max3A_807, %min3A_819 : vector<16xf32>
        %max3A_822 = arith.maximumf %max3A_809, %min3A_821 : vector<16xf32>
        %min3A_823 = arith.minimumf %max3A_809, %min3A_821 : vector<16xf32>
        %max3A_824 = arith.maximumf %max3A_811, %min3A_823 : vector<16xf32>
        %add3A_825 = arith.constant 144 : i32
        %add3A_826 = vector.broadcast %add3A_825 : i32 to vector<16xi32>
        %add3A_827 = arith.addi %add3A_707, %add3A_826 : vector<16xi32>
        %gather3A_828 = tpu.vector_load_idx %arg5[%add3A_827] : memref<65536xf32, #tpu.memory_space<vmem>>[vector<16xi32>], vector<16xf32>,
        %max3A_829 = arith.maximumf %max3A_816, %gather3A_828 : vector<16xf32>
        %min3A_830 = arith.minimumf %max3A_816, %gather3A_828 : vector<16xf32>
        %max3A_831 = arith.maximumf %max3A_818, %min3A_830 : vector<16xf32>
        %min3A_832 = arith.minimumf %max3A_818, %min3A_830 : vector<16xf32>
        %max3A_833 = arith.maximumf %max3A_820, %min3A_832 : vector<16xf32>
        %min3A_834 = arith.minimumf %max3A_820, %min3A_832 : vector<16xf32>
        %max3A_835 = arith.maximumf %max3A_822, %min3A_834 : vector<16xf32>
        %min3A_836 = arith.minimumf %max3A_822, %min3A_834 : vector<16xf32>
        %max3A_837 = arith.maximumf %max3A_824, %min3A_836 : vector<16xf32>
        %add3A_838 = arith.constant 160 : i32
        %add3A_839 = vector.broadcast %add3A_838 : i32 to vector<16xi32>
        %add3A_840 = arith.addi %add3A_707, %add3A_839 : vector<16xi32>
        %gather3A_841 = tpu.vector_load_idx %arg5[%add3A_840] : memref<65536xf32, #tpu.memory_space<vmem>>[vector<16xi32>], vector<16xf32>,
        %max3A_842 = arith.maximumf %max3A_829, %gather3A_841 : vector<16xf32>
        %min3A_843 = arith.minimumf %max3A_829, %gather3A_841 : vector<16xf32>
        %max3A_844 = arith.maximumf %max3A_831, %min3A_843 : vector<16xf32>
        %min3A_845 = arith.minimumf %max3A_831, %min3A_843 : vector<16xf32>
        %max3A_846 = arith.maximumf %max3A_833, %min3A_845 : vector<16xf32>
        %min3A_847 = arith.minimumf %max3A_833, %min3A_845 : vector<16xf32>
        %max3A_848 = arith.maximumf %max3A_835, %min3A_847 : vector<16xf32>
        %min3A_849 = arith.minimumf %max3A_835, %min3A_847 : vector<16xf32>
        %max3A_850 = arith.maximumf %max3A_837, %min3A_849 : vector<16xf32>
        %add3A_851 = arith.constant 176 : i32
        %add3A_852 = vector.broadcast %add3A_851 : i32 to vector<16xi32>
        %add3A_853 = arith.addi %add3A_707, %add3A_852 : vector<16xi32>
        %gather3A_854 = tpu.vector_load_idx %arg5[%add3A_853] : memref<65536xf32, #tpu.memory_space<vmem>>[vector<16xi32>], vector<16xf32>,
        %max3A_855 = arith.maximumf %max3A_842, %gather3A_854 : vector<16xf32>
        %min3A_856 = arith.minimumf %max3A_842, %gather3A_854 : vector<16xf32>
        %max3A_857 = arith.maximumf %max3A_844, %min3A_856 : vector<16xf32>
        %min3A_858 = arith.minimumf %max3A_844, %min3A_856 : vector<16xf32>
        %max3A_859 = arith.maximumf %max3A_846, %min3A_858 : vector<16xf32>
        %min3A_860 = arith.minimumf %max3A_846, %min3A_858 : vector<16xf32>
        %max3A_861 = arith.maximumf %max3A_848, %min3A_860 : vector<16xf32>
        %min3A_862 = arith.minimumf %max3A_848, %min3A_860 : vector<16xf32>
        %max3A_863 = arith.maximumf %max3A_850, %min3A_862 : vector<16xf32>
        %add3A_864 = arith.constant 192 : i32
        %add3A_865 = vector.broadcast %add3A_864 : i32 to vector<16xi32>
        %add3A_866 = arith.addi %add3A_707, %add3A_865 : vector<16xi32>
        %gather3A_867 = tpu.vector_load_idx %arg5[%add3A_866] : memref<65536xf32, #tpu.memory_space<vmem>>[vector<16xi32>], vector<16xf32>,
        %max3A_868 = arith.maximumf %max3A_855, %gather3A_867 : vector<16xf32>
        %min3A_869 = arith.minimumf %max3A_855, %gather3A_867 : vector<16xf32>
        %max3A_870 = arith.maximumf %max3A_857, %min3A_869 : vector<16xf32>
        %min3A_871 = arith.minimumf %max3A_857, %min3A_869 : vector<16xf32>
        %max3A_872 = arith.maximumf %max3A_859, %min3A_871 : vector<16xf32>
        %min3A_873 = arith.minimumf %max3A_859, %min3A_871 : vector<16xf32>
        %max3A_874 = arith.maximumf %max3A_861, %min3A_873 : vector<16xf32>
        %min3A_875 = arith.minimumf %max3A_861, %min3A_873 : vector<16xf32>
        %max3A_876 = arith.maximumf %max3A_863, %min3A_875 : vector<16xf32>
        %add3A_877 = arith.constant 208 : i32
        %add3A_878 = vector.broadcast %add3A_877 : i32 to vector<16xi32>
        %add3A_879 = arith.addi %add3A_707, %add3A_878 : vector<16xi32>
        %gather3A_880 = tpu.vector_load_idx %arg5[%add3A_879] : memref<65536xf32, #tpu.memory_space<vmem>>[vector<16xi32>], vector<16xf32>,
        %max3A_881 = arith.maximumf %max3A_868, %gather3A_880 : vector<16xf32>
        %min3A_882 = arith.minimumf %max3A_868, %gather3A_880 : vector<16xf32>
        %max3A_883 = arith.maximumf %max3A_870, %min3A_882 : vector<16xf32>
        %min3A_884 = arith.minimumf %max3A_870, %min3A_882 : vector<16xf32>
        %max3A_885 = arith.maximumf %max3A_872, %min3A_884 : vector<16xf32>
        %min3A_886 = arith.minimumf %max3A_872, %min3A_884 : vector<16xf32>
        %max3A_887 = arith.maximumf %max3A_874, %min3A_886 : vector<16xf32>
        %min3A_888 = arith.minimumf %max3A_874, %min3A_886 : vector<16xf32>
        %max3A_889 = arith.maximumf %max3A_876, %min3A_888 : vector<16xf32>
        %add3A_890 = arith.constant 224 : i32
        %add3A_891 = vector.broadcast %add3A_890 : i32 to vector<16xi32>
        %add3A_892 = arith.addi %add3A_707, %add3A_891 : vector<16xi32>
        %gather3A_893 = tpu.vector_load_idx %arg5[%add3A_892] : memref<65536xf32, #tpu.memory_space<vmem>>[vector<16xi32>], vector<16xf32>,
        %max3A_894 = arith.maximumf %max3A_881, %gather3A_893 : vector<16xf32>
        %min3A_895 = arith.minimumf %max3A_881, %gather3A_893 : vector<16xf32>
        %max3A_896 = arith.maximumf %max3A_883, %min3A_895 : vector<16xf32>
        %min3A_897 = arith.minimumf %max3A_883, %min3A_895 : vector<16xf32>
        %max3A_898 = arith.maximumf %max3A_885, %min3A_897 : vector<16xf32>
        %min3A_899 = arith.minimumf %max3A_885, %min3A_897 : vector<16xf32>
        %max3A_900 = arith.maximumf %max3A_887, %min3A_899 : vector<16xf32>
        %min3A_901 = arith.minimumf %max3A_887, %min3A_899 : vector<16xf32>
        %max3A_902 = arith.maximumf %max3A_889, %min3A_901 : vector<16xf32>
        %add3A_903 = arith.constant 240 : i32
        %add3A_904 = vector.broadcast %add3A_903 : i32 to vector<16xi32>
        %add3A_905 = arith.addi %add3A_707, %add3A_904 : vector<16xi32>
        %gather3A_906 = tpu.vector_load_idx %arg5[%add3A_905] : memref<65536xf32, #tpu.memory_space<vmem>>[vector<16xi32>], vector<16xf32>,
        %max3A_907 = arith.maximumf %max3A_894, %gather3A_906 : vector<16xf32>
        %min3A_908 = arith.minimumf %max3A_894, %gather3A_906 : vector<16xf32>
        %max3A_909 = arith.maximumf %max3A_896, %min3A_908 : vector<16xf32>
        %min3A_910 = arith.minimumf %max3A_896, %min3A_908 : vector<16xf32>
        %max3A_911 = arith.maximumf %max3A_898, %min3A_910 : vector<16xf32>
        %min3A_912 = arith.minimumf %max3A_898, %min3A_910 : vector<16xf32>
        %max3A_913 = arith.maximumf %max3A_900, %min3A_912 : vector<16xf32>
        %min3A_914 = arith.minimumf %max3A_900, %min3A_912 : vector<16xf32>
        %max3A_915 = arith.maximumf %max3A_902, %min3A_914 : vector<16xf32>
        scf.yield %max3A_907, %max3A_909, %max3A_911, %max3A_913, %max3A_915 : vector<16xf32>, vector<16xf32>, vector<16xf32>, vector<16xf32>, vector<16xf32>
      }
      %while3A_494 = arith.constant 1 : i32
      %while3A_495:5 = scf.for %while3A_691 = %while3A_491 to %while3A_487 step %while3A_494 iter_args(%while3A_692 = %while3A_493#0, %while3A_693 = %while3A_493#1, %while3A_694 = %while3A_493#2, %while3A_695 = %while3A_493#3, %while3A_696 = %while3A_493#4) -> (vector<16xf32>, vector<16xf32>, vector<16xf32>, vector<16xf32>, vector<16xf32>)  : i32 {
        %broadcast_in_dim3A_697 = arith.constant 0 : i32
        %broadcast_in_dim3A_698 = vector.broadcast %broadcast_in_dim3A_697 : i32 to vector<16xi32>
        %add3A_699 = vector.broadcast %while3A_691 : i32 to vector<16xi32>
        %add3A_700 = arith.addi %broadcast_in_dim3A_698, %add3A_699 : vector<16xi32>
        %gather3A_701 = tpu.vector_load_idx %arg8[%add3A_700] : memref<144xi32, #tpu.memory_space<vmem>>[vector<16xi32>], vector<16xi32>,
        %mul3A_702 = arith.constant 256 : i32
        %mul3A_703 = vector.broadcast %mul3A_702 : i32 to vector<16xi32>
        %mul3A_704 = arith.muli %gather3A_701, %mul3A_703 : vector<16xi32>
        %add3A_705 = vector.broadcast %mul3A_273 : i32 to vector<16xi32>
        %add3A_706 = arith.addi %add3A_705, %mul3A_704 : vector<16xi32>
        %add3A_707 = arith.addi %add3A_706, %iota3A : vector<16xi32>
        %add3A_708 = arith.constant 0 : i32
        %add3A_709 = vector.broadcast %add3A_708 : i32 to vector<16xi32>
        %add3A_710 = arith.addi %add3A_707, %add3A_709 : vector<16xi32>
        %gather3A_711 = tpu.vector_load_idx %arg5[%add3A_710] : memref<65536xf32, #tpu.memory_space<vmem>>[vector<16xi32>], vector<16xf32>,
        %max3A_712 = arith.maximumf %while3A_692, %gather3A_711 : vector<16xf32>
        %min3A_713 = arith.minimumf %while3A_692, %gather3A_711 : vector<16xf32>
        %max3A_714 = arith.maximumf %while3A_693, %min3A_713 : vector<16xf32>
        %min3A_715 = arith.minimumf %while3A_693, %min3A_713 : vector<16xf32>
        %max3A_716 = arith.maximumf %while3A_694, %min3A_715 : vector<16xf32>
        %min3A_717 = arith.minimumf %while3A_694, %min3A_715 : vector<16xf32>
        %max3A_718 = arith.maximumf %while3A_695, %min3A_717 : vector<16xf32>
        %min3A_719 = arith.minimumf %while3A_695, %min3A_717 : vector<16xf32>
        %max3A_720 = arith.maximumf %while3A_696, %min3A_719 : vector<16xf32>
        %add3A_721 = arith.constant 16 : i32
        %add3A_722 = vector.broadcast %add3A_721 : i32 to vector<16xi32>
        %add3A_723 = arith.addi %add3A_707, %add3A_722 : vector<16xi32>
        %gather3A_724 = tpu.vector_load_idx %arg5[%add3A_723] : memref<65536xf32, #tpu.memory_space<vmem>>[vector<16xi32>], vector<16xf32>,
        %max3A_725 = arith.maximumf %max3A_712, %gather3A_724 : vector<16xf32>
        %min3A_726 = arith.minimumf %max3A_712, %gather3A_724 : vector<16xf32>
        %max3A_727 = arith.maximumf %max3A_714, %min3A_726 : vector<16xf32>
        %min3A_728 = arith.minimumf %max3A_714, %min3A_726 : vector<16xf32>
        %max3A_729 = arith.maximumf %max3A_716, %min3A_728 : vector<16xf32>
        %min3A_730 = arith.minimumf %max3A_716, %min3A_728 : vector<16xf32>
        %max3A_731 = arith.maximumf %max3A_718, %min3A_730 : vector<16xf32>
        %min3A_732 = arith.minimumf %max3A_718, %min3A_730 : vector<16xf32>
        %max3A_733 = arith.maximumf %max3A_720, %min3A_732 : vector<16xf32>
        %add3A_734 = arith.constant 32 : i32
        %add3A_735 = vector.broadcast %add3A_734 : i32 to vector<16xi32>
        %add3A_736 = arith.addi %add3A_707, %add3A_735 : vector<16xi32>
        %gather3A_737 = tpu.vector_load_idx %arg5[%add3A_736] : memref<65536xf32, #tpu.memory_space<vmem>>[vector<16xi32>], vector<16xf32>,
        %max3A_738 = arith.maximumf %max3A_725, %gather3A_737 : vector<16xf32>
        %min3A_739 = arith.minimumf %max3A_725, %gather3A_737 : vector<16xf32>
        %max3A_740 = arith.maximumf %max3A_727, %min3A_739 : vector<16xf32>
        %min3A_741 = arith.minimumf %max3A_727, %min3A_739 : vector<16xf32>
        %max3A_742 = arith.maximumf %max3A_729, %min3A_741 : vector<16xf32>
        %min3A_743 = arith.minimumf %max3A_729, %min3A_741 : vector<16xf32>
        %max3A_744 = arith.maximumf %max3A_731, %min3A_743 : vector<16xf32>
        %min3A_745 = arith.minimumf %max3A_731, %min3A_743 : vector<16xf32>
        %max3A_746 = arith.maximumf %max3A_733, %min3A_745 : vector<16xf32>
        %add3A_747 = arith.constant 48 : i32
        %add3A_748 = vector.broadcast %add3A_747 : i32 to vector<16xi32>
        %add3A_749 = arith.addi %add3A_707, %add3A_748 : vector<16xi32>
        %gather3A_750 = tpu.vector_load_idx %arg5[%add3A_749] : memref<65536xf32, #tpu.memory_space<vmem>>[vector<16xi32>], vector<16xf32>,
        %max3A_751 = arith.maximumf %max3A_738, %gather3A_750 : vector<16xf32>
        %min3A_752 = arith.minimumf %max3A_738, %gather3A_750 : vector<16xf32>
        %max3A_753 = arith.maximumf %max3A_740, %min3A_752 : vector<16xf32>
        %min3A_754 = arith.minimumf %max3A_740, %min3A_752 : vector<16xf32>
        %max3A_755 = arith.maximumf %max3A_742, %min3A_754 : vector<16xf32>
        %min3A_756 = arith.minimumf %max3A_742, %min3A_754 : vector<16xf32>
        %max3A_757 = arith.maximumf %max3A_744, %min3A_756 : vector<16xf32>
        %min3A_758 = arith.minimumf %max3A_744, %min3A_756 : vector<16xf32>
        %max3A_759 = arith.maximumf %max3A_746, %min3A_758 : vector<16xf32>
        %add3A_760 = arith.constant 64 : i32
        %add3A_761 = vector.broadcast %add3A_760 : i32 to vector<16xi32>
        %add3A_762 = arith.addi %add3A_707, %add3A_761 : vector<16xi32>
        %gather3A_763 = tpu.vector_load_idx %arg5[%add3A_762] : memref<65536xf32, #tpu.memory_space<vmem>>[vector<16xi32>], vector<16xf32>,
        %max3A_764 = arith.maximumf %max3A_751, %gather3A_763 : vector<16xf32>
        %min3A_765 = arith.minimumf %max3A_751, %gather3A_763 : vector<16xf32>
        %max3A_766 = arith.maximumf %max3A_753, %min3A_765 : vector<16xf32>
        %min3A_767 = arith.minimumf %max3A_753, %min3A_765 : vector<16xf32>
        %max3A_768 = arith.maximumf %max3A_755, %min3A_767 : vector<16xf32>
        %min3A_769 = arith.minimumf %max3A_755, %min3A_767 : vector<16xf32>
        %max3A_770 = arith.maximumf %max3A_757, %min3A_769 : vector<16xf32>
        %min3A_771 = arith.minimumf %max3A_757, %min3A_769 : vector<16xf32>
        %max3A_772 = arith.maximumf %max3A_759, %min3A_771 : vector<16xf32>
        %add3A_773 = arith.constant 80 : i32
        %add3A_774 = vector.broadcast %add3A_773 : i32 to vector<16xi32>
        %add3A_775 = arith.addi %add3A_707, %add3A_774 : vector<16xi32>
        %gather3A_776 = tpu.vector_load_idx %arg5[%add3A_775] : memref<65536xf32, #tpu.memory_space<vmem>>[vector<16xi32>], vector<16xf32>,
        %max3A_777 = arith.maximumf %max3A_764, %gather3A_776 : vector<16xf32>
        %min3A_778 = arith.minimumf %max3A_764, %gather3A_776 : vector<16xf32>
        %max3A_779 = arith.maximumf %max3A_766, %min3A_778 : vector<16xf32>
        %min3A_780 = arith.minimumf %max3A_766, %min3A_778 : vector<16xf32>
        %max3A_781 = arith.maximumf %max3A_768, %min3A_780 : vector<16xf32>
        %min3A_782 = arith.minimumf %max3A_768, %min3A_780 : vector<16xf32>
        %max3A_783 = arith.maximumf %max3A_770, %min3A_782 : vector<16xf32>
        %min3A_784 = arith.minimumf %max3A_770, %min3A_782 : vector<16xf32>
        %max3A_785 = arith.maximumf %max3A_772, %min3A_784 : vector<16xf32>
        %add3A_786 = arith.constant 96 : i32
        %add3A_787 = vector.broadcast %add3A_786 : i32 to vector<16xi32>
        %add3A_788 = arith.addi %add3A_707, %add3A_787 : vector<16xi32>
        %gather3A_789 = tpu.vector_load_idx %arg5[%add3A_788] : memref<65536xf32, #tpu.memory_space<vmem>>[vector<16xi32>], vector<16xf32>,
        %max3A_790 = arith.maximumf %max3A_777, %gather3A_789 : vector<16xf32>
        %min3A_791 = arith.minimumf %max3A_777, %gather3A_789 : vector<16xf32>
        %max3A_792 = arith.maximumf %max3A_779, %min3A_791 : vector<16xf32>
        %min3A_793 = arith.minimumf %max3A_779, %min3A_791 : vector<16xf32>
        %max3A_794 = arith.maximumf %max3A_781, %min3A_793 : vector<16xf32>
        %min3A_795 = arith.minimumf %max3A_781, %min3A_793 : vector<16xf32>
        %max3A_796 = arith.maximumf %max3A_783, %min3A_795 : vector<16xf32>
        %min3A_797 = arith.minimumf %max3A_783, %min3A_795 : vector<16xf32>
        %max3A_798 = arith.maximumf %max3A_785, %min3A_797 : vector<16xf32>
        %add3A_799 = arith.constant 112 : i32
        %add3A_800 = vector.broadcast %add3A_799 : i32 to vector<16xi32>
        %add3A_801 = arith.addi %add3A_707, %add3A_800 : vector<16xi32>
        %gather3A_802 = tpu.vector_load_idx %arg5[%add3A_801] : memref<65536xf32, #tpu.memory_space<vmem>>[vector<16xi32>], vector<16xf32>,
        %max3A_803 = arith.maximumf %max3A_790, %gather3A_802 : vector<16xf32>
        %min3A_804 = arith.minimumf %max3A_790, %gather3A_802 : vector<16xf32>
        %max3A_805 = arith.maximumf %max3A_792, %min3A_804 : vector<16xf32>
        %min3A_806 = arith.minimumf %max3A_792, %min3A_804 : vector<16xf32>
        %max3A_807 = arith.maximumf %max3A_794, %min3A_806 : vector<16xf32>
        %min3A_808 = arith.minimumf %max3A_794, %min3A_806 : vector<16xf32>
        %max3A_809 = arith.maximumf %max3A_796, %min3A_808 : vector<16xf32>
        %min3A_810 = arith.minimumf %max3A_796, %min3A_808 : vector<16xf32>
        %max3A_811 = arith.maximumf %max3A_798, %min3A_810 : vector<16xf32>
        %add3A_812 = arith.constant 128 : i32
        %add3A_813 = vector.broadcast %add3A_812 : i32 to vector<16xi32>
        %add3A_814 = arith.addi %add3A_707, %add3A_813 : vector<16xi32>
        %gather3A_815 = tpu.vector_load_idx %arg5[%add3A_814] : memref<65536xf32, #tpu.memory_space<vmem>>[vector<16xi32>], vector<16xf32>,
        %max3A_816 = arith.maximumf %max3A_803, %gather3A_815 : vector<16xf32>
        %min3A_817 = arith.minimumf %max3A_803, %gather3A_815 : vector<16xf32>
        %max3A_818 = arith.maximumf %max3A_805, %min3A_817 : vector<16xf32>
        %min3A_819 = arith.minimumf %max3A_805, %min3A_817 : vector<16xf32>
        %max3A_820 = arith.maximumf %max3A_807, %min3A_819 : vector<16xf32>
        %min3A_821 = arith.minimumf %max3A_807, %min3A_819 : vector<16xf32>
        %max3A_822 = arith.maximumf %max3A_809, %min3A_821 : vector<16xf32>
        %min3A_823 = arith.minimumf %max3A_809, %min3A_821 : vector<16xf32>
        %max3A_824 = arith.maximumf %max3A_811, %min3A_823 : vector<16xf32>
        %add3A_825 = arith.constant 144 : i32
        %add3A_826 = vector.broadcast %add3A_825 : i32 to vector<16xi32>
        %add3A_827 = arith.addi %add3A_707, %add3A_826 : vector<16xi32>
        %gather3A_828 = tpu.vector_load_idx %arg5[%add3A_827] : memref<65536xf32, #tpu.memory_space<vmem>>[vector<16xi32>], vector<16xf32>,
        %max3A_829 = arith.maximumf %max3A_816, %gather3A_828 : vector<16xf32>
        %min3A_830 = arith.minimumf %max3A_816, %gather3A_828 : vector<16xf32>
        %max3A_831 = arith.maximumf %max3A_818, %min3A_830 : vector<16xf32>
        %min3A_832 = arith.minimumf %max3A_818, %min3A_830 : vector<16xf32>
        %max3A_833 = arith.maximumf %max3A_820, %min3A_832 : vector<16xf32>
        %min3A_834 = arith.minimumf %max3A_820, %min3A_832 : vector<16xf32>
        %max3A_835 = arith.maximumf %max3A_822, %min3A_834 : vector<16xf32>
        %min3A_836 = arith.minimumf %max3A_822, %min3A_834 : vector<16xf32>
        %max3A_837 = arith.maximumf %max3A_824, %min3A_836 : vector<16xf32>
        %add3A_838 = arith.constant 160 : i32
        %add3A_839 = vector.broadcast %add3A_838 : i32 to vector<16xi32>
        %add3A_840 = arith.addi %add3A_707, %add3A_839 : vector<16xi32>
        %gather3A_841 = tpu.vector_load_idx %arg5[%add3A_840] : memref<65536xf32, #tpu.memory_space<vmem>>[vector<16xi32>], vector<16xf32>,
        %max3A_842 = arith.maximumf %max3A_829, %gather3A_841 : vector<16xf32>
        %min3A_843 = arith.minimumf %max3A_829, %gather3A_841 : vector<16xf32>
        %max3A_844 = arith.maximumf %max3A_831, %min3A_843 : vector<16xf32>
        %min3A_845 = arith.minimumf %max3A_831, %min3A_843 : vector<16xf32>
        %max3A_846 = arith.maximumf %max3A_833, %min3A_845 : vector<16xf32>
        %min3A_847 = arith.minimumf %max3A_833, %min3A_845 : vector<16xf32>
        %max3A_848 = arith.maximumf %max3A_835, %min3A_847 : vector<16xf32>
        %min3A_849 = arith.minimumf %max3A_835, %min3A_847 : vector<16xf32>
        %max3A_850 = arith.maximumf %max3A_837, %min3A_849 : vector<16xf32>
        %add3A_851 = arith.constant 176 : i32
        %add3A_852 = vector.broadcast %add3A_851 : i32 to vector<16xi32>
        %add3A_853 = arith.addi %add3A_707, %add3A_852 : vector<16xi32>
        %gather3A_854 = tpu.vector_load_idx %arg5[%add3A_853] : memref<65536xf32, #tpu.memory_space<vmem>>[vector<16xi32>], vector<16xf32>,
        %max3A_855 = arith.maximumf %max3A_842, %gather3A_854 : vector<16xf32>
        %min3A_856 = arith.minimumf %max3A_842, %gather3A_854 : vector<16xf32>
        %max3A_857 = arith.maximumf %max3A_844, %min3A_856 : vector<16xf32>
        %min3A_858 = arith.minimumf %max3A_844, %min3A_856 : vector<16xf32>
        %max3A_859 = arith.maximumf %max3A_846, %min3A_858 : vector<16xf32>
        %min3A_860 = arith.minimumf %max3A_846, %min3A_858 : vector<16xf32>
        %max3A_861 = arith.maximumf %max3A_848, %min3A_860 : vector<16xf32>
        %min3A_862 = arith.minimumf %max3A_848, %min3A_860 : vector<16xf32>
        %max3A_863 = arith.maximumf %max3A_850, %min3A_862 : vector<16xf32>
        %add3A_864 = arith.constant 192 : i32
        %add3A_865 = vector.broadcast %add3A_864 : i32 to vector<16xi32>
        %add3A_866 = arith.addi %add3A_707, %add3A_865 : vector<16xi32>
        %gather3A_867 = tpu.vector_load_idx %arg5[%add3A_866] : memref<65536xf32, #tpu.memory_space<vmem>>[vector<16xi32>], vector<16xf32>,
        %max3A_868 = arith.maximumf %max3A_855, %gather3A_867 : vector<16xf32>
        %min3A_869 = arith.minimumf %max3A_855, %gather3A_867 : vector<16xf32>
        %max3A_870 = arith.maximumf %max3A_857, %min3A_869 : vector<16xf32>
        %min3A_871 = arith.minimumf %max3A_857, %min3A_869 : vector<16xf32>
        %max3A_872 = arith.maximumf %max3A_859, %min3A_871 : vector<16xf32>
        %min3A_873 = arith.minimumf %max3A_859, %min3A_871 : vector<16xf32>
        %max3A_874 = arith.maximumf %max3A_861, %min3A_873 : vector<16xf32>
        %min3A_875 = arith.minimumf %max3A_861, %min3A_873 : vector<16xf32>
        %max3A_876 = arith.maximumf %max3A_863, %min3A_875 : vector<16xf32>
        %add3A_877 = arith.constant 208 : i32
        %add3A_878 = vector.broadcast %add3A_877 : i32 to vector<16xi32>
        %add3A_879 = arith.addi %add3A_707, %add3A_878 : vector<16xi32>
        %gather3A_880 = tpu.vector_load_idx %arg5[%add3A_879] : memref<65536xf32, #tpu.memory_space<vmem>>[vector<16xi32>], vector<16xf32>,
        %max3A_881 = arith.maximumf %max3A_868, %gather3A_880 : vector<16xf32>
        %min3A_882 = arith.minimumf %max3A_868, %gather3A_880 : vector<16xf32>
        %max3A_883 = arith.maximumf %max3A_870, %min3A_882 : vector<16xf32>
        %min3A_884 = arith.minimumf %max3A_870, %min3A_882 : vector<16xf32>
        %max3A_885 = arith.maximumf %max3A_872, %min3A_884 : vector<16xf32>
        %min3A_886 = arith.minimumf %max3A_872, %min3A_884 : vector<16xf32>
        %max3A_887 = arith.maximumf %max3A_874, %min3A_886 : vector<16xf32>
        %min3A_888 = arith.minimumf %max3A_874, %min3A_886 : vector<16xf32>
        %max3A_889 = arith.maximumf %max3A_876, %min3A_888 : vector<16xf32>
        %add3A_890 = arith.constant 224 : i32
        %add3A_891 = vector.broadcast %add3A_890 : i32 to vector<16xi32>
        %add3A_892 = arith.addi %add3A_707, %add3A_891 : vector<16xi32>
        %gather3A_893 = tpu.vector_load_idx %arg5[%add3A_892] : memref<65536xf32, #tpu.memory_space<vmem>>[vector<16xi32>], vector<16xf32>,
        %max3A_894 = arith.maximumf %max3A_881, %gather3A_893 : vector<16xf32>
        %min3A_895 = arith.minimumf %max3A_881, %gather3A_893 : vector<16xf32>
        %max3A_896 = arith.maximumf %max3A_883, %min3A_895 : vector<16xf32>
        %min3A_897 = arith.minimumf %max3A_883, %min3A_895 : vector<16xf32>
        %max3A_898 = arith.maximumf %max3A_885, %min3A_897 : vector<16xf32>
        %min3A_899 = arith.minimumf %max3A_885, %min3A_897 : vector<16xf32>
        %max3A_900 = arith.maximumf %max3A_887, %min3A_899 : vector<16xf32>
        %min3A_901 = arith.minimumf %max3A_887, %min3A_899 : vector<16xf32>
        %max3A_902 = arith.maximumf %max3A_889, %min3A_901 : vector<16xf32>
        %add3A_903 = arith.constant 240 : i32
        %add3A_904 = vector.broadcast %add3A_903 : i32 to vector<16xi32>
        %add3A_905 = arith.addi %add3A_707, %add3A_904 : vector<16xi32>
        %gather3A_906 = tpu.vector_load_idx %arg5[%add3A_905] : memref<65536xf32, #tpu.memory_space<vmem>>[vector<16xi32>], vector<16xf32>,
        %max3A_907 = arith.maximumf %max3A_894, %gather3A_906 : vector<16xf32>
        %min3A_908 = arith.minimumf %max3A_894, %gather3A_906 : vector<16xf32>
        %max3A_909 = arith.maximumf %max3A_896, %min3A_908 : vector<16xf32>
        %min3A_910 = arith.minimumf %max3A_896, %min3A_908 : vector<16xf32>
        %max3A_911 = arith.maximumf %max3A_898, %min3A_910 : vector<16xf32>
        %min3A_912 = arith.minimumf %max3A_898, %min3A_910 : vector<16xf32>
        %max3A_913 = arith.maximumf %max3A_900, %min3A_912 : vector<16xf32>
        %min3A_914 = arith.minimumf %max3A_900, %min3A_912 : vector<16xf32>
        %max3A_915 = arith.maximumf %max3A_902, %min3A_914 : vector<16xf32>
        scf.yield %max3A_907, %max3A_909, %max3A_911, %max3A_913, %max3A_915 : vector<16xf32>, vector<16xf32>, vector<16xf32>, vector<16xf32>, vector<16xf32>
      }
      %xor3A_496 = arith.constant 1 : i32
      %xor3A_497 = vector.broadcast %xor3A_496 : i32 to vector<16xi32>
      %xor3A_498 = arith.xori %iota3A, %xor3A_497 : vector<16xi32>
      %swap3A_499 = arith.constant 0 : index
      %swap3A_500 = tpu.vector_load %arg9[%swap3A_499] {strides = array<i32>} : memref<16xf32, #tpu.memory_space<vmem>>, vector<16xf32>,
      tpu.vector_store %arg9[%swap3A_499], %while3A_495#0 {strides = array<i32>} : memref<16xf32, #tpu.memory_space<vmem>>, vector<16xf32>,
      %gather3A_501 = tpu.vector_load_idx %arg9[%xor3A_498] : memref<16xf32, #tpu.memory_space<vmem>>[vector<16xi32>], vector<16xf32>,
      %swap3A_502 = arith.constant 0 : index
      %swap3A_503 = tpu.vector_load %arg9[%swap3A_502] {strides = array<i32>} : memref<16xf32, #tpu.memory_space<vmem>>, vector<16xf32>,
      tpu.vector_store %arg9[%swap3A_502], %while3A_495#1 {strides = array<i32>} : memref<16xf32, #tpu.memory_space<vmem>>, vector<16xf32>,
      %gather3A_504 = tpu.vector_load_idx %arg9[%xor3A_498] : memref<16xf32, #tpu.memory_space<vmem>>[vector<16xi32>], vector<16xf32>,
      %swap3A_505 = arith.constant 0 : index
      %swap3A_506 = tpu.vector_load %arg9[%swap3A_505] {strides = array<i32>} : memref<16xf32, #tpu.memory_space<vmem>>, vector<16xf32>,
      tpu.vector_store %arg9[%swap3A_505], %while3A_495#2 {strides = array<i32>} : memref<16xf32, #tpu.memory_space<vmem>>, vector<16xf32>,
      %gather3A_507 = tpu.vector_load_idx %arg9[%xor3A_498] : memref<16xf32, #tpu.memory_space<vmem>>[vector<16xi32>], vector<16xf32>,
      %swap3A_508 = arith.constant 0 : index
      %swap3A_509 = tpu.vector_load %arg9[%swap3A_508] {strides = array<i32>} : memref<16xf32, #tpu.memory_space<vmem>>, vector<16xf32>,
      tpu.vector_store %arg9[%swap3A_508], %while3A_495#3 {strides = array<i32>} : memref<16xf32, #tpu.memory_space<vmem>>, vector<16xf32>,
      %gather3A_510 = tpu.vector_load_idx %arg9[%xor3A_498] : memref<16xf32, #tpu.memory_space<vmem>>[vector<16xi32>], vector<16xf32>,
      %swap3A_511 = arith.constant 0 : index
      %swap3A_512 = tpu.vector_load %arg9[%swap3A_511] {strides = array<i32>} : memref<16xf32, #tpu.memory_space<vmem>>, vector<16xf32>,
      tpu.vector_store %arg9[%swap3A_511], %while3A_495#4 {strides = array<i32>} : memref<16xf32, #tpu.memory_space<vmem>>, vector<16xf32>,
      %gather3A_513 = tpu.vector_load_idx %arg9[%xor3A_498] : memref<16xf32, #tpu.memory_space<vmem>>[vector<16xi32>], vector<16xf32>,
      %max3A_514 = arith.maximumf %while3A_495#0, %gather3A_501 : vector<16xf32>
      %max3A_515 = arith.maximumf %while3A_495#1, %gather3A_504 : vector<16xf32>
      %min3A_516 = arith.minimumf %while3A_495#0, %gather3A_501 : vector<16xf32>
      %max3A_517 = arith.maximumf %max3A_515, %min3A_516 : vector<16xf32>
      %max3A_518 = arith.maximumf %while3A_495#2, %gather3A_507 : vector<16xf32>
      %min3A_519 = arith.minimumf %while3A_495#0, %gather3A_504 : vector<16xf32>
      %max3A_520 = arith.maximumf %max3A_518, %min3A_519 : vector<16xf32>
      %min3A_521 = arith.minimumf %while3A_495#1, %gather3A_501 : vector<16xf32>
      %max3A_522 = arith.maximumf %max3A_520, %min3A_521 : vector<16xf32>
      %max3A_523 = arith.maximumf %while3A_495#3, %gather3A_510 : vector<16xf32>
      %min3A_524 = arith.minimumf %while3A_495#0, %gather3A_507 : vector<16xf32>
      %max3A_525 = arith.maximumf %max3A_523, %min3A_524 : vector<16xf32>
      %min3A_526 = arith.minimumf %while3A_495#1, %gather3A_504 : vector<16xf32>
      %max3A_527 = arith.maximumf %max3A_525, %min3A_526 : vector<16xf32>
      %min3A_528 = arith.minimumf %while3A_495#2, %gather3A_501 : vector<16xf32>
      %max3A_529 = arith.maximumf %max3A_527, %min3A_528 : vector<16xf32>
      %max3A_530 = arith.maximumf %while3A_495#4, %gather3A_513 : vector<16xf32>
      %min3A_531 = arith.minimumf %while3A_495#0, %gather3A_510 : vector<16xf32>
      %max3A_532 = arith.maximumf %max3A_530, %min3A_531 : vector<16xf32>
      %min3A_533 = arith.minimumf %while3A_495#1, %gather3A_507 : vector<16xf32>
      %max3A_534 = arith.maximumf %max3A_532, %min3A_533 : vector<16xf32>
      %min3A_535 = arith.minimumf %while3A_495#2, %gather3A_504 : vector<16xf32>
      %max3A_536 = arith.maximumf %max3A_534, %min3A_535 : vector<16xf32>
      %min3A_537 = arith.minimumf %while3A_495#3, %gather3A_501 : vector<16xf32>
      %max3A_538 = arith.maximumf %max3A_536, %min3A_537 : vector<16xf32>
      %xor3A_539 = arith.constant 2 : i32
      %xor3A_540 = vector.broadcast %xor3A_539 : i32 to vector<16xi32>
      %xor3A_541 = arith.xori %iota3A, %xor3A_540 : vector<16xi32>
      %swap3A_542 = arith.constant 0 : index
      %swap3A_543 = tpu.vector_load %arg9[%swap3A_542] {strides = array<i32>} : memref<16xf32, #tpu.memory_space<vmem>>, vector<16xf32>,
      tpu.vector_store %arg9[%swap3A_542], %max3A_514 {strides = array<i32>} : memref<16xf32, #tpu.memory_space<vmem>>, vector<16xf32>,
      %gather3A_544 = tpu.vector_load_idx %arg9[%xor3A_541] : memref<16xf32, #tpu.memory_space<vmem>>[vector<16xi32>], vector<16xf32>,
      %swap3A_545 = arith.constant 0 : index
      %swap3A_546 = tpu.vector_load %arg9[%swap3A_545] {strides = array<i32>} : memref<16xf32, #tpu.memory_space<vmem>>, vector<16xf32>,
      tpu.vector_store %arg9[%swap3A_545], %max3A_517 {strides = array<i32>} : memref<16xf32, #tpu.memory_space<vmem>>, vector<16xf32>,
      %gather3A_547 = tpu.vector_load_idx %arg9[%xor3A_541] : memref<16xf32, #tpu.memory_space<vmem>>[vector<16xi32>], vector<16xf32>,
      %swap3A_548 = arith.constant 0 : index
      %swap3A_549 = tpu.vector_load %arg9[%swap3A_548] {strides = array<i32>} : memref<16xf32, #tpu.memory_space<vmem>>, vector<16xf32>,
      tpu.vector_store %arg9[%swap3A_548], %max3A_522 {strides = array<i32>} : memref<16xf32, #tpu.memory_space<vmem>>, vector<16xf32>,
      %gather3A_550 = tpu.vector_load_idx %arg9[%xor3A_541] : memref<16xf32, #tpu.memory_space<vmem>>[vector<16xi32>], vector<16xf32>,
      %swap3A_551 = arith.constant 0 : index
      %swap3A_552 = tpu.vector_load %arg9[%swap3A_551] {strides = array<i32>} : memref<16xf32, #tpu.memory_space<vmem>>, vector<16xf32>,
      tpu.vector_store %arg9[%swap3A_551], %max3A_529 {strides = array<i32>} : memref<16xf32, #tpu.memory_space<vmem>>, vector<16xf32>,
      %gather3A_553 = tpu.vector_load_idx %arg9[%xor3A_541] : memref<16xf32, #tpu.memory_space<vmem>>[vector<16xi32>], vector<16xf32>,
      %swap3A_554 = arith.constant 0 : index
      %swap3A_555 = tpu.vector_load %arg9[%swap3A_554] {strides = array<i32>} : memref<16xf32, #tpu.memory_space<vmem>>, vector<16xf32>,
      tpu.vector_store %arg9[%swap3A_554], %max3A_538 {strides = array<i32>} : memref<16xf32, #tpu.memory_space<vmem>>, vector<16xf32>,
      %gather3A_556 = tpu.vector_load_idx %arg9[%xor3A_541] : memref<16xf32, #tpu.memory_space<vmem>>[vector<16xi32>], vector<16xf32>,
      %max3A_557 = arith.maximumf %max3A_514, %gather3A_544 : vector<16xf32>
      %max3A_558 = arith.maximumf %max3A_517, %gather3A_547 : vector<16xf32>
      %min3A_559 = arith.minimumf %max3A_514, %gather3A_544 : vector<16xf32>
      %max3A_560 = arith.maximumf %max3A_558, %min3A_559 : vector<16xf32>
      %max3A_561 = arith.maximumf %max3A_522, %gather3A_550 : vector<16xf32>
      %min3A_562 = arith.minimumf %max3A_514, %gather3A_547 : vector<16xf32>
      %max3A_563 = arith.maximumf %max3A_561, %min3A_562 : vector<16xf32>
      %min3A_564 = arith.minimumf %max3A_517, %gather3A_544 : vector<16xf32>
      %max3A_565 = arith.maximumf %max3A_563, %min3A_564 : vector<16xf32>
      %max3A_566 = arith.maximumf %max3A_529, %gather3A_553 : vector<16xf32>
      %min3A_567 = arith.minimumf %max3A_514, %gather3A_550 : vector<16xf32>
      %max3A_568 = arith.maximumf %max3A_566, %min3A_567 : vector<16xf32>
      %min3A_569 = arith.minimumf %max3A_517, %gather3A_547 : vector<16xf32>
      %max3A_570 = arith.maximumf %max3A_568, %min3A_569 : vector<16xf32>
      %min3A_571 = arith.minimumf %max3A_522, %gather3A_544 : vector<16xf32>
      %max3A_572 = arith.maximumf %max3A_570, %min3A_571 : vector<16xf32>
      %max3A_573 = arith.maximumf %max3A_538, %gather3A_556 : vector<16xf32>
      %min3A_574 = arith.minimumf %max3A_514, %gather3A_553 : vector<16xf32>
      %max3A_575 = arith.maximumf %max3A_573, %min3A_574 : vector<16xf32>
      %min3A_576 = arith.minimumf %max3A_517, %gather3A_550 : vector<16xf32>
      %max3A_577 = arith.maximumf %max3A_575, %min3A_576 : vector<16xf32>
      %min3A_578 = arith.minimumf %max3A_522, %gather3A_547 : vector<16xf32>
      %max3A_579 = arith.maximumf %max3A_577, %min3A_578 : vector<16xf32>
      %min3A_580 = arith.minimumf %max3A_529, %gather3A_544 : vector<16xf32>
      %max3A_581 = arith.maximumf %max3A_579, %min3A_580 : vector<16xf32>
      %xor3A_582 = arith.constant 4 : i32
      %xor3A_583 = vector.broadcast %xor3A_582 : i32 to vector<16xi32>
      %xor3A_584 = arith.xori %iota3A, %xor3A_583 : vector<16xi32>
      %swap3A_585 = arith.constant 0 : index
      %swap3A_586 = tpu.vector_load %arg9[%swap3A_585] {strides = array<i32>} : memref<16xf32, #tpu.memory_space<vmem>>, vector<16xf32>,
      tpu.vector_store %arg9[%swap3A_585], %max3A_557 {strides = array<i32>} : memref<16xf32, #tpu.memory_space<vmem>>, vector<16xf32>,
      %gather3A_587 = tpu.vector_load_idx %arg9[%xor3A_584] : memref<16xf32, #tpu.memory_space<vmem>>[vector<16xi32>], vector<16xf32>,
      %swap3A_588 = arith.constant 0 : index
      %swap3A_589 = tpu.vector_load %arg9[%swap3A_588] {strides = array<i32>} : memref<16xf32, #tpu.memory_space<vmem>>, vector<16xf32>,
      tpu.vector_store %arg9[%swap3A_588], %max3A_560 {strides = array<i32>} : memref<16xf32, #tpu.memory_space<vmem>>, vector<16xf32>,
      %gather3A_590 = tpu.vector_load_idx %arg9[%xor3A_584] : memref<16xf32, #tpu.memory_space<vmem>>[vector<16xi32>], vector<16xf32>,
      %swap3A_591 = arith.constant 0 : index
      %swap3A_592 = tpu.vector_load %arg9[%swap3A_591] {strides = array<i32>} : memref<16xf32, #tpu.memory_space<vmem>>, vector<16xf32>,
      tpu.vector_store %arg9[%swap3A_591], %max3A_565 {strides = array<i32>} : memref<16xf32, #tpu.memory_space<vmem>>, vector<16xf32>,
      %gather3A_593 = tpu.vector_load_idx %arg9[%xor3A_584] : memref<16xf32, #tpu.memory_space<vmem>>[vector<16xi32>], vector<16xf32>,
      %swap3A_594 = arith.constant 0 : index
      %swap3A_595 = tpu.vector_load %arg9[%swap3A_594] {strides = array<i32>} : memref<16xf32, #tpu.memory_space<vmem>>, vector<16xf32>,
      tpu.vector_store %arg9[%swap3A_594], %max3A_572 {strides = array<i32>} : memref<16xf32, #tpu.memory_space<vmem>>, vector<16xf32>,
      %gather3A_596 = tpu.vector_load_idx %arg9[%xor3A_584] : memref<16xf32, #tpu.memory_space<vmem>>[vector<16xi32>], vector<16xf32>,
      %swap3A_597 = arith.constant 0 : index
      %swap3A_598 = tpu.vector_load %arg9[%swap3A_597] {strides = array<i32>} : memref<16xf32, #tpu.memory_space<vmem>>, vector<16xf32>,
      tpu.vector_store %arg9[%swap3A_597], %max3A_581 {strides = array<i32>} : memref<16xf32, #tpu.memory_space<vmem>>, vector<16xf32>,
      %gather3A_599 = tpu.vector_load_idx %arg9[%xor3A_584] : memref<16xf32, #tpu.memory_space<vmem>>[vector<16xi32>], vector<16xf32>,
      %max3A_600 = arith.maximumf %max3A_557, %gather3A_587 : vector<16xf32>
      %max3A_601 = arith.maximumf %max3A_560, %gather3A_590 : vector<16xf32>
      %min3A_602 = arith.minimumf %max3A_557, %gather3A_587 : vector<16xf32>
      %max3A_603 = arith.maximumf %max3A_601, %min3A_602 : vector<16xf32>
      %max3A_604 = arith.maximumf %max3A_565, %gather3A_593 : vector<16xf32>
      %min3A_605 = arith.minimumf %max3A_557, %gather3A_590 : vector<16xf32>
      %max3A_606 = arith.maximumf %max3A_604, %min3A_605 : vector<16xf32>
      %min3A_607 = arith.minimumf %max3A_560, %gather3A_587 : vector<16xf32>
      %max3A_608 = arith.maximumf %max3A_606, %min3A_607 : vector<16xf32>
      %max3A_609 = arith.maximumf %max3A_572, %gather3A_596 : vector<16xf32>
      %min3A_610 = arith.minimumf %max3A_557, %gather3A_593 : vector<16xf32>
      %max3A_611 = arith.maximumf %max3A_609, %min3A_610 : vector<16xf32>
      %min3A_612 = arith.minimumf %max3A_560, %gather3A_590 : vector<16xf32>
      %max3A_613 = arith.maximumf %max3A_611, %min3A_612 : vector<16xf32>
      %min3A_614 = arith.minimumf %max3A_565, %gather3A_587 : vector<16xf32>
      %max3A_615 = arith.maximumf %max3A_613, %min3A_614 : vector<16xf32>
      %max3A_616 = arith.maximumf %max3A_581, %gather3A_599 : vector<16xf32>
      %min3A_617 = arith.minimumf %max3A_557, %gather3A_596 : vector<16xf32>
      %max3A_618 = arith.maximumf %max3A_616, %min3A_617 : vector<16xf32>
      %min3A_619 = arith.minimumf %max3A_560, %gather3A_593 : vector<16xf32>
      %max3A_620 = arith.maximumf %max3A_618, %min3A_619 : vector<16xf32>
      %min3A_621 = arith.minimumf %max3A_565, %gather3A_590 : vector<16xf32>
      %max3A_622 = arith.maximumf %max3A_620, %min3A_621 : vector<16xf32>
      %min3A_623 = arith.minimumf %max3A_572, %gather3A_587 : vector<16xf32>
      %max3A_624 = arith.maximumf %max3A_622, %min3A_623 : vector<16xf32>
      %xor3A_625 = arith.constant 8 : i32
      %xor3A_626 = vector.broadcast %xor3A_625 : i32 to vector<16xi32>
      %xor3A_627 = arith.xori %iota3A, %xor3A_626 : vector<16xi32>
      %swap3A_628 = arith.constant 0 : index
      %swap3A_629 = tpu.vector_load %arg9[%swap3A_628] {strides = array<i32>} : memref<16xf32, #tpu.memory_space<vmem>>, vector<16xf32>,
      tpu.vector_store %arg9[%swap3A_628], %max3A_600 {strides = array<i32>} : memref<16xf32, #tpu.memory_space<vmem>>, vector<16xf32>,
      %gather3A_630 = tpu.vector_load_idx %arg9[%xor3A_627] : memref<16xf32, #tpu.memory_space<vmem>>[vector<16xi32>], vector<16xf32>,
      %swap3A_631 = arith.constant 0 : index
      %swap3A_632 = tpu.vector_load %arg9[%swap3A_631] {strides = array<i32>} : memref<16xf32, #tpu.memory_space<vmem>>, vector<16xf32>,
      tpu.vector_store %arg9[%swap3A_631], %max3A_603 {strides = array<i32>} : memref<16xf32, #tpu.memory_space<vmem>>, vector<16xf32>,
      %gather3A_633 = tpu.vector_load_idx %arg9[%xor3A_627] : memref<16xf32, #tpu.memory_space<vmem>>[vector<16xi32>], vector<16xf32>,
      %swap3A_634 = arith.constant 0 : index
      %swap3A_635 = tpu.vector_load %arg9[%swap3A_634] {strides = array<i32>} : memref<16xf32, #tpu.memory_space<vmem>>, vector<16xf32>,
      tpu.vector_store %arg9[%swap3A_634], %max3A_608 {strides = array<i32>} : memref<16xf32, #tpu.memory_space<vmem>>, vector<16xf32>,
      %gather3A_636 = tpu.vector_load_idx %arg9[%xor3A_627] : memref<16xf32, #tpu.memory_space<vmem>>[vector<16xi32>], vector<16xf32>,
      %swap3A_637 = arith.constant 0 : index
      %swap3A_638 = tpu.vector_load %arg9[%swap3A_637] {strides = array<i32>} : memref<16xf32, #tpu.memory_space<vmem>>, vector<16xf32>,
      tpu.vector_store %arg9[%swap3A_637], %max3A_615 {strides = array<i32>} : memref<16xf32, #tpu.memory_space<vmem>>, vector<16xf32>,
      %gather3A_639 = tpu.vector_load_idx %arg9[%xor3A_627] : memref<16xf32, #tpu.memory_space<vmem>>[vector<16xi32>], vector<16xf32>,
      %swap3A_640 = arith.constant 0 : index
      %swap3A_641 = tpu.vector_load %arg9[%swap3A_640] {strides = array<i32>} : memref<16xf32, #tpu.memory_space<vmem>>, vector<16xf32>,
      tpu.vector_store %arg9[%swap3A_640], %max3A_624 {strides = array<i32>} : memref<16xf32, #tpu.memory_space<vmem>>, vector<16xf32>,
      %gather3A_642 = tpu.vector_load_idx %arg9[%xor3A_627] : memref<16xf32, #tpu.memory_space<vmem>>[vector<16xi32>], vector<16xf32>,
      %max3A_643 = arith.maximumf %max3A_600, %gather3A_630 : vector<16xf32>
      %max3A_644 = arith.maximumf %max3A_603, %gather3A_633 : vector<16xf32>
      %min3A_645 = arith.minimumf %max3A_600, %gather3A_630 : vector<16xf32>
      %max3A_646 = arith.maximumf %max3A_644, %min3A_645 : vector<16xf32>
      %max3A_647 = arith.maximumf %max3A_608, %gather3A_636 : vector<16xf32>
      %min3A_648 = arith.minimumf %max3A_600, %gather3A_633 : vector<16xf32>
      %max3A_649 = arith.maximumf %max3A_647, %min3A_648 : vector<16xf32>
      %min3A_650 = arith.minimumf %max3A_603, %gather3A_630 : vector<16xf32>
      %max3A_651 = arith.maximumf %max3A_649, %min3A_650 : vector<16xf32>
      %max3A_652 = arith.maximumf %max3A_615, %gather3A_639 : vector<16xf32>
      %min3A_653 = arith.minimumf %max3A_600, %gather3A_636 : vector<16xf32>
      %max3A_654 = arith.maximumf %max3A_652, %min3A_653 : vector<16xf32>
      %min3A_655 = arith.minimumf %max3A_603, %gather3A_633 : vector<16xf32>
      %max3A_656 = arith.maximumf %max3A_654, %min3A_655 : vector<16xf32>
      %min3A_657 = arith.minimumf %max3A_608, %gather3A_630 : vector<16xf32>
      %max3A_658 = arith.maximumf %max3A_656, %min3A_657 : vector<16xf32>
      %max3A_659 = arith.maximumf %max3A_624, %gather3A_642 : vector<16xf32>
      %min3A_660 = arith.minimumf %max3A_600, %gather3A_639 : vector<16xf32>
      %max3A_661 = arith.maximumf %max3A_659, %min3A_660 : vector<16xf32>
      %min3A_662 = arith.minimumf %max3A_603, %gather3A_636 : vector<16xf32>
      %max3A_663 = arith.maximumf %max3A_661, %min3A_662 : vector<16xf32>
      %min3A_664 = arith.minimumf %max3A_608, %gather3A_633 : vector<16xf32>
      %max3A_665 = arith.maximumf %max3A_663, %min3A_664 : vector<16xf32>
      %min3A_666 = arith.minimumf %max3A_615, %gather3A_630 : vector<16xf32>
      %max3A_667 = arith.maximumf %max3A_665, %min3A_666 : vector<16xf32>
      %lt3A_668 = arith.constant 2 : i32
      %lt3A_669 = arith.cmpi slt, %scan3A_257, %lt3A_668 : i32
      %eq3A_670 = arith.constant 0 : i32
      %eq3A_671 = arith.cmpi eq, %select_n3A_271, %eq3A_670 : i32
      %and3A_672 = arith.andi %lt3A_669, %eq3A_671 : i1
      %convert_element_type3A_673 = arith.extui %and3A_672 : i1 to i32
      %cond3A_674 = arith.constant 0 : i32
      %cond3A_675 = arith.cmpi ne, %convert_element_type3A_673, %cond3A_674 : i32
      scf.if %cond3A_675 {
        %add3A_691 = arith.addi %mul3A_2, %scan3A_257 : i32
        %add3A_692 = arith.constant 2 : i32
        %add3A_693 = arith.addi %add3A_691, %add3A_692 : i32
        %dma_start3A_694 = arith.constant 0 : i32
        %dma_start3A_695 = tpu.memref_slice %arg5[%dma_start3A_694] : memref<65536xf32, #tpu.memory_space<vmem>> -> memref<32768xf32, #tpu.memory_space<vmem>>
        %dma_start3A_696 = arith.constant 0 : i32
        %dma_start3A_697 = tpu.memref_slice %arg2[%add3A_693, %dma_start3A_696] : memref<128x32768xf32, #tpu.memory_space<hbm>> -> memref<1x32768xf32, #tpu.memory_space<hbm>>
        %dma_start3A_698 = tpu.memref_squeeze %dma_start3A_697 : memref<1x32768xf32, #tpu.memory_space<hbm>> -> memref<32768xf32, #tpu.memory_space<hbm>>
        %dma_start3A_699 = arith.constant 0 : i32
        %dma_start3A_700 = tpu.memref_slice %arg5[%dma_start3A_699] : memref<65536xf32, #tpu.memory_space<vmem>> -> memref<32768xf32, #tpu.memory_space<vmem>>
        %dma_start3A_701 = arith.constant 0 : i32
        %dma_start3A_702 = tpu.memref_slice %arg2[%add3A_693, %dma_start3A_701] : memref<128x32768xf32, #tpu.memory_space<hbm>> -> memref<1x32768xf32, #tpu.memory_space<hbm>>
        %dma_start3A_703 = tpu.memref_squeeze %dma_start3A_702 : memref<1x32768xf32, #tpu.memory_space<hbm>> -> memref<32768xf32, #tpu.memory_space<hbm>>
        tpu.enqueue_dma source(%dma_start3A_703 : memref<32768xf32, #tpu.memory_space<hbm>>) target(%dma_start3A_700 : memref<32768xf32, #tpu.memory_space<vmem>>) target_semaphore(%arg12 : memref<!tpu.dma_semaphore, #tpu.memory_space<semaphore_mem>>)
      } else {
      }
      %lt3A_676 = arith.constant 2 : i32
      %lt3A_677 = arith.cmpi slt, %scan3A_257, %lt3A_676 : i32
      %eq3A_678 = arith.constant 1 : i32
      %eq3A_679 = arith.cmpi eq, %select_n3A_271, %eq3A_678 : i32
      %and3A_680 = arith.andi %lt3A_677, %eq3A_679 : i1
      %convert_element_type3A_681 = arith.extui %and3A_680 : i1 to i32
      %cond3A_682 = arith.constant 0 : i32
      %cond3A_683 = arith.cmpi ne, %convert_element_type3A_681, %cond3A_682 : i32
      scf.if %cond3A_683 {
        %add3A_691 = arith.addi %mul3A_2, %scan3A_257 : i32
        %add3A_692 = arith.constant 2 : i32
        %add3A_693 = arith.addi %add3A_691, %add3A_692 : i32
        %dma_start3A_694 = arith.constant 32768 : i32
        %dma_start3A_695 = tpu.memref_slice %arg5[%dma_start3A_694] : memref<65536xf32, #tpu.memory_space<vmem>> -> memref<32768xf32, #tpu.memory_space<vmem>>
        %dma_start3A_696 = arith.constant 0 : i32
        %dma_start3A_697 = tpu.memref_slice %arg2[%add3A_693, %dma_start3A_696] : memref<128x32768xf32, #tpu.memory_space<hbm>> -> memref<1x32768xf32, #tpu.memory_space<hbm>>
        %dma_start3A_698 = tpu.memref_squeeze %dma_start3A_697 : memref<1x32768xf32, #tpu.memory_space<hbm>> -> memref<32768xf32, #tpu.memory_space<hbm>>
        %dma_start3A_699 = arith.constant 32768 : i32
        %dma_start3A_700 = tpu.memref_slice %arg5[%dma_start3A_699] : memref<65536xf32, #tpu.memory_space<vmem>> -> memref<32768xf32, #tpu.memory_space<vmem>>
        %dma_start3A_701 = arith.constant 0 : i32
        %dma_start3A_702 = tpu.memref_slice %arg2[%add3A_693, %dma_start3A_701] : memref<128x32768xf32, #tpu.memory_space<hbm>> -> memref<1x32768xf32, #tpu.memory_space<hbm>>
        %dma_start3A_703 = tpu.memref_squeeze %dma_start3A_702 : memref<1x32768xf32, #tpu.memory_space<hbm>> -> memref<32768xf32, #tpu.memory_space<hbm>>
        tpu.enqueue_dma source(%dma_start3A_703 : memref<32768xf32, #tpu.memory_space<hbm>>) target(%dma_start3A_700 : memref<32768xf32, #tpu.memory_space<vmem>>) target_semaphore(%arg13 : memref<!tpu.dma_semaphore, #tpu.memory_space<semaphore_mem>>)
      } else {
      }
      %eq3A_684 = vector.broadcast %scan3A_257 : i32 to vector<16xi32>
      %eq3A_685 = arith.cmpi eq, %iota3A, %eq3A_684 : vector<16xi32>
      %select_n3A_686 = arith.select %eq3A_685, %max3A_643, %scan3A_258 : vector<16xi1>, vector<16xf32>
      %select_n3A_687 = arith.select %eq3A_685, %max3A_646, %scan3A_259 : vector<16xi1>, vector<16xf32>
      %select_n3A_688 = arith.select %eq3A_685, %max3A_651, %scan3A_260 : vector<16xi1>, vector<16xf32>
      %select_n3A_689 = arith.select %eq3A_685, %max3A_658, %scan3A_261 : vector<16xi1>, vector<16xf32>
      %select_n3A_690 = arith.select %eq3A_685, %max3A_667, %scan3A_262 : vector<16xi1>, vector<16xf32>
      scf.yield %select_n3A_686, %select_n3A_687, %select_n3A_688, %select_n3A_689, %select_n3A_690 : vector<16xf32>, vector<16xf32>, vector<16xf32>, vector<16xf32>, vector<16xf32>
    }
    %scan3A_31 = arith.constant 4 : i32
    %get3A = arith.constant 25 : i32
    %get3A_32 = arith.index_cast %get3A : i32 to index
    %get3A_33 = arith.constant 0 : index
    %get3A_34 = tpu.vector_load %arg10[%get3A_32, %get3A_33] {strides = array<i32>} : memref<36x16xf32, #tpu.memory_space<vmem>>, vector<16xf32>,
    %get3A_35 = arith.constant 0 : i32
    %get3A_36 = arith.index_cast %get3A_35 : i32 to index
    %get3A_37 = arith.constant 0 : index
    %get3A_38 = tpu.vector_load %arg10[%get3A_36, %get3A_37] {strides = array<i32>} : memref<36x16xf32, #tpu.memory_space<vmem>>, vector<16xf32>,
    %mul3A_39 = arith.mulf %get3A_38, %scan3A_30#0 : vector<16xf32>
    %add3A_40 = arith.addf %get3A_34, %mul3A_39 : vector<16xf32>
    %get3A_41 = arith.constant 1 : i32
    %get3A_42 = arith.index_cast %get3A_41 : i32 to index
    %get3A_43 = arith.constant 0 : index
    %get3A_44 = tpu.vector_load %arg10[%get3A_42, %get3A_43] {strides = array<i32>} : memref<36x16xf32, #tpu.memory_space<vmem>>, vector<16xf32>,
    %mul3A_45 = arith.mulf %get3A_44, %scan3A_30#1 : vector<16xf32>
    %add3A_46 = arith.addf %add3A_40, %mul3A_45 : vector<16xf32>
    %get3A_47 = arith.constant 2 : i32
    %get3A_48 = arith.index_cast %get3A_47 : i32 to index
    %get3A_49 = arith.constant 0 : index
    %get3A_50 = tpu.vector_load %arg10[%get3A_48, %get3A_49] {strides = array<i32>} : memref<36x16xf32, #tpu.memory_space<vmem>>, vector<16xf32>,
    %mul3A_51 = arith.mulf %get3A_50, %scan3A_30#2 : vector<16xf32>
    %add3A_52 = arith.addf %add3A_46, %mul3A_51 : vector<16xf32>
    %get3A_53 = arith.constant 3 : i32
    %get3A_54 = arith.index_cast %get3A_53 : i32 to index
    %get3A_55 = arith.constant 0 : index
    %get3A_56 = tpu.vector_load %arg10[%get3A_54, %get3A_55] {strides = array<i32>} : memref<36x16xf32, #tpu.memory_space<vmem>>, vector<16xf32>,
    %mul3A_57 = arith.mulf %get3A_56, %scan3A_30#3 : vector<16xf32>
    %add3A_58 = arith.addf %add3A_52, %mul3A_57 : vector<16xf32>
    %get3A_59 = arith.constant 4 : i32
    %get3A_60 = arith.index_cast %get3A_59 : i32 to index
    %get3A_61 = arith.constant 0 : index
    %get3A_62 = tpu.vector_load %arg10[%get3A_60, %get3A_61] {strides = array<i32>} : memref<36x16xf32, #tpu.memory_space<vmem>>, vector<16xf32>,
    %mul3A_63 = arith.mulf %get3A_62, %scan3A_30#4 : vector<16xf32>
    %add3A_64 = arith.addf %add3A_58, %mul3A_63 : vector<16xf32>
    %max3A = arith.constant 0.000000e+00 : f32
    %max3A_65 = vector.broadcast %max3A : f32 to vector<16xf32>
    %max3A_66 = arith.maximumf %add3A_64, %max3A_65 : vector<16xf32>
    %get3A_67 = arith.constant 26 : i32
    %get3A_68 = arith.index_cast %get3A_67 : i32 to index
    %get3A_69 = arith.constant 0 : index
    %get3A_70 = tpu.vector_load %arg10[%get3A_68, %get3A_69] {strides = array<i32>} : memref<36x16xf32, #tpu.memory_space<vmem>>, vector<16xf32>,
    %get3A_71 = arith.constant 5 : i32
    %get3A_72 = arith.index_cast %get3A_71 : i32 to index
    %get3A_73 = arith.constant 0 : index
    %get3A_74 = tpu.vector_load %arg10[%get3A_72, %get3A_73] {strides = array<i32>} : memref<36x16xf32, #tpu.memory_space<vmem>>, vector<16xf32>,
    %mul3A_75 = arith.mulf %get3A_74, %scan3A_30#0 : vector<16xf32>
    %add3A_76 = arith.addf %get3A_70, %mul3A_75 : vector<16xf32>
    %get3A_77 = arith.constant 6 : i32
    %get3A_78 = arith.index_cast %get3A_77 : i32 to index
    %get3A_79 = arith.constant 0 : index
    %get3A_80 = tpu.vector_load %arg10[%get3A_78, %get3A_79] {strides = array<i32>} : memref<36x16xf32, #tpu.memory_space<vmem>>, vector<16xf32>,
    %mul3A_81 = arith.mulf %get3A_80, %scan3A_30#1 : vector<16xf32>
    %add3A_82 = arith.addf %add3A_76, %mul3A_81 : vector<16xf32>
    %get3A_83 = arith.constant 7 : i32
    %get3A_84 = arith.index_cast %get3A_83 : i32 to index
    %get3A_85 = arith.constant 0 : index
    %get3A_86 = tpu.vector_load %arg10[%get3A_84, %get3A_85] {strides = array<i32>} : memref<36x16xf32, #tpu.memory_space<vmem>>, vector<16xf32>,
    %mul3A_87 = arith.mulf %get3A_86, %scan3A_30#2 : vector<16xf32>
    %add3A_88 = arith.addf %add3A_82, %mul3A_87 : vector<16xf32>
    %get3A_89 = arith.constant 8 : i32
    %get3A_90 = arith.index_cast %get3A_89 : i32 to index
    %get3A_91 = arith.constant 0 : index
    %get3A_92 = tpu.vector_load %arg10[%get3A_90, %get3A_91] {strides = array<i32>} : memref<36x16xf32, #tpu.memory_space<vmem>>, vector<16xf32>,
    %mul3A_93 = arith.mulf %get3A_92, %scan3A_30#3 : vector<16xf32>
    %add3A_94 = arith.addf %add3A_88, %mul3A_93 : vector<16xf32>
    %get3A_95 = arith.constant 9 : i32
    %get3A_96 = arith.index_cast %get3A_95 : i32 to index
    %get3A_97 = arith.constant 0 : index
    %get3A_98 = tpu.vector_load %arg10[%get3A_96, %get3A_97] {strides = array<i32>} : memref<36x16xf32, #tpu.memory_space<vmem>>, vector<16xf32>,
    %mul3A_99 = arith.mulf %get3A_98, %scan3A_30#4 : vector<16xf32>
    %add3A_100 = arith.addf %add3A_94, %mul3A_99 : vector<16xf32>
    %max3A_101 = arith.constant 0.000000e+00 : f32
    %max3A_102 = vector.broadcast %max3A_101 : f32 to vector<16xf32>
    %max3A_103 = arith.maximumf %add3A_100, %max3A_102 : vector<16xf32>
    %get3A_104 = arith.constant 27 : i32
    %get3A_105 = arith.index_cast %get3A_104 : i32 to index
    %get3A_106 = arith.constant 0 : index
    %get3A_107 = tpu.vector_load %arg10[%get3A_105, %get3A_106] {strides = array<i32>} : memref<36x16xf32, #tpu.memory_space<vmem>>, vector<16xf32>,
    %get3A_108 = arith.constant 10 : i32
    %get3A_109 = arith.index_cast %get3A_108 : i32 to index
    %get3A_110 = arith.constant 0 : index
    %get3A_111 = tpu.vector_load %arg10[%get3A_109, %get3A_110] {strides = array<i32>} : memref<36x16xf32, #tpu.memory_space<vmem>>, vector<16xf32>,
    %mul3A_112 = arith.mulf %get3A_111, %scan3A_30#0 : vector<16xf32>
    %add3A_113 = arith.addf %get3A_107, %mul3A_112 : vector<16xf32>
    %get3A_114 = arith.constant 11 : i32
    %get3A_115 = arith.index_cast %get3A_114 : i32 to index
    %get3A_116 = arith.constant 0 : index
    %get3A_117 = tpu.vector_load %arg10[%get3A_115, %get3A_116] {strides = array<i32>} : memref<36x16xf32, #tpu.memory_space<vmem>>, vector<16xf32>,
    %mul3A_118 = arith.mulf %get3A_117, %scan3A_30#1 : vector<16xf32>
    %add3A_119 = arith.addf %add3A_113, %mul3A_118 : vector<16xf32>
    %get3A_120 = arith.constant 12 : i32
    %get3A_121 = arith.index_cast %get3A_120 : i32 to index
    %get3A_122 = arith.constant 0 : index
    %get3A_123 = tpu.vector_load %arg10[%get3A_121, %get3A_122] {strides = array<i32>} : memref<36x16xf32, #tpu.memory_space<vmem>>, vector<16xf32>,
    %mul3A_124 = arith.mulf %get3A_123, %scan3A_30#2 : vector<16xf32>
    %add3A_125 = arith.addf %add3A_119, %mul3A_124 : vector<16xf32>
    %get3A_126 = arith.constant 13 : i32
    %get3A_127 = arith.index_cast %get3A_126 : i32 to index
    %get3A_128 = arith.constant 0 : index
    %get3A_129 = tpu.vector_load %arg10[%get3A_127, %get3A_128] {strides = array<i32>} : memref<36x16xf32, #tpu.memory_space<vmem>>, vector<16xf32>,
    %mul3A_130 = arith.mulf %get3A_129, %scan3A_30#3 : vector<16xf32>
    %add3A_131 = arith.addf %add3A_125, %mul3A_130 : vector<16xf32>
    %get3A_132 = arith.constant 14 : i32
    %get3A_133 = arith.index_cast %get3A_132 : i32 to index
    %get3A_134 = arith.constant 0 : index
    %get3A_135 = tpu.vector_load %arg10[%get3A_133, %get3A_134] {strides = array<i32>} : memref<36x16xf32, #tpu.memory_space<vmem>>, vector<16xf32>,
    %mul3A_136 = arith.mulf %get3A_135, %scan3A_30#4 : vector<16xf32>
    %add3A_137 = arith.addf %add3A_131, %mul3A_136 : vector<16xf32>
    %max3A_138 = arith.constant 0.000000e+00 : f32
    %max3A_139 = vector.broadcast %max3A_138 : f32 to vector<16xf32>
    %max3A_140 = arith.maximumf %add3A_137, %max3A_139 : vector<16xf32>
    %get3A_141 = arith.constant 28 : i32
    %get3A_142 = arith.index_cast %get3A_141 : i32 to index
    %get3A_143 = arith.constant 0 : index
    %get3A_144 = tpu.vector_load %arg10[%get3A_142, %get3A_143] {strides = array<i32>} : memref<36x16xf32, #tpu.memory_space<vmem>>, vector<16xf32>,
    %get3A_145 = arith.constant 15 : i32
    %get3A_146 = arith.index_cast %get3A_145 : i32 to index
    %get3A_147 = arith.constant 0 : index
    %get3A_148 = tpu.vector_load %arg10[%get3A_146, %get3A_147] {strides = array<i32>} : memref<36x16xf32, #tpu.memory_space<vmem>>, vector<16xf32>,
    %mul3A_149 = arith.mulf %get3A_148, %scan3A_30#0 : vector<16xf32>
    %add3A_150 = arith.addf %get3A_144, %mul3A_149 : vector<16xf32>
    %get3A_151 = arith.constant 16 : i32
    %get3A_152 = arith.index_cast %get3A_151 : i32 to index
    %get3A_153 = arith.constant 0 : index
    %get3A_154 = tpu.vector_load %arg10[%get3A_152, %get3A_153] {strides = array<i32>} : memref<36x16xf32, #tpu.memory_space<vmem>>, vector<16xf32>,
    %mul3A_155 = arith.mulf %get3A_154, %scan3A_30#1 : vector<16xf32>
    %add3A_156 = arith.addf %add3A_150, %mul3A_155 : vector<16xf32>
    %get3A_157 = arith.constant 17 : i32
    %get3A_158 = arith.index_cast %get3A_157 : i32 to index
    %get3A_159 = arith.constant 0 : index
    %get3A_160 = tpu.vector_load %arg10[%get3A_158, %get3A_159] {strides = array<i32>} : memref<36x16xf32, #tpu.memory_space<vmem>>, vector<16xf32>,
    %mul3A_161 = arith.mulf %get3A_160, %scan3A_30#2 : vector<16xf32>
    %add3A_162 = arith.addf %add3A_156, %mul3A_161 : vector<16xf32>
    %get3A_163 = arith.constant 18 : i32
    %get3A_164 = arith.index_cast %get3A_163 : i32 to index
    %get3A_165 = arith.constant 0 : index
    %get3A_166 = tpu.vector_load %arg10[%get3A_164, %get3A_165] {strides = array<i32>} : memref<36x16xf32, #tpu.memory_space<vmem>>, vector<16xf32>,
    %mul3A_167 = arith.mulf %get3A_166, %scan3A_30#3 : vector<16xf32>
    %add3A_168 = arith.addf %add3A_162, %mul3A_167 : vector<16xf32>
    %get3A_169 = arith.constant 19 : i32
    %get3A_170 = arith.index_cast %get3A_169 : i32 to index
    %get3A_171 = arith.constant 0 : index
    %get3A_172 = tpu.vector_load %arg10[%get3A_170, %get3A_171] {strides = array<i32>} : memref<36x16xf32, #tpu.memory_space<vmem>>, vector<16xf32>,
    %mul3A_173 = arith.mulf %get3A_172, %scan3A_30#4 : vector<16xf32>
    %add3A_174 = arith.addf %add3A_168, %mul3A_173 : vector<16xf32>
    %max3A_175 = arith.constant 0.000000e+00 : f32
    %max3A_176 = vector.broadcast %max3A_175 : f32 to vector<16xf32>
    %max3A_177 = arith.maximumf %add3A_174, %max3A_176 : vector<16xf32>
    %get3A_178 = arith.constant 29 : i32
    %get3A_179 = arith.index_cast %get3A_178 : i32 to index
    %get3A_180 = arith.constant 0 : index
    %get3A_181 = tpu.vector_load %arg10[%get3A_179, %get3A_180] {strides = array<i32>} : memref<36x16xf32, #tpu.memory_space<vmem>>, vector<16xf32>,
    %get3A_182 = arith.constant 20 : i32
    %get3A_183 = arith.index_cast %get3A_182 : i32 to index
    %get3A_184 = arith.constant 0 : index
    %get3A_185 = tpu.vector_load %arg10[%get3A_183, %get3A_184] {strides = array<i32>} : memref<36x16xf32, #tpu.memory_space<vmem>>, vector<16xf32>,
    %mul3A_186 = arith.mulf %get3A_185, %scan3A_30#0 : vector<16xf32>
    %add3A_187 = arith.addf %get3A_181, %mul3A_186 : vector<16xf32>
    %get3A_188 = arith.constant 21 : i32
    %get3A_189 = arith.index_cast %get3A_188 : i32 to index
    %get3A_190 = arith.constant 0 : index
    %get3A_191 = tpu.vector_load %arg10[%get3A_189, %get3A_190] {strides = array<i32>} : memref<36x16xf32, #tpu.memory_space<vmem>>, vector<16xf32>,
    %mul3A_192 = arith.mulf %get3A_191, %scan3A_30#1 : vector<16xf32>
    %add3A_193 = arith.addf %add3A_187, %mul3A_192 : vector<16xf32>
    %get3A_194 = arith.constant 22 : i32
    %get3A_195 = arith.index_cast %get3A_194 : i32 to index
    %get3A_196 = arith.constant 0 : index
    %get3A_197 = tpu.vector_load %arg10[%get3A_195, %get3A_196] {strides = array<i32>} : memref<36x16xf32, #tpu.memory_space<vmem>>, vector<16xf32>,
    %mul3A_198 = arith.mulf %get3A_197, %scan3A_30#2 : vector<16xf32>
    %add3A_199 = arith.addf %add3A_193, %mul3A_198 : vector<16xf32>
    %get3A_200 = arith.constant 23 : i32
    %get3A_201 = arith.index_cast %get3A_200 : i32 to index
    %get3A_202 = arith.constant 0 : index
    %get3A_203 = tpu.vector_load %arg10[%get3A_201, %get3A_202] {strides = array<i32>} : memref<36x16xf32, #tpu.memory_space<vmem>>, vector<16xf32>,
    %mul3A_204 = arith.mulf %get3A_203, %scan3A_30#3 : vector<16xf32>
    %add3A_205 = arith.addf %add3A_199, %mul3A_204 : vector<16xf32>
    %get3A_206 = arith.constant 24 : i32
    %get3A_207 = arith.index_cast %get3A_206 : i32 to index
    %get3A_208 = arith.constant 0 : index
    %get3A_209 = tpu.vector_load %arg10[%get3A_207, %get3A_208] {strides = array<i32>} : memref<36x16xf32, #tpu.memory_space<vmem>>, vector<16xf32>,
    %mul3A_210 = arith.mulf %get3A_209, %scan3A_30#4 : vector<16xf32>
    %add3A_211 = arith.addf %add3A_205, %mul3A_210 : vector<16xf32>
    %max3A_212 = arith.constant 0.000000e+00 : f32
    %max3A_213 = vector.broadcast %max3A_212 : f32 to vector<16xf32>
    %max3A_214 = arith.maximumf %add3A_211, %max3A_213 : vector<16xf32>
    %get3A_215 = arith.constant 35 : i32
    %get3A_216 = arith.index_cast %get3A_215 : i32 to index
    %get3A_217 = arith.constant 0 : index
    %get3A_218 = tpu.vector_load %arg10[%get3A_216, %get3A_217] {strides = array<i32>} : memref<36x16xf32, #tpu.memory_space<vmem>>, vector<16xf32>,
    %get3A_219 = arith.constant 30 : i32
    %get3A_220 = arith.index_cast %get3A_219 : i32 to index
    %get3A_221 = arith.constant 0 : index
    %get3A_222 = tpu.vector_load %arg10[%get3A_220, %get3A_221] {strides = array<i32>} : memref<36x16xf32, #tpu.memory_space<vmem>>, vector<16xf32>,
    %mul3A_223 = arith.mulf %get3A_222, %max3A_66 : vector<16xf32>
    %add3A_224 = arith.addf %get3A_218, %mul3A_223 : vector<16xf32>
    %get3A_225 = arith.constant 31 : i32
    %get3A_226 = arith.index_cast %get3A_225 : i32 to index
    %get3A_227 = arith.constant 0 : index
    %get3A_228 = tpu.vector_load %arg10[%get3A_226, %get3A_227] {strides = array<i32>} : memref<36x16xf32, #tpu.memory_space<vmem>>, vector<16xf32>,
    %mul3A_229 = arith.mulf %get3A_228, %max3A_103 : vector<16xf32>
    %add3A_230 = arith.addf %add3A_224, %mul3A_229 : vector<16xf32>
    %get3A_231 = arith.constant 32 : i32
    %get3A_232 = arith.index_cast %get3A_231 : i32 to index
    %get3A_233 = arith.constant 0 : index
    %get3A_234 = tpu.vector_load %arg10[%get3A_232, %get3A_233] {strides = array<i32>} : memref<36x16xf32, #tpu.memory_space<vmem>>, vector<16xf32>,
    %mul3A_235 = arith.mulf %get3A_234, %max3A_140 : vector<16xf32>
    %add3A_236 = arith.addf %add3A_230, %mul3A_235 : vector<16xf32>
    %get3A_237 = arith.constant 33 : i32
    %get3A_238 = arith.index_cast %get3A_237 : i32 to index
    %get3A_239 = arith.constant 0 : index
    %get3A_240 = tpu.vector_load %arg10[%get3A_238, %get3A_239] {strides = array<i32>} : memref<36x16xf32, #tpu.memory_space<vmem>>, vector<16xf32>,
    %mul3A_241 = arith.mulf %get3A_240, %max3A_177 : vector<16xf32>
    %add3A_242 = arith.addf %add3A_236, %mul3A_241 : vector<16xf32>
    %get3A_243 = arith.constant 34 : i32
    %get3A_244 = arith.index_cast %get3A_243 : i32 to index
    %get3A_245 = arith.constant 0 : index
    %get3A_246 = tpu.vector_load %arg10[%get3A_244, %get3A_245] {strides = array<i32>} : memref<36x16xf32, #tpu.memory_space<vmem>>, vector<16xf32>,
    %mul3A_247 = arith.mulf %get3A_246, %max3A_214 : vector<16xf32>
    %add3A_248 = arith.addf %add3A_242, %mul3A_247 : vector<16xf32>
    %neg3A = arith.constant 0.000000e+00 : f32
    %neg3A_249 = vector.broadcast %neg3A : f32 to vector<16xf32>
    %neg3A_250 = arith.subf %neg3A_249, %add3A_248 : vector<16xf32>
    %exp3A = math.exp %neg3A_250 : vector<16xf32>
    %add3A_251 = arith.constant 1.000000e+00 : f32
    %add3A_252 = vector.broadcast %add3A_251 : f32 to vector<16xf32>
    %add3A_253 = arith.addf %add3A_252, %exp3A : vector<16xf32>
    %div3A = arith.constant 1.000000e+00 : f32
    %div3A_254 = vector.broadcast %div3A : f32 to vector<16xf32>
    %div3A_255 = arith.divf %div3A_254, %add3A_253 : vector<16xf32>
    %swap3A = arith.constant 0 : index
    %swap3A_256 = tpu.vector_load %arg11[%swap3A] {strides = array<i32>} : memref<16xf32, #tpu.memory_space<vmem>>, vector<16xf32>,
    tpu.vector_store %arg11[%swap3A], %div3A_255 {strides = array<i32>} : memref<16xf32, #tpu.memory_space<vmem>>, vector<16xf32>,
    "tpu.region"() ({
      %run_scoped3A = tpu.sem_alloc : memref<!tpu.dma_semaphore, #tpu.memory_space<semaphore_mem>>
      %dma_start3A_257 = arith.constant 0 : i32
      %dma_start3A_258 = tpu.memref_slice %arg4[%add3A, %dma_start3A_257] : memref<32x16xf32, #tpu.memory_space<hbm>> -> memref<1x16xf32, #tpu.memory_space<hbm>>
      %dma_start3A_259 = tpu.memref_squeeze %dma_start3A_258 : memref<1x16xf32, #tpu.memory_space<hbm>> -> memref<16xf32, #tpu.memory_space<hbm>>
      %dma_start3A_260 = arith.constant 0 : i32
      %dma_start3A_261 = tpu.memref_slice %arg4[%add3A, %dma_start3A_260] : memref<32x16xf32, #tpu.memory_space<hbm>> -> memref<1x16xf32, #tpu.memory_space<hbm>>
      %dma_start3A_262 = tpu.memref_squeeze %dma_start3A_261 : memref<1x16xf32, #tpu.memory_space<hbm>> -> memref<16xf32, #tpu.memory_space<hbm>>
      tpu.enqueue_dma source(%arg11 : memref<16xf32, #tpu.memory_space<vmem>>) target(%dma_start3A_262 : memref<16xf32, #tpu.memory_space<hbm>>) target_semaphore(%run_scoped3A : memref<!tpu.dma_semaphore, #tpu.memory_space<semaphore_mem>>)
      %dma_wait3A = arith.constant 0 : i32
      %dma_wait3A_263 = tpu.memref_slice %arg4[%add3A, %dma_wait3A] : memref<32x16xf32, #tpu.memory_space<hbm>> -> memref<1x16xf32, #tpu.memory_space<hbm>>
      %dma_wait3A_264 = tpu.memref_squeeze %dma_wait3A_263 : memref<1x16xf32, #tpu.memory_space<hbm>> -> memref<16xf32, #tpu.memory_space<hbm>>
      %dma_wait3A_265 = arith.constant 0 : i32
      %dma_wait3A_266 = tpu.memref_slice %arg4[%add3A, %dma_wait3A_265] : memref<32x16xf32, #tpu.memory_space<hbm>> -> memref<1x16xf32, #tpu.memory_space<hbm>>
      %dma_wait3A_267 = tpu.memref_squeeze %dma_wait3A_266 : memref<1x16xf32, #tpu.memory_space<hbm>> -> memref<16xf32, #tpu.memory_space<hbm>>
      tpu.wait_dma2 semaphore(%run_scoped3A : memref<!tpu.dma_semaphore, #tpu.memory_space<semaphore_mem>>) src(%arg11 : memref<16xf32, #tpu.memory_space<vmem>>) dst(%dma_wait3A_267 : memref<16xf32, #tpu.memory_space<hbm>>)
      tpu.yield
    }) : () -> ()
    return
  }
}

</mosaic_0001>

<sc_bundles>
// kernel: _run.3.cloned.1.call-start
scs
__scs_entry_jumppad:
0x0: {  	(pc) =	sbr.rel $0x88, $3  }
0x1: {  	(tag) =	ssettag $0x0;
	lr =	simm.s32 $0x1  }
0x2: {  	[smem:$0x3F9F] =	sst lr;
	_ =	strace $0xD0000000  }
0x3: {  	_ = 	snop  }
0x4: {  	_ = 	snop  }
0x5: {  	_ = 	snop  }
0x6: {  	_ = 	snop  }
0x7: {  	_ = 	snop  }
__scs_overlays_trampoline_lowered:
0x8: {  	[smem:$0x3FAE] =	sst s0  }
0x9: {  	[smem:$0x3FAF] =	sst s1  }
0xa: {  	[smem:$0x3FB0] =	sst s2  }
0xb: {  	[smem:$0x3FB1] =	sst s3  }
0xc: {  	[smem:$0x3FB2] =	sst s4  }
0xd: {  	[smem:$0x3FB3] =	sst s5  }
0xe: {  	[smem:$0x3FB4] =	sst s6  }
0xf: {  	[smem:$0x3FB5] =	sst s7  }
0x10: {  	[smem:$0x3FB6] =	sst s8  }
0x11: {  	[smem:$0x3FB7] =	sst s9;
	s0 =	simm.s32 @!p0 $0x0  }
0x12: {  	s1 =	sld [smem:$0x3F9D];
	s0 =	simm.s32 @p0 $0x1  }
0x13: {  	[smem:$0x3FB8] =	sst s0;
	s0 =	simm.s32 @!p1 $0x0  }
0x14: {  	s2 =	sld [smem:$0x3F9C];
	s0 =	simm.s32 @p1 $0x1  }
0x15: {  	[smem:$0x3FB9] =	sst s0;
	s0 =	simm.s32 @!p2 $0x0  }
0x16: {  	s3 =	sld [smem:$0x3FDB];
	s0 =	simm.s32 @p2 $0x1  }
0x17: {  	s4 =	simm.s32 $0x1BF5;
	[smem:$0x3FBB] =	sst s0  }
0x18: {  	s0 =	sld [smem:$0x3F9E];
	_ =	swait.ge [sflag:s4], $0x0  }
0x19: {  	s7 =	sld [smem:$0x3F9F]  }
0x1a: {  	s8 =	sadd.s32 $0xFFFFE003, lr  }
0x1b: {  	s9 =	sadd.s32 $0xFFFFFEF7, lr;
	s5 =	simm.s32 $0xFFFFFFFF;
	p2 =	slt.u32 s8, $0xFFFFF086  }
0x1c: {  	p1 =	slt.u32 s9, $0xF7A;
	s5 =	simm.s32 @!p2 $0x0  }
0x1d: {  	s5 =	simm.s32 @p1 $0x1;
	p0 =	seq.s32 s7, s2  }
0x1e: {  	s7 =	smul.u32 @!p0 $0xF7A, s2;
	p2 =	seq.s32 @!p0 s5, $0x0  }
0x1f: {  	s9 =	smul.u32 $0xF7A, s1;
	s8 =	simm.s32 @!p0 $0x1BF5;
	p2 =	por !p2, p0  }
0x20: {  	[sflag:s8] =	ssyncset.s32 @!p0 $0xFFFFF086;
	s6 =	sadd.s32 @!p0 s3, s7;
	s7 =	simm.s32 @!p0 $0x108  }
0x21: {  	s3 =	sadd.s32 s3, s9;
	s6 =	sadd.s32 @!p0 $0x88, s6;
	s7 =	simm.s32 @p2 $0x1082  }
0x22: {  	[simem:s7], [sflag:s8] =	dma.local @!p0 [hbm:s6], $0xF7A  }
0x23: {  	s9 =	sor.u32 $0xD0000000, s2;
	s6 =	simm.s32 $0x108;
	_ =	swait.ge @!p0 [sflag:s8], $0x0  }
0x24: {  	s3 =	sadd.s32 $0x88, s3;
	s6 =	simm.s32 @!p1 $0x1082;
	[sflag:s4] =	ssyncset.s32 $0xFFFFF086  }
0x25: {  	[simem:s6], [sflag:s4] =	dma.local [hbm:s3], $0xF7A  }
0x26: {  	[smem:$0x3F9F] =	sst s1;
	(tag) =	ssettag s2;
	_ =	strace s9  }
0x27: {  	s1 =	sld [smem:$0x3FAF]  }
0x28: {  	s2 =	sld [smem:$0x3FB0]  }
0x29: {  	s4 =	sld [smem:$0x3FB2]  }
0x2a: {  	p0 =	seq.s32 s5, $0x0;
	s5 =	sld [smem:$0x3FB3]  }
0x2b: {  	s6 =	sld [smem:$0x3FB4]  }
0x2c: {  	s7 =	sld [smem:$0x3FB5]  }
0x2d: {  	s3 =	simm.s32 $0x108;
	s8 =	sld [smem:$0x3FB6]  }
0x2e: {  	s3 =	simm.s32 @!p0 $0x1082;
	s9 =	sld [smem:$0x3FB7]  }
0x2f: {  	lr =	sadd.s32 s0, s3;
	s0 =	sld [smem:$0x3FAE]  }
0x30: {  	s3 =	sld [smem:$0x3FB1]  }
0x31: {  	[smem:$0x3FBA] =	sst s10  }
0x32: {  	s10 =	sld [smem:$0x3FB8];
	_ =	sdelay $0x3  }
0x33: {  	p0 =	seq.s32 s10, $0x1;
	s10 =	sld [smem:$0x3FBA];
	_ =	sdelay $0x3  }
0x34: {  	[smem:$0x3FBA] =	sst s10  }
0x35: {  	s10 =	sld [smem:$0x3FB9];
	_ =	sdelay $0x3  }
0x36: {  	p1 =	seq.s32 s10, $0x1;
	s10 =	sld [smem:$0x3FBA];
	_ =	sdelay $0x3  }
0x37: {  	[smem:$0x3FBA] =	sst s10  }
0x38: {  	s10 =	sld [smem:$0x3FBB]  }
0x39: {  	_ = 	snop;
	(pc) =	sbr.ind lr, $3  }
0x3a: {  	_ = 	snop  }
0x3b: {  	_ = 	snop  }
0x3c: {  	p2 =	seq.s32 s10, $0x1;
	s10 =	sld [smem:$0x3FBA]  }
0x3d: {  	_ =	shalt  }
0x3e: {  	_ =	shalt  }
0x3f: {  	_ =	shalt  }
0x40: {  	_ =	shalt  }
0x41: {  	_ =	shalt  }
0x42: {  	_ =	shalt  }
0x43: {  	_ =	shalt  }
0x44: {  	_ =	shalt  }
0x45: {  	_ =	shalt  }
0x46: {  	_ =	shalt  }
0x47: {  	_ =	shalt  }
0x48: {  	_ =	shalt  }
0x49: {  	_ =	shalt  }
0x4a: {  	_ =	shalt  }
0x4b: {  	_ =	shalt  }
0x4c: {  	_ =	shalt  }
0x4d: {  	_ =	shalt  }
0x4e: {  	_ =	shalt  }
0x4f: {  	_ =	shalt  }
0x50: {  	_ =	shalt  }
0x51: {  	_ =	shalt  }
0x52: {  	_ =	shalt  }
0x53: {  	_ =	shalt  }
0x54: {  	_ =	shalt  }
0x55: {  	_ =	shalt  }
0x56: {  	_ =	shalt  }
0x57: {  	_ =	shalt  }
0x58: {  	_ =	shalt  }
0x59: {  	_ =	shalt  }
0x5a: {  	_ =	shalt  }
0x5b: {  	_ =	shalt  }
0x5c: {  	_ =	shalt  }
0x5d: {  	_ =	shalt  }
0x5e: {  	_ =	shalt  }
0x5f: {  	_ =	shalt  }
0x60: {  	_ =	shalt  }
0x61: {  	_ =	shalt  }
0x62: {  	_ =	shalt  }
0x63: {  	_ =	shalt  }
0x64: {  	_ =	shalt  }
0x65: {  	_ =	shalt  }
0x66: {  	_ =	shalt  }
0x67: {  	_ =	shalt  }
0x68: {  	_ =	shalt  }
0x69: {  	_ =	shalt  }
0x6a: {  	_ =	shalt  }
0x6b: {  	_ =	shalt  }
0x6c: {  	_ =	shalt  }
0x6d: {  	_ =	shalt  }
0x6e: {  	_ =	shalt  }
0x6f: {  	_ =	shalt  }
0x70: {  	_ =	shalt  }
0x71: {  	_ =	shalt  }
0x72: {  	_ =	shalt  }
0x73: {  	_ =	shalt  }
0x74: {  	_ =	shalt  }
0x75: {  	_ =	shalt  }
0x76: {  	_ =	shalt  }
0x77: {  	_ =	shalt  }
0x78: {  	_ =	shalt  }
0x79: {  	_ =	shalt  }
0x7a: {  	_ =	shalt  }
0x7b: {  	_ =	shalt  }
0x7c: {  	_ =	shalt  }
0x7d: {  	_ =	shalt  }
0x7e: {  	_ =	shalt  }
0x7f: {  	_ =	shalt  }
0x80: {  	_ =	shalt  }
0x81: {  	_ =	shalt  }
0x82: {  	_ =	shalt  }
0x83: {  	_ =	shalt  }
0x84: {  	_ =	shalt  }
0x85: {  	_ =	shalt  }
0x86: {  	_ =	shalt  }
0x87: {  	_ =	shalt  }
.Lfunc_end0:
.L_simem_size_0:
called_computation_lowered:
.L_overlay_start_0:
0x88: {  	s2 =	sld [smem:$0x3FD9]  }
0x89: {  	s3 =	sld [smem:$0x3FFE];
	_ =	sdelay $0x1  }
0x8a: {  	s1 =	srdreg.scid  }
0x8b: {  	s0 =	sand.u32 $0x1, s1  }
0x8c: {  	s17 =	sshll.u32 s0, $0xA;
	s2 =	sadd.s32 s3, s2  }
0x8d: {  	s2 =	sadd.s32 s2, s17  }
0x8e: {  	[smem:$0x3FC6] =	sst s2  }
0x8f: {  	_ = 	snop  }
0x90: {  	s2 =	sld [smem:$0x3FC9];
	(tm) =	ssettm $0x1  }
0x91: {  	s18 =	sld [smem:$0x3FFB];
	_ =	sdelay $0x3  }
0x92: {  	_ =	strace s18  }
0x93: {  	s3 =	sld [smem:$0x3FFC];
	_ =	sdelay $0x3  }
0x94: {  	_ =	strace s3  }
0x95: {  	s3 =	sld [smem:$0x3FFD];
	_ =	sdelay $0x3  }
0x96: {  	_ =	strace s3  }
0x97: {  	_ =	strace $0x8FFFFFFF  }
0x98: {  	s19 =	sld [smem:$0x3FDB];
	_ =	sdelay $0x1  }
0x99: {  	s4 =	simm.s32 $_scs_section_size  }
0x9a: {  	s5 =	simm.s32 $_size__tile_overlayer_lowered;
	s6 =	simm.s32 $_tile_overlayer_lowered  }
0x9b: {  	s22 =	simm.s32 $0x1BFF;
	s21 =	sshll.u32 s6, $0x1;
	s3 =	sadd.s32 s4, s19  }
0x9c: {  	s7 =	simm.s32 $0x0;
	s20 =	sshll.u32 s5, $0x1;
	s5 =	sadd.s32 s21, s3  }
0x9d: {  	[timem:s7], [sflag:s22] =	dma.local [hbm:s5], s20  }
0x9e: {  	_ =	swait.ge [sflag:s22], s20  }
0x9f: {  	s4 =	ssub.s32 $0x0, s20;
	[sflag:s22] =	ssyncset.done $0x0  }
0xa0: {  	[sflag:s22] =	ssyncadd.s32 s4;
	_ =	sdelay $0x1  }
0xa1: {  	s23 =	simm.s32 $0x1B8B  }
0xa2: {  	_ =	swait.ge [sflag:s23], $0x1  }
0xa3: {  	[sflag:s23] =	ssyncset.done $0x0  }
0xa4: {  	s25 =	simm.s32 $0x1B8E;
	s24 =	sld [smem:$0x3FFE];
	[sflag:s23] =	ssyncadd.s32 $0xFFFFFFFF  }
0xa5: {  	s26 =	simm.s32 $execute0_lowered;
	[smem:$0x3FD2] =	sst s25  }
0xa6: {  	s5 =	sshll.u32 s26, $0x1;
	_ =	strace $0x80000046;
	[dreg:$0x1] =	wrdreg $0xFFFFFFFF  }
0xa7: {  	s28 =	simm.s32 $_size_execute0_lowered;
	s3 =	sadd.s32 s3, s5;
	[dreg:$0x0] =	wrdreg $0x0  }
0xa8: {  	s5 =	sshll.u32 s28, $0x1;
	[dreg:$0x2] =	wrdreg s3  }
0xa9: {  	[dreg:$0x3] =	wrdreg s5  }
0xaa: {  	[dreg:$0x4] =	wrdreg $0xC0  }
0xab: {  	_ =	task [dreg:s7], $0x5FFFF  }
0xac: {  	[dreg:$0x1] =	wrdreg $0xFFFFFFFF  }
0xad: {  	[dreg:$0x0] =	wrdreg $0x60  }
0xae: {  	[dreg:$0x2] =	wrdreg s2  }
0xaf: {  	[dreg:$0x3] =	wrdreg s24  }
0xb0: {  	[dreg:$0x4] =	wrdreg $0x9  }
0xb1: {  	_ =	task.clear_ibuf [dreg:s7], $0x5FFFF;
	_ =	strace $0x90000046  }
0xb2: {  	s29 =	simm.s32 $0x9;
	_ =	strace $0x80000048  }
0xb3: {  	_ =	swait.ge [sflag:s29], $0x1  }
0xb4: {  	[sflag:s29] =	ssyncadd.s32 $0xFFFFFFFF  }
0xb5: {  	_ =	strace $0x90000048  }
0xb6: {  	_ =	sfence  }
0xb7: {  	s30 =	sld [smem:$0x0];
	_ =	sdelay $0x2  }
0xb8: {  	s31 =	sshll.u32 s1, $0xD;
	s1 =	sshrl.u32 s1, $0x2  }
0xb9: {  	s3 =	sand.u32 $0x4000, s31;
	s1 =	sadd.s32 s1, s30  }
0xba: {  	s0 =	sor.u32 s3, s0;
	s1 =	sshll.u32 s1, $0x11  }
0xbb: {  	s0 =	sor.u32 s1, s0  }
0xbc: {  	s0 =	sadd.s32 $0x8F2B, s0  }
0xbd: {  	[sflag:s0] =	ssyncadd.remote.s32 $0x1  }
0xbe: {  	_ =	sfence.sel $0xFFFF  }
0xbf: {  	[dreg:$0x0] =	wrdreg $0xFFFFFFFF;
	(pc) =	sbr.abs _section_cstart, $3  }
0xc0: {  	[dreg:$0x1] =	wrdreg $0xFFFFFFFF  }
0xc1: {  	_ =	task.clear_ibuf [dreg:s7], $0x2FFFF;
	_ =	strace $0x9FFFFFFF  }
0xc2: {  	(tm) =	ssettm $0x7FFFFFFF  }
0xc3: {  	_ =	shalt  }
tec
execute0_lowered:
.L_overlay_start_1:
0x0: {  	(tag) =	ssettag $0x1  }
0x1: {  	v0 =	vlaneseq.u32;
	v11 =	vimm.s32 $0xEFCDAB89  }
0x2: {  	v12 =	vimm.s32 $0x67452301;
	v15 =	vimm.s32 $0xDCFE98BA;
	v20 =	vimm.s32 $0x32107654  }
0x3: {  	v21 =	vimm.s32 $0xFEDCBA98;
	v22 =	vimm.s32 $0x76543210;
	v1 =	vand.u32 $0x7, v0  }
0x4: {  	s5 =	rddreg [dreg:$0x0];
	v13 =	vunpack.c.l.s4.s8 v11;
	v14 =	vunpack.c.l.s4.s8 v12;
	v18 =	vunpack.c.l.s4.s8 v15  }
0x5: {  	s4 =	rddreg [dreg:$0x1];
	v20 =	vunpack.c.l.s4.s8 v20;
	v21 =	vunpack.c.l.s4.s8 v21;
	v22 =	vunpack.c.l.s4.s8 v22  }
0x6: {  	s0 =	rddreg [dreg:$0x2];
	s1 =	simm.s32 $0x0;
	s3 =	srdreg.scid;
	v2 =	vmul.u32 $0x10, v1;
	v1 =	vmul.u32 $0x10, v0;
	v16 =	vunpack.c.0.s8.s32 v13  }
0x7: {  	s11 =	simm.s32 $0x80;
	s12 =	simm.s32 $0x400;
	s13 =	simm.s32 $0x8000;
	v17 =	vunpack.c.0.s8.s32 v14;
	v20 =	vunpack.c.0.s8.s32 v20;
	v21 =	vunpack.c.0.s8.s32 v21  }
0x8: {  	s14 =	simm.s32 $0x3;
	s15 =	simm.s32 $0x10000;
	s16 =	simm.s32 $0x10980;
	v22 =	vunpack.c.0.s8.s32 v22;
	v2 =	vor.u32 $0xFFFFFF80, v2;
	v3 =	vor.u32 $0x1, v1  }
0x9: {  	s17 =	simm.s32 $0x10880;
	s18 =	simm.s32 $0x11E00;
	s19 =	simm.s32 $0x4;
	v4 =	vor.u32 $0x2, v1;
	v5 =	vor.u32 $0x3, v1;
	v6 =	vor.u32 $0x4, v1  }
0xa: {  	s20 =	simm.s32 $0x0;
	s30 =	simm.s32 $0x0;
	[smem:$0x7FF] =	sst s1;
	v7 =	vor.u32 $0x5, v1;
	v19 =	vcombine.low v17, v16;
	v17 =	vimm.s32 $0x54761032  }
0xb: {  	s2 =	sadd.s32 $0x400, s4;
	s6 =	sand.u32 $0x1, s3;
	s3 =	stileid.u32;
	v16 =	vunpack.c.0.s8.s32 v18;
	v18 =	vimm.s32 $0xBA98FEDC;
	v17 =	vunpack.c.l.s4.s8 v17  }
0xc: {  	_ =	strace $0x80000047;
	s7 =	sshll.u32 s6, $0x4;
	s8 =	ssub.s32 $0x2, s6;
	v8 =	vor.u32 $0x6, v1;
	v9 =	vor.u32 $0x7, v1;
	v18 =	vunpack.c.l.s4.s8 v18  }
0xd: {  	s6 =	sshll.u32 s6, $0x6;
	s10 =	sshll.u32 s3, $0xF;
	s31 =	sshll.u32 s3, $0x5;
	v10 =	vor.u32 $0x8, v1;
	v11 =	vor.u32 $0x9, v1;
	v17 =	vunpack.c.0.s8.s32 v17  }
.Ltmp0:
0xe: {  	s9 =	sshrl.u32 s8, $0x1;
	s7 =	sadd.s32 s7, s4;
	v12 =	vor.u32 $0xA, v1;
	v13 =	vor.u32 $0xB, v1;
	v18 =	vunpack.c.0.s8.s32 v18;
	(pc) =	sbr.rel .LBB2_1-.Ltmp0, $4  }
0xf: {  	s28 =	sor.u32 s6, s10;
	s29 =	sadd.s32 s5, s10;
	v14 =	vor.u32 $0xC, v1;
	v15 =	vor.u32 $0xD, v1;
	s9 =	ssub.s32 s8, s9;
	v23 =	vcombine.low v17, v16  }
0x10: {  	s4 =	sadd.s32 s5, s28;
	s8 =	sadd.s32 s6, s29;
	s10 =	sadd.s32 s31, s7;
	v21 =	vand.u32 $0xF, v21;
	v45 =	vand.u32 $0xF, v19;
	v20 =	vcombine.low v20, v18  }
0x11: {  	s5 =	sadd.s32 $0x10, s4;
	s6 =	sadd.s32 $0x30, s8;
	s7 =	sadd.s32 $0x20, s8;
	v21 =	vcombine.low v21, v22;
	v22 =	vimm.s32 $0x0;
	[tilespmem:$0x1FFE0] =	vst v45;
	v46 =	vand.u32 $0xF, v23  }
0x12: {  	s8 =	sadd.s32 $0x800, s10;
	s9 =	smax.u32 s9, $0x1;
	s10 =	simm.s32 $0x10A00;
	v16 =	vor.u32 $0xE, v1;
	v17 =	vor.u32 $0xF, v1;
	v20 =	vand.u32 $0xF, v20;
	[tilespmem:$0x1FFF0] =	vst v46  }
.LBB2_14:
0x13: {  	v18 =	vld [tilespmem:$0x11680]  }
0x14: {  	v19 =	vld [tilespmem:$0x10A00]  }
0x15: {  	v23 =	vld [tilespmem:$0x10A80]  }
0x16: {  	v24 =	vld [tilespmem:$0x10B00]  }
0x17: {  	v25 =	vld [tilespmem:$0x10B80]  }
0x18: {  	v26 =	vld [tilespmem:$0x10C00]  }
0x19: {  	v27 =	vld [tilespmem:$0x11700]  }
0x1a: {  	v28 =	vld [tilespmem:$0x10C80]  }
0x1b: {  	v29 =	vld [tilespmem:$0x10D00]  }
0x1c: {  	v30 =	vld [tilespmem:$0x10D80]  }
0x1d: {  	v31 =	vld [tilespmem:$0x10E00]  }
0x1e: {  	v32 =	vld [tilespmem:$0x10E80]  }
0x1f: {  	v33 =	vld [tilespmem:$0x11780]  }
0x20: {  	v34 =	vld [tilespmem:$0x10F00]  }
0x21: {  	v35 =	vld [tilespmem:$0x10F80]  }
0x22: {  	v36 =	vld [tilespmem:$0x11000]  }
0x23: {  	v37 =	vld [tilespmem:$0x11100]  }
0x24: {  	v44 =	vld [tilespmem:$0x11800]  }
0x25: {  	v38 =	vld [tilespmem:$0x11180]  }
0x26: {  	v53 =	vld [tilespmem:$0x11280];
	v19 =	vmul.f32 v19, v51  }
0x27: {  	v39 =	vld [tilespmem:$0x11300];
	v28 =	vmul.f32 v28, v51;
	v25 =	vmul.f32 v25, v48  }
0x28: {  	v56 =	vld [tilespmem:$0x11400];
	v52 =	vmul.f32 v29, v50;
	v18 =	vadd.f32 v19, v18;
	v19 =	vmul.f32 v23, v50  }
0x29: {  	v60 =	vld [tilespmem:$0x11880];
	v34 =	vmul.f32 v34, v51;
	v54 =	vmul.f32 v26, v47  }
0x2a: {  	v62 =	vld [tilespmem:$0x11480];
	v57 =	vmul.f32 v30, v49;
	v18 =	vadd.f32 v19, v18;
	v19 =	vmul.f32 v24, v49  }
0x2b: {  	v40 =	vld [tilespmem:$0x11380];
	v59 =	vmul.f32 v35, v50;
	v61 =	vmul.f32 v38, v51  }
0x2c: {  	v38 =	vmul.f32 v36, v49;
	v27 =	vadd.f32 v28, v27;
	v18 =	vadd.f32 v19, v18;
	v19 =	vld [tilespmem:$0x11200]  }
0x2d: {  	v31 =	vmul.f32 v31, v48;
	v43 =	vmul.f32 v53, v49;
	v23 =	vld [tilespmem:$0x11080];
	v58 =	vadd.f32 v34, v33  }
0x2e: {  	v41 =	vld [tilespmem:$0x11500];
	v32 =	vmul.f32 v32, v47;
	v53 =	vmul.f32 v37, v47;
	v55 =	vadd.f32 v52, v27  }
0x2f: {  	v42 =	vld [tilespmem:$0x11580];
	v63 =	vadd.f32 v59, v58;
	v24 =	vadd.f32 v61, v44;
	v27 =	vmul.f32 v56, v51  }
0x30: {  	v44 =	vld [tilespmem:$0x11900];
	v51 =	vmul.f32 v62, v50;
	v58 =	vmul.f32 v40, v47;
	v26 =	vadd.f32 v57, v55  }
0x31: {  	v52 =	vld [tilespmem:$0x11B80];
	v28 =	vadd.f32 v38, v63;
	v18 =	vadd.f32 v25, v18;
	v19 =	vmul.f32 v19, v50  }
0x32: {  	v56 =	vld [tilespmem:$0x11600];
	v27 =	vadd.f32 v27, v60;
	v23 =	vmul.f32 v23, v48;
	v26 =	vadd.f32 v31, v26  }
0x33: {  	v55 =	vmul.f32 v39, v48;
	v18 =	vadd.f32 v54, v18;
	v54 =	vld [tilespmem:$0x11980];
	v19 =	vadd.f32 v19, v24  }
0x34: {  	v27 =	vadd.f32 v51, v27;
	v25 =	vmul.f32 v41, v49;
	v23 =	vadd.f32 v23, v28  }
0x35: {  	v57 =	vld [tilespmem:$0x11A00];
	v26 =	vadd.f32 v32, v26;
	v18 =	vmax.f32 v18, $0.0e+00;
	v19 =	vadd.f32 v43, v19  }
0x36: {  	v59 =	vmul.f32 v42, v48;
	v25 =	vadd.f32 v25, v27;
	v18 =	vmul.f32 v44, v18  }
0x37: {  	v60 =	vld [tilespmem:$0x11A80];
	v23 =	vadd.f32 v53, v23;
	v26 =	vmax.f32 v26, $0.0e+00;
	v19 =	vadd.f32 v55, v19  }
0x38: {  	v61 =	vmul.f32 v56, v47;
	v18 =	vadd.f32 v18, v52;
	v24 =	vmul.f32 v54, v26  }
0x39: {  	v62 =	vld [tilespmem:$0x11B00];
	v25 =	vadd.f32 v59, v25;
	v23 =	vmax.f32 v23, $0.0e+00;
	v19 =	vadd.f32 v58, v19  }
0x3a: {  	v23 =	vmul.f32 v57, v23;
	v18 =	vadd.f32 v24, v18  }
0x3b: {  	v63 =	vadd.f32 v61, v25;
	v19 =	vmax.f32 v19, $0.0e+00  }
0x3c: {  	v18 =	vadd.f32 v23, v18;
	v19 =	vmul.f32 v60, v19  }
0x3d: {  	v23 =	vmax.f32 v63, $0.0e+00  }
0x3e: {  	v18 =	vadd.f32 v19, v18;
	v19 =	vmul.f32 v62, v23;
	_ =	sdelay $0x1  }
0x3f: {  	v18 =	vadd.f32 v19, v18;
	_ =	sdelay $0x1  }
0x40: {  	v18 =	vsub.f32 $0.0e+00, v18;
	_ =	sdelay $0x1  }
0x41: {  	v18 =	vmul.f32 $1.442695020e+00, v18;
	_ =	sdelay $0x1  }
0x42: {  	(erf) = vpow2.f32 v18;
	_ =	sdelay $0x8  }
0x43: {  	v18 =	vpop (erf)  }
0x44: {  	v18 =	vadd.f32 $1.000000000e+00, v18;
	_ =	sdelay $0x1  }
0x45: {  	(erf) = vrcp.f32 v18;
	_ =	sdelay $0x7  }
0x46: {  	s20 =	sadd.s32 $0x1, s20  }
0x47: {  	p0 =	sne.s32 s20, s9;
	v18 =	vpop (erf)  }
.Ltmp1:
0x48: {  	[tilespmem:$0x11E00] =	vst v18;
	(pc) =	sbr.rel @!p0 .LBB2_15-.Ltmp1, $4  }
0x49: {  	[hbm4b:s8+s1] =	stream.linear.scatter [tilespmem:s18], [sflag:$0x4], $0x80, $0x38;
	[tilespmem:$0x11E80] =	vst v63  }
0x4a: {  	_ =	swait.ge [sflag:s19], $0x80  }
0x4b: {  	[sflag:s19] =	ssyncset.done $0x0  }
0x4c: {  	[sflag:s19] =	ssyncadd.s32 $0xFFFFFF80  }
.LBB2_1:
0x4d: {  	[tilespmem:s10], [sflag:$0x3] =	stream.linear.gather [hbm4b:s2+s1], $0x1200, $0x38;
	[tilespmem:$0x11E80] =	vst v63  }
0x4e: {  	_ = 	snop  }
0x4f: {  	[tilespmem:s1], [sflag:$0x1] =	stream.strided.gather [hbm4b:s4+s11], $0x8000, s12, s11, $0x38;
	[tilespmem:$0x11E80] =	vst v63  }
.Ltmp2:
0x50: {  	_ = 	snop;
	(pc) =	sbr.rel .LBB2_2-.Ltmp2, $4  }
0x51: {  	[tilespmem:s13], [sflag:$0x2] =	stream.strided.gather [hbm4b:s5+s11], $0x8000, s12, s11, $0x38;
	[tilespmem:$0x11E80] =	vst v63  }
0x52: {  	_ =	swait.ge [sflag:s14], $0x1200  }
0x53: {  	v47 =	vimm.f32 $-Inf;
	v48 =	vimm.f32 $-Inf;
	[sflag:s14] =	ssyncset.done $0x0  }
0x54: {  	p0 =	por $0x0, $0x0;
	v49 =	vimm.f32 $-Inf;
	v50 =	vimm.f32 $-Inf;
	v51 =	vimm.f32 $-Inf;
	s21 =	simm.s32 $0x0;
	[sflag:s14] =	ssyncadd.s32 $0xFFFFEE00  }
.LBB2_9:
0x55: {  	v31 =	vimm.f32 $-Inf;
	v28 =	vimm.f32 $-Inf  }
0x56: {  	v29 =	vimm.f32 $-Inf;
	v30 =	vimm.f32 $-Inf;
	v32 =	vimm.f32 $-Inf  }
.LBB2_13:
0x57: {  	_ =	sdelay $0x2  }
0x58: {  	[tilespmem:$0x10980] =	vst v31  }
0x59: {  	v18 =	vld.idx.msk [tilespmem:v45+s16+$0x0], $0xffff  }
0x5a: {  	[tilespmem:$0x10980] =	vst v28  }
0x5b: {  	v19 =	vld.idx.msk [tilespmem:v45+s16+$0x0], $0xffff;
	[tilespmem:$0x10980] =	vst v29  }
0x5c: {  	v23 =	vld.idx.msk [tilespmem:v45+s16+$0x0], $0xffff;
	[tilespmem:$0x10980] =	vst v30  }
0x5d: {  	v24 =	vld.idx.msk [tilespmem:v45+s16+$0x0], $0xffff;
	[tilespmem:$0x10980] =	vst v32  }
0x5e: {  	v25 =	vld.idx.msk [tilespmem:v45+s16+$0x0], $0xffff;
	v26 =	vmax.f32 v31, v18  }
0x5f: {  	v33 =	vmin.f32 v31, v18;
	v37 =	vmin.f32 v28, v18;
	v61 =	vmin.f32 v29, v18  }
0x60: {  	v18 =	vmin.f32 v30, v18;
	v27 =	vmax.f32 v28, v19;
	v34 =	vmin.f32 v31, v19  }
0x61: {  	v59 =	vmin.f32 v28, v19;
	v19 =	vmin.f32 v29, v19;
	v27 =	vmax.f32 v27, v33  }
0x62: {  	v57 =	vmax.f32 v29, v23;
	v35 =	vmin.f32 v31, v23;
	v23 =	vmin.f32 v28, v23  }
0x63: {  	[tilespmem:$0x10980] =	vst v26;
	v58 =	vmax.f32 v30, v24;
	v24 =	vmin.f32 v31, v24;
	v25 =	vmax.f32 v32, v25  }
0x64: {  	v36 =	vld.idx.msk [tilespmem:v46+s16+$0x0], $0xffff;
	v33 =	vmax.f32 v57, v34;
	v34 =	vmax.f32 v58, v35;
	v24 =	vmax.f32 v25, v24  }
0x65: {  	[tilespmem:$0x10980] =	vst v27;
	v33 =	vmax.f32 v33, v37;
	v34 =	vmax.f32 v34, v59;
	v23 =	vmax.f32 v24, v23  }
0x66: {  	v60 =	vld.idx.msk [tilespmem:v46+s16+$0x0], $0xffff;
	[tilespmem:$0x10980] =	vst v33;
	v62 =	vmax.f32 v34, v61;
	v19 =	vmax.f32 v23, v19  }
0x67: {  	v63 =	vld.idx.msk [tilespmem:v46+s16+$0x0], $0xffff;
	[tilespmem:$0x10980] =	vst v62;
	v18 =	vmax.f32 v19, v18  }
0x68: {  	v23 =	vld.idx.msk [tilespmem:v46+s16+$0x0], $0xffff;
	[tilespmem:$0x10980] =	vst v18  }
0x69: {  	v19 =	vld.idx.msk [tilespmem:v46+s16+$0x0], $0xffff  }
0x6a: {  	v24 =	vmax.f32 v26, v36;
	v40 =	vmin.f32 v26, v36;
	v52 =	vmin.f32 v27, v36  }
0x6b: {  	v55 =	vmin.f32 v33, v36;
	v39 =	vmax.f32 v27, v60;
	v42 =	vmin.f32 v26, v60  }
0x6c: {  	v53 =	vmin.f32 v27, v60;
	v28 =	vmax.f32 v39, v40;
	[tilespmem:$0x10980] =	vst v24;
	v41 =	vmax.f32 v33, v63  }
0x6d: {  	v44 =	vmin.f32 v26, v63;
	v34 =	vld.idx.msk [tilespmem:v20+s16+$0x0], $0xffff;
	v29 =	vmax.f32 v41, v42;
	v43 =	vmax.f32 v62, v23  }
0x6e: {  	[tilespmem:$0x10980] =	vst v28;
	v29 =	vmax.f32 v29, v52;
	v18 =	vmax.f32 v18, v19;
	v19 =	vmin.f32 v26, v23  }
0x6f: {  	v54 =	vld.idx.msk [tilespmem:v20+s16+$0x0], $0xffff;
	v30 =	vmax.f32 v43, v44;
	v18 =	vmax.f32 v18, v19;
	v19 =	vmin.f32 v27, v63  }
0x70: {  	[tilespmem:$0x10980] =	vst v29;
	v30 =	vmax.f32 v30, v53;
	v18 =	vmax.f32 v18, v19;
	v19 =	vmin.f32 v33, v60  }
0x71: {  	v56 =	vld.idx.msk [tilespmem:v20+s16+$0x0], $0xffff;
	v23 =	vmax.f32 v30, v55;
	v18 =	vmax.f32 v18, v19;
	v19 =	vmin.f32 v62, v36  }
0x72: {  	[tilespmem:$0x10980] =	vst v23;
	v18 =	vmax.f32 v18, v19  }
0x73: {  	v57 =	vld.idx.msk [tilespmem:v20+s16+$0x0], $0xffff;
	[tilespmem:$0x10980] =	vst v18  }
0x74: {  	v19 =	vld.idx.msk [tilespmem:v20+s16+$0x0], $0xffff  }
0x75: {  	v27 =	vmax.f32 v24, v34;
	v59 =	vmin.f32 v24, v34;
	v41 =	vmin.f32 v28, v34  }
0x76: {  	v44 =	vmin.f32 v29, v34;
	v61 =	vmin.f32 v24, v54;
	v60 =	vmax.f32 v29, v56  }
0x77: {  	v58 =	vmax.f32 v28, v54;
	v42 =	vmin.f32 v28, v54;
	v31 =	vmax.f32 v60, v61  }
0x78: {  	v30 =	vmax.f32 v58, v59;
	v63 =	vmin.f32 v24, v56;
	[tilespmem:$0x10980] =	vst v27;
	v31 =	vmax.f32 v31, v41  }
0x79: {  	v40 =	vld.idx.msk [tilespmem:v21+s16+$0x0], $0xffff;
	v62 =	vmax.f32 v23, v57;
	v18 =	vmax.f32 v18, v19;
	v19 =	vmin.f32 v24, v57  }
0x7a: {  	[tilespmem:$0x10980] =	vst v30;
	v33 =	vmax.f32 v62, v63;
	v18 =	vmax.f32 v18, v19;
	v19 =	vmin.f32 v28, v56  }
0x7b: {  	v43 =	vld.idx.msk [tilespmem:v21+s16+$0x0], $0xffff;
	v33 =	vmax.f32 v33, v42;
	v18 =	vmax.f32 v18, v19;
	v19 =	vmin.f32 v29, v54  }
0x7c: {  	[tilespmem:$0x10980] =	vst v31;
	v24 =	vmax.f32 v33, v44;
	v18 =	vmax.f32 v18, v19;
	v19 =	vmin.f32 v23, v34  }
0x7d: {  	p1 =	seq.s32 s21, $0x1;
	v52 =	vld.idx.msk [tilespmem:v21+s16+$0x0], $0xffff;
	[tilespmem:$0x10980] =	vst v24;
	v18 =	vmax.f32 v18, v19  }
0x7e: {  	s22 =	simm.s32 @p1 $0x80;
	v63 =	vmov s21;
	v23 =	vld.idx.msk [tilespmem:v21+s16+$0x0], $0xffff;
	[tilespmem:$0x10980] =	vst v18  }
0x7f: {  	s23 =	simm.s32 @p1 $0x400;
	s24 =	simm.s32 @p1 $0x8000;
	p2 =	sne.s32 @!p1 s21, $0x0;
	vm0 =	veq.s32 v63, v0;
	v19 =	vld.idx.msk [tilespmem:v21+s16+$0x0], $0xffff  }
0x80: {  	v59 =	vmin.f32 v30, v40;
	v61 =	vmax.f32 v27, v40;
	v62 =	vmin.f32 v31, v40;
	[tilespmem:s24], [sflag:$0x2] =	stream.strided.gather @p1 [hbm4b:s6+s22], $0x8000, s23, s22, $0x38;
	[tilespmem:$0x11E80] =	vst v63  }
0x81: {  	s21 =	sadd.s32 $0x1, s21;
	v53 =	vmax.f32 v30, v43;
	v54 =	vmin.f32 v27, v40;
	v56 =	vmin.f32 v27, v43;
	p1 =	por p2, p1  }
0x82: {  	v60 =	vmin.f32 v30, v43;
	v51 =	vsel vm0, v61, v51;
	v55 =	vmax.f32 v31, v52;
	s22 =	simm.s32 @!p1 $0x80;
	s23 =	simm.s32 @!p1 $0x400;
	s24 =	simm.s32 @!p1 $0x0  }
0x83: {  	v26 =	vmax.f32 v53, v54;
	v58 =	vmin.f32 v27, v52;
	v28 =	vmax.f32 v55, v56;
	[tilespmem:s24], [sflag:$0x1] =	stream.strided.gather @!p1 [hbm4b:s7+s22], $0x8000, s23, s22, $0x38;
	[tilespmem:$0x11E80] =	vst v63  }
0x84: {  	v50 =	vsel vm0, v26, v50;
	p1 =	sne.s32 s21, $0x4;
	v18 =	vmax.f32 v18, v19;
	v19 =	vmin.f32 v27, v23  }
.Ltmp3:
0x85: {  	v57 =	vmax.f32 v24, v23;
	v18 =	vmax.f32 v18, v19;
	v19 =	vmin.f32 v30, v52;
	(pc) =	sbr.rel @!p1 .LBB2_14-.Ltmp3, $4  }
0x86: {  	v29 =	vmax.f32 v57, v58;
	v18 =	vmax.f32 v18, v19;
	v19 =	vmin.f32 v31, v43  }
0x87: {  	v29 =	vmax.f32 v29, v60;
	v18 =	vmax.f32 v18, v19;
	v19 =	vmin.f32 v24, v40  }
0x88: {  	v28 =	vmax.f32 v28, v59;
	v23 =	vmax.f32 v29, v62;
	v18 =	vmax.f32 v18, v19  }
0x89: {  	p0 =	por !p0, !p0;
	v49 =	vsel vm0, v28, v49;
	v48 =	vsel vm0, v23, v48;
	v47 =	vsel vm0, v18, v47  }
.LBB2_2:
0x8a: {  	s22 =	sand.u32 $0x1, s21  }
0x8b: {  	p1 =	seq.s32 s22, $0x1  }
0x8c: {  	s23 =	simm.s32 @!p1 $0x1  }
0x8d: {  	_ =	swait.ge @!p1 [sflag:s23], $0x8000  }
0x8e: {  	p2 =	seq.s32 s22, $0x0;
	[sflag:s23] =	ssyncset.done @!p1 $0x0  }
0x8f: {  	s25 =	simm.s32 @!p2 $0x2;
	[sflag:s23] =	ssyncadd.s32 @!p1 $0xFFFF8000;
	s23 =	simm.s32 $0x1  }
0x90: {  	s23 =	simm.s32 @!p0 $0x0;
	_ =	swait.ge @!p2 [sflag:s25], $0x8000  }
0x91: {  	s23 =	sshll.u32 s23, $0xF;
	[sflag:s25] =	ssyncset.done @!p2 $0x0  }
0x92: {  	s24 =	sor.u32 $0x200, s23;
	[sflag:s25] =	ssyncadd.s32 @!p2 $0xFFFF8000  }
0x93: {  	v28 =	vld [tilespmem:s24+$0xFFFFFE00]  }
0x94: {  	v29 =	vld [tilespmem:s24+$0xFFFFFEF0]  }
0x95: {  	v30 =	vld [tilespmem:s24+$0xFFFFFEE0]  }
0x96: {  	v31 =	vld [tilespmem:s24+$0xFFFFFED0]  }
0x97: {  	v32 =	vld [tilespmem:s24+$0xFFFFFEC0]  }
0x98: {  	v33 =	vld [tilespmem:s24+$0xFFFFFEB0]  }
0x99: {  	v34 =	vld [tilespmem:s24+$0xFFFFFEA0]  }
0x9a: {  	v35 =	vld [tilespmem:s24+$0xFFFFFE90]  }
0x9b: {  	v36 =	vld [tilespmem:s24+$0xFFFFFE80]  }
0x9c: {  	v37 =	vld [tilespmem:s24+$0xFFFFFE70]  }
0x9d: {  	v38 =	vld [tilespmem:s24+$0xFFFFFE60]  }
0x9e: {  	v39 =	vld [tilespmem:s24+$0xFFFFFE50]  }
0x9f: {  	v40 =	vld [tilespmem:s24+$0xFFFFFE40]  }
0xa0: {  	v41 =	vld [tilespmem:s24+$0xFFFFFE30]  }
0xa1: {  	v42 =	vld [tilespmem:s24+$0xFFFFFE20]  }
0xa2: {  	v43 =	vld [tilespmem:s24+$0xFFFFFE10];
	_ =	sdelay $0x2  }
0xa3: {  	v29 =	vmax.f32 v30, v29;
	v30 =	vmax.f32 v34, v33;
	v62 =	vmax.f32 v36, v35  }
0xa4: {  	v31 =	vmax.f32 v32, v31;
	v63 =	vmax.f32 v38, v37;
	v24 =	vmax.f32 v40, v39  }
0xa5: {  	v25 =	vmax.f32 v42, v41;
	v28 =	vmax.f32 v28, v43;
	v30 =	vmax.f32 v62, v30  }
0xa6: {  	v28 =	vmax.f32 v28, v25;
	v32 =	vmax.f32 v24, v63;
	v29 =	vmax.f32 v31, v29  }
0xa7: {  	v28 =	vmax.f32 v28, v32;
	v29 =	vmax.f32 v30, v29  }
0xa8: {  	s26 =	simm.s32 $0x10020;
	v28 =	vmax.f32 v28, v29  }
0xa9: {  	[tilespmem:s26+$0xFFFFFFE0] =	vst v28  }
0xaa: {  	v28 =	vld [tilespmem:s24+$0xFFFFFF20]  }
0xab: {  	v29 =	vld [tilespmem:s24+$0xFFFFFFB0]  }
0xac: {  	v30 =	vld [tilespmem:s24+$0xFFFFFF50]  }
0xad: {  	v31 =	vld [tilespmem:s24+$0xFFFFFF90]  }
0xae: {  	v26 =	vld [tilespmem:s24+$0xFFFFFFD0]  }
0xaf: {  	v52 =	vld [tilespmem:s24+$0xFFFFFFA0]  }
0xb0: {  	v53 =	vld [tilespmem:s24+$0xFFFFFF10]  }
0xb1: {  	v54 =	vld [tilespmem:s24+$0xFFFFFF70]  }
0xb2: {  	v55 =	vld [tilespmem:s24+$0xFFFFFF30]  }
0xb3: {  	v56 =	vld [tilespmem:s24+$0xFFFFFF60]  }
0xb4: {  	v57 =	vld [tilespmem:s24+$0xFFFFFFF0]  }
0xb5: {  	v58 =	vld [tilespmem:s24+$0xFFFFFF40]  }
0xb6: {  	v59 =	vld [tilespmem:s24+$0xFFFFFFE0]  }
0xb7: {  	v60 =	vld [tilespmem:s24+$0xFFFFFFC0]  }
0xb8: {  	v61 =	vld [tilespmem:s24+$0xFFFFFF80]  }
0xb9: {  	v62 =	vld [tilespmem:s24+$0xFFFFFF00];
	_ =	sdelay $0x2  }
0xba: {  	v28 =	vmax.f32 v28, v55;
	v35 =	vmax.f32 v56, v54;
	v29 =	vmax.f32 v52, v29  }
0xbb: {  	v30 =	vmax.f32 v58, v30;
	v63 =	vmax.f32 v59, v57;
	v31 =	vmax.f32 v61, v31  }
0xbc: {  	v32 =	vmax.f32 v60, v26;
	v34 =	vmax.f32 v62, v53;
	v29 =	vmax.f32 v31, v29  }
0xbd: {  	v28 =	vmax.f32 v34, v28;
	v30 =	vmax.f32 v30, v35;
	v31 =	vmax.f32 v32, v63  }
0xbe: {  	v28 =	vmax.f32 v28, v30;
	v29 =	vmax.f32 v29, v31  }
0xbf: {  	v28 =	vmax.f32 v28, v29  }
0xc0: {  	[tilespmem:s26+$0xFFFFFFF0] =	vst v28  }
0xc1: {  	v29 =	vld [tilespmem:s24+$0xE0]  }
0xc2: {  	v28 =	vld [tilespmem:s24+$0xB0]  }
0xc3: {  	s28 =	simm.s32 $0x0;
	s22 =	sshll.u32 s22, $0xF;
	v31 =	vld [tilespmem:s24+$0xF0]  }
0xc4: {  	s23 =	simm.s32 $0x10800;
	s25 =	simm.s32 $0x10020;
	s29 =	smov.u32 s24;
	v30 =	vld [tilespmem:s24+$0xA0]  }
.LBB2_3:
0xc5: {  	s28 =	sadd.s32 $0x4, s28;
	v32 =	vld [tilespmem:s24+$0xD0];
	s29 =	sadd.s32 $0x400, s29;
	s26 =	sadd.s32 $0x40, s26  }
0xc6: {  	p1 =	slt.u32 s28, $0x7C;
	v33 =	vld [tilespmem:s24+$0x90]  }
0xc7: {  	v34 =	vld [tilespmem:s24+$0xC0]  }
0xc8: {  	v35 =	vld [tilespmem:s24+$0x50];
	v29 =	vmax.f32 v29, v31  }
0xc9: {  	v31 =	vld [tilespmem:s24+$0x70]  }
0xca: {  	v36 =	vld [tilespmem:s24+$0x30]  }
0xcb: {  	v37 =	vld [tilespmem:s24+$0x10]  }
0xcc: {  	v28 =	vmax.f32 v30, v28;
	v38 =	vld [tilespmem:s24+$0x60]  }
0xcd: {  	v30 =	vld [tilespmem:s24+$0x80]  }
0xce: {  	v39 =	vld [tilespmem:s24+$0x40]  }
0xcf: {  	v40 =	vld [tilespmem:s24+$0x20]  }
0xd0: {  	v32 =	vmax.f32 v34, v32;
	v41 =	vld [tilespmem:s24+$0x0]  }
0xd1: {  	v31 =	vmax.f32 v38, v31  }
0xd2: {  	v30 =	vmax.f32 v30, v33  }
0xd3: {  	v33 =	vmax.f32 v39, v35;
	v28 =	vmax.f32 v30, v28  }
0xd4: {  	v29 =	vmax.f32 v32, v29;
	v30 =	vmax.f32 v40, v36  }
0xd5: {  	v28 =	vmax.f32 v28, v29;
	v32 =	vmax.f32 v41, v37  }
0xd6: {  	v29 =	vmax.f32 v32, v30;
	v30 =	vmax.f32 v33, v31  }
0xd7: {  	v29 =	vmax.f32 v29, v30  }
0xd8: {  	v28 =	vmax.f32 v29, v28  }
0xd9: {  	[tilespmem:s25+$0x0] =	vst v28  }
0xda: {  	v28 =	vld [tilespmem:s24+$0x1F0]  }
0xdb: {  	v29 =	vld [tilespmem:s24+$0x110]  }
0xdc: {  	v30 =	vld [tilespmem:s24+$0x100]  }
0xdd: {  	v31 =	vld [tilespmem:s24+$0x170]  }
0xde: {  	v32 =	vld [tilespmem:s24+$0x1B0]  }
0xdf: {  	v33 =	vld [tilespmem:s24+$0x1D0]  }
0xe0: {  	v34 =	vld [tilespmem:s24+$0x190]  }
0xe1: {  	v35 =	vld [tilespmem:s24+$0x120];
	v29 =	vmax.f32 v30, v29  }
0xe2: {  	v30 =	vld [tilespmem:s24+$0x1A0]  }
0xe3: {  	v36 =	vld [tilespmem:s24+$0x1E0]  }
0xe4: {  	v37 =	vld [tilespmem:s24+$0x150]  }
0xe5: {  	v38 =	vld [tilespmem:s24+$0x160]  }
0xe6: {  	v39 =	vld [tilespmem:s24+$0x180]  }
0xe7: {  	v40 =	vld [tilespmem:s24+$0x130]  }
0xe8: {  	v41 =	vld [tilespmem:s24+$0x1C0]  }
0xe9: {  	v30 =	vmax.f32 v30, v32;
	v42 =	vld [tilespmem:s24+$0x140];
	s24 =	smov.u32 s29  }
0xea: {  	v31 =	vmax.f32 v38, v31  }
0xeb: {  	v32 =	vmax.f32 v39, v34  }
0xec: {  	v28 =	vmax.f32 v36, v28;
	v30 =	vmax.f32 v32, v30  }
0xed: {  	v32 =	vmax.f32 v35, v40;
	v33 =	vmax.f32 v41, v33  }
0xee: {  	v29 =	vmax.f32 v29, v32;
	v34 =	vmax.f32 v42, v37;
	v28 =	vmax.f32 v33, v28  }
0xef: {  	v31 =	vmax.f32 v34, v31;
	v28 =	vmax.f32 v30, v28  }
0xf0: {  	v29 =	vmax.f32 v29, v31  }
0xf1: {  	v28 =	vmax.f32 v29, v28  }
0xf2: {  	[tilespmem:s25+$0x10] =	vst v28;
	s25 =	smov.u32 s26  }
0xf3: {  	v28 =	vld [tilespmem:s29+$0xFFFFFE00]  }
0xf4: {  	v29 =	vld [tilespmem:s29+$0xFFFFFEF0]  }
0xf5: {  	v30 =	vld [tilespmem:s29+$0xFFFFFEE0]  }
0xf6: {  	v31 =	vld [tilespmem:s29+$0xFFFFFED0]  }
0xf7: {  	v32 =	vld [tilespmem:s29+$0xFFFFFEC0]  }
0xf8: {  	v33 =	vld [tilespmem:s29+$0xFFFFFEB0]  }
0xf9: {  	v34 =	vld [tilespmem:s29+$0xFFFFFEA0]  }
0xfa: {  	v35 =	vld [tilespmem:s29+$0xFFFFFE90];
	v29 =	vmax.f32 v30, v29  }
0xfb: {  	v30 =	vld [tilespmem:s29+$0xFFFFFE80]  }
0xfc: {  	v36 =	vld [tilespmem:s29+$0xFFFFFE70];
	v31 =	vmax.f32 v32, v31  }
0xfd: {  	v32 =	vld [tilespmem:s29+$0xFFFFFE60]  }
0xfe: {  	v37 =	vld [tilespmem:s29+$0xFFFFFE50];
	v33 =	vmax.f32 v34, v33  }
0xff: {  	v34 =	vld [tilespmem:s29+$0xFFFFFE40]  }
0x100: {  	v38 =	vld [tilespmem:s29+$0xFFFFFE30];
	v30 =	vmax.f32 v30, v35  }
0x101: {  	v35 =	vld [tilespmem:s29+$0xFFFFFE20];
	v30 =	vmax.f32 v30, v33  }
0x102: {  	v33 =	vld [tilespmem:s29+$0xFFFFFE10];
	v32 =	vmax.f32 v32, v36;
	_ =	sdelay $0x1  }
0x103: {  	v34 =	vmax.f32 v34, v37;
	_ =	sdelay $0x1  }
0x104: {  	v35 =	vmax.f32 v35, v38  }
0x105: {  	v28 =	vmax.f32 v28, v33  }
0x106: {  	v29 =	vmax.f32 v31, v29;
	v32 =	vmax.f32 v34, v32;
	v28 =	vmax.f32 v28, v35  }
0x107: {  	v29 =	vmax.f32 v30, v29;
	v28 =	vmax.f32 v28, v32  }
0x108: {  	v28 =	vmax.f32 v28, v29  }
0x109: {  	[tilespmem:s26+$0xFFFFFFE0] =	vst v28  }
0x10a: {  	v28 =	vld [tilespmem:s29+$0xFFFFFF20]  }
0x10b: {  	v29 =	vld [tilespmem:s29+$0xFFFFFFB0]  }
0x10c: {  	v30 =	vld [tilespmem:s29+$0xFFFFFF50]  }
0x10d: {  	v31 =	vld [tilespmem:s29+$0xFFFFFF90]  }
0x10e: {  	v32 =	vld [tilespmem:s29+$0xFFFFFFD0]  }
0x10f: {  	v33 =	vld [tilespmem:s29+$0xFFFFFFA0]  }
0x110: {  	v34 =	vld [tilespmem:s29+$0xFFFFFF10]  }
0x111: {  	v35 =	vld [tilespmem:s29+$0xFFFFFF70]  }
0x112: {  	v36 =	vld [tilespmem:s29+$0xFFFFFF30]  }
0x113: {  	v37 =	vld [tilespmem:s29+$0xFFFFFF60]  }
0x114: {  	v38 =	vld [tilespmem:s29+$0xFFFFFFF0]  }
0x115: {  	v39 =	vld [tilespmem:s29+$0xFFFFFF40]  }
0x116: {  	v40 =	vld [tilespmem:s29+$0xFFFFFFE0]  }
0x117: {  	v41 =	vld [tilespmem:s29+$0xFFFFFFC0];
	v28 =	vmax.f32 v28, v36  }
0x118: {  	v36 =	vld [tilespmem:s29+$0xFFFFFF80];
	v35 =	vmax.f32 v37, v35  }
0x119: {  	v29 =	vmax.f32 v33, v29;
	v37 =	vld [tilespmem:s29+$0xFFFFFF00]  }
0x11a: {  	v30 =	vmax.f32 v39, v30  }
0x11b: {  	v33 =	vmax.f32 v40, v38  }
0x11c: {  	v32 =	vmax.f32 v41, v32  }
0x11d: {  	v31 =	vmax.f32 v36, v31  }
0x11e: {  	v34 =	vmax.f32 v37, v34;
	v29 =	vmax.f32 v31, v29  }
0x11f: {  	v30 =	vmax.f32 v30, v35;
	v31 =	vmax.f32 v32, v33;
	v28 =	vmax.f32 v34, v28  }
0x120: {  	v29 =	vmax.f32 v29, v31;
	v28 =	vmax.f32 v28, v30  }
0x121: {  	v28 =	vmax.f32 v28, v29  }
.Ltmp4:
0x122: {  	[tilespmem:s26+$0xFFFFFFF0] =	vst v28;
	(pc) =	sbr.rel @p1 .LBB2_3-.Ltmp4, $4  }
0x123: {  	v29 =	vld [tilespmem:s29+$0xE0]  }
0x124: {  	v28 =	vld [tilespmem:s29+$0xB0]  }
0x125: {  	v31 =	vld [tilespmem:s29+$0xF0]  }
0x126: {  	v30 =	vld [tilespmem:s29+$0xA0]  }
0x127: {  	v32 =	vld [tilespmem:s24+$0xD0]  }
0x128: {  	v33 =	vld [tilespmem:s24+$0x90]  }
0x129: {  	v34 =	vld [tilespmem:s24+$0xC0]  }
0x12a: {  	v35 =	vld [tilespmem:s24+$0x50]  }
0x12b: {  	v36 =	vld [tilespmem:s24+$0x70]  }
0x12c: {  	v37 =	vld [tilespmem:s24+$0x30]  }
0x12d: {  	v38 =	vld [tilespmem:s24+$0x10]  }
0x12e: {  	v39 =	vld [tilespmem:s24+$0x60]  }
0x12f: {  	v40 =	vld [tilespmem:s24+$0x80]  }
0x130: {  	v41 =	vld [tilespmem:s24+$0x40]  }
0x131: {  	v42 =	vld [tilespmem:s24+$0x20]  }
0x132: {  	v43 =	vld [tilespmem:s24+$0x0];
	_ =	sdelay $0x2  }
0x133: {  	v29 =	vmax.f32 v29, v31;
	v28 =	vmax.f32 v30, v28;
	v30 =	vmax.f32 v34, v32  }
0x134: {  	v31 =	vmax.f32 v39, v36;
	v44 =	vmax.f32 v40, v33;
	v52 =	vmax.f32 v41, v35  }
0x135: {  	v53 =	vmax.f32 v42, v37;
	v54 =	vmax.f32 v43, v38;
	v28 =	vmax.f32 v44, v28  }
0x136: {  	v29 =	vmax.f32 v30, v29;
	v30 =	vmax.f32 v54, v53;
	v31 =	vmax.f32 v52, v31  }
0x137: {  	v28 =	vmax.f32 v28, v29;
	v29 =	vmax.f32 v30, v31  }
0x138: {  	v28 =	vmax.f32 v29, v28  }
0x139: {  	[tilespmem:s25+$0x0] =	vst v28  }
0x13a: {  	v28 =	vld [tilespmem:s24+$0x1F0]  }
0x13b: {  	v29 =	vld [tilespmem:s24+$0x110]  }
0x13c: {  	v30 =	vld [tilespmem:s24+$0x100]  }
0x13d: {  	v31 =	vld [tilespmem:s24+$0x170]  }
0x13e: {  	v55 =	vld [tilespmem:s24+$0x1B0]  }
0x13f: {  	v56 =	vld [tilespmem:s24+$0x1D0]  }
0x140: {  	v57 =	vld [tilespmem:s24+$0x190]  }
0x141: {  	v58 =	vld [tilespmem:s24+$0x120]  }
0x142: {  	v59 =	vld [tilespmem:s24+$0x1A0]  }
0x143: {  	v60 =	vld [tilespmem:s24+$0x1E0]  }
0x144: {  	v61 =	vld [tilespmem:s24+$0x150]  }
0x145: {  	v62 =	vld [tilespmem:s24+$0x160]  }
0x146: {  	v63 =	vld [tilespmem:s24+$0x180]  }
0x147: {  	v24 =	vld [tilespmem:s24+$0x130]  }
0x148: {  	v25 =	vld [tilespmem:s24+$0x1C0]  }
0x149: {  	v26 =	vld [tilespmem:s24+$0x140]  }
0x14a: {  	v54 =	vor.u32 s30, v1  }
0x14b: {  	v32 =	vand.u32 v2, v54;
	v29 =	vmax.f32 v30, v29  }
0x14c: {  	v30 =	vmax.f32 v59, v55;
	v44 =	vmax.f32 v63, v57;
	v31 =	vmax.f32 v62, v31  }
0x14d: {  	v28 =	vmax.f32 v60, v28;
	v52 =	vmax.f32 v58, v24;
	v33 =	vmax.f32 v25, v56  }
0x14e: {  	v53 =	vmax.f32 v26, v61;
	v55 =	vor.u32 s30, v3;
	v30 =	vmax.f32 v44, v30  }
0x14f: {  	v29 =	vmax.f32 v29, v52;
	v28 =	vmax.f32 v33, v28;
	v31 =	vmax.f32 v53, v31  }
0x150: {  	v56 =	vor.u32 s30, v7;
	v28 =	vmax.f32 v30, v28;
	v29 =	vmax.f32 v29, v31  }
0x151: {  	v57 =	vor.u32 s30, v8;
	v28 =	vmax.f32 v29, v28  }
0x152: {  	v58 =	vor.u32 s30, v9;
	[tilespmem:s25+$0x10] =	vst v28  }
0x153: {  	v59 =	vor.u32 s30, v10;
	v31 =	vld.idx.msk [tilespmem:v55+s15+$0x0], $0xffff  }
0x154: {  	v60 =	vor.u32 s30, v11;
	v32 =	vld.idx.msk [tilespmem:v32+s15+$0x0], $0xffff  }
0x155: {  	v61 =	vor.u32 s30, v12;
	v33 =	vld.idx.msk [tilespmem:v56+s15+$0x0], $0xffff  }
0x156: {  	v62 =	vor.u32 s30, v13;
	v34 =	vld.idx.msk [tilespmem:v57+s15+$0x0], $0xffff  }
0x157: {  	v63 =	vor.u32 s30, v14;
	v35 =	vld.idx.msk [tilespmem:v58+s15+$0x0], $0xffff  }
0x158: {  	v24 =	vor.u32 s30, v15;
	v36 =	vld.idx.msk [tilespmem:v59+s15+$0x0], $0xffff  }
0x159: {  	v25 =	vor.u32 s30, v16;
	v37 =	vld.idx.msk [tilespmem:v60+s15+$0x0], $0xffff  }
0x15a: {  	v26 =	vor.u32 s30, v17;
	v38 =	vld.idx.msk [tilespmem:v61+s15+$0x0], $0xffff  }
0x15b: {  	v30 =	vor.u32 s30, v4;
	v39 =	vld.idx.msk [tilespmem:v62+s15+$0x0], $0xffff  }
0x15c: {  	v29 =	vor.u32 s30, v5;
	v40 =	vld.idx.msk [tilespmem:v63+s15+$0x0], $0xffff  }
0x15d: {  	v28 =	vor.u32 s30, v6;
	v41 =	vld.idx.msk [tilespmem:v24+s15+$0x0], $0xffff  }
0x15e: {  	v42 =	vld.idx.msk [tilespmem:v25+s15+$0x0], $0xffff  }
0x15f: {  	v43 =	vld.idx.msk [tilespmem:v26+s15+$0x0], $0xffff  }
0x160: {  	v30 =	vld.idx.msk [tilespmem:v30+s15+$0x0], $0xffff  }
0x161: {  	v29 =	vld.idx.msk [tilespmem:v29+s15+$0x0], $0xffff  }
0x162: {  	v28 =	vld.idx.msk [tilespmem:v28+s15+$0x0], $0xffff  }
0x163: {  	s24 =	simm.s32 $0x100  }
0x164: {  	v44 =	vor.u32 s24, v1;
	v31 =	vmax.f32 v32, v31;
	v52 =	vmax.f32 v36, v37  }
0x165: {  	v53 =	vmax.f32 v38, v39;
	v54 =	vmax.f32 v40, v41;
	v55 =	vmax.f32 v42, v43  }
0x166: {  	v29 =	vmax.f32 v30, v29;
	v30 =	vand.u32 v2, v44;
	v44 =	vor.u32 s24, v3  }
0x167: {  	v29 =	vmax.f32 v31, v29;
	v28 =	vmax.f32 v28, v33;
	v31 =	vmax.f32 v34, v35  }
0x168: {  	v56 =	vmax.f32 v54, v55;
	v28 =	vmax.f32 v28, v31;
	v31 =	vmax.f32 v52, v53  }
0x169: {  	v57 =	vor.u32 s24, v4;
	v28 =	vmax.f32 v29, v28;
	v29 =	vmax.f32 v31, v56  }
0x16a: {  	v59 =	vor.u32 s24, v7;
	v28 =	vmax.f32 v28, v29  }
0x16b: {  	v60 =	vor.u32 s24, v8;
	[tilespmem:s23+$0x0] =	vst v28  }
0x16c: {  	v61 =	vor.u32 s24, v9;
	v28 =	vld.idx.msk [tilespmem:v44+s15+$0x0], $0xffff  }
0x16d: {  	v62 =	vor.u32 s24, v10;
	v29 =	vld.idx.msk [tilespmem:v30+s15+$0x0], $0xffff  }
0x16e: {  	v63 =	vor.u32 s24, v11;
	v30 =	vld.idx.msk [tilespmem:v57+s15+$0x0], $0xffff  }
0x16f: {  	v31 =	vor.u32 s24, v5;
	v33 =	vld.idx.msk [tilespmem:v59+s15+$0x0], $0xffff  }
0x170: {  	v58 =	vor.u32 s24, v6;
	v34 =	vld.idx.msk [tilespmem:v60+s15+$0x0], $0xffff  }
0x171: {  	v39 =	vor.u32 s24, v12;
	v35 =	vld.idx.msk [tilespmem:v61+s15+$0x0], $0xffff  }
0x172: {  	v38 =	vor.u32 s24, v13;
	v36 =	vld.idx.msk [tilespmem:v62+s15+$0x0], $0xffff  }
0x173: {  	v40 =	vor.u32 s24, v14;
	v37 =	vld.idx.msk [tilespmem:v63+s15+$0x0], $0xffff  }
0x174: {  	v41 =	vor.u32 s24, v15;
	v32 =	vld.idx.msk [tilespmem:v31+s15+$0x0], $0xffff  }
0x175: {  	s25 =	simm.s32 $0x200;
	v42 =	vor.u32 s24, v16;
	v31 =	vld.idx.msk [tilespmem:v58+s15+$0x0], $0xffff  }
.LBB2_5:
0x176: {  	p1 =	sne.s32 s25, $0x700;
	v39 =	vld.idx.msk [tilespmem:v39+s15+$0x0], $0xffff;
	v43 =	vor.u32 s24, v17;
	s24 =	smov.u32 s25  }
0x177: {  	v38 =	vld.idx.msk [tilespmem:v38+s15+$0x0], $0xffff  }
0x178: {  	v40 =	vld.idx.msk [tilespmem:v40+s15+$0x0], $0xffff  }
0x179: {  	v41 =	vld.idx.msk [tilespmem:v41+s15+$0x0], $0xffff  }
0x17a: {  	v42 =	vld.idx.msk [tilespmem:v42+s15+$0x0], $0xffff  }
0x17b: {  	v43 =	vld.idx.msk [tilespmem:v43+s15+$0x0], $0xffff;
	_ =	sdelay $0x2  }
0x17c: {  	v44 =	vor.u32 s25, v1;
	v28 =	vmax.f32 v29, v28;
	v29 =	vmax.f32 v30, v32  }
0x17d: {  	v32 =	vor.u32 s25, v3;
	v30 =	vand.u32 v2, v44;
	v28 =	vmax.f32 v28, v29  }
0x17e: {  	v29 =	vmax.f32 v31, v33;
	v31 =	vmax.f32 v34, v35;
	v33 =	vmax.f32 v36, v37  }
0x17f: {  	v34 =	vmax.f32 v39, v38;
	v35 =	vmax.f32 v40, v41;
	v36 =	vmax.f32 v42, v43  }
0x180: {  	v29 =	vmax.f32 v29, v31;
	v31 =	vmax.f32 v33, v34;
	v33 =	vmax.f32 v35, v36  }
0x181: {  	v28 =	vmax.f32 v28, v29;
	v34 =	vor.u32 s25, v4;
	v29 =	vmax.f32 v31, v33  }
0x182: {  	s23 =	sadd.s32 $0x10, s23;
	v31 =	vor.u32 s25, v5;
	v28 =	vmax.f32 v28, v29  }
0x183: {  	v33 =	vor.u32 s25, v6;
	[tilespmem:s23+$0x0] =	vst v28  }
0x184: {  	v35 =	vor.u32 s25, v7;
	v28 =	vld.idx.msk [tilespmem:v32+s15+$0x0], $0xffff  }
0x185: {  	v36 =	vor.u32 s25, v8;
	v29 =	vld.idx.msk [tilespmem:v30+s15+$0x0], $0xffff  }
0x186: {  	v37 =	vor.u32 s25, v9;
	v30 =	vld.idx.msk [tilespmem:v34+s15+$0x0], $0xffff  }
0x187: {  	v41 =	vor.u32 s25, v10;
	v32 =	vld.idx.msk [tilespmem:v31+s15+$0x0], $0xffff  }
0x188: {  	v42 =	vor.u32 s25, v11;
	v31 =	vld.idx.msk [tilespmem:v33+s15+$0x0], $0xffff  }
.Ltmp5:
0x189: {  	v39 =	vor.u32 s25, v12;
	v33 =	vld.idx.msk [tilespmem:v35+s15+$0x0], $0xffff;
	(pc) =	sbr.rel @p1 .LBB2_5-.Ltmp5, $4  }
0x18a: {  	v38 =	vor.u32 s25, v13;
	v34 =	vld.idx.msk [tilespmem:v36+s15+$0x0], $0xffff  }
0x18b: {  	v40 =	vor.u32 s25, v14;
	v35 =	vld.idx.msk [tilespmem:v37+s15+$0x0], $0xffff  }
0x18c: {  	v36 =	vld.idx.msk [tilespmem:v41+s15+$0x0], $0xffff;
	v41 =	vor.u32 s25, v15  }
0x18d: {  	s25 =	sadd.s32 $0x100, s25;
	v37 =	vld.idx.msk [tilespmem:v42+s15+$0x0], $0xffff;
	v42 =	vor.u32 s24, v16  }
0x18e: {  	_ =	sdelay $0x3  }
0x18f: {  	v39 =	vld.idx.msk [tilespmem:v39+s15+$0x0], $0xffff;
	v43 =	vor.u32 s24, v17  }
0x190: {  	v38 =	vld.idx.msk [tilespmem:v38+s15+$0x0], $0xffff  }
0x191: {  	v40 =	vld.idx.msk [tilespmem:v40+s15+$0x0], $0xffff  }
0x192: {  	v41 =	vld.idx.msk [tilespmem:v41+s15+$0x0], $0xffff  }
0x193: {  	v42 =	vld.idx.msk [tilespmem:v42+s15+$0x0], $0xffff  }
0x194: {  	v43 =	vld.idx.msk [tilespmem:v43+s15+$0x0], $0xffff;
	_ =	sdelay $0x1  }
0x195: {  	v28 =	vmax.f32 v29, v28;
	v29 =	vmax.f32 v30, v32  }
0x196: {  	v28 =	vmax.f32 v28, v29  }
0x197: {  	v29 =	vmax.f32 v31, v33;
	v30 =	vmax.f32 v34, v35;
	v31 =	vmax.f32 v36, v37  }
0x198: {  	v39 =	vmax.f32 v39, v38;
	v41 =	vmax.f32 v40, v41;
	v43 =	vmax.f32 v42, v43  }
0x199: {  	v29 =	vmax.f32 v29, v30;
	v30 =	vmax.f32 v31, v39;
	v31 =	vmax.f32 v41, v43  }
0x19a: {  	v28 =	vmax.f32 v28, v29;
	v29 =	vmax.f32 v30, v31  }
0x19b: {  	s23 =	sadd.s32 $0x10, s23;
	v28 =	vmax.f32 v28, v29  }
0x19c: {  	[tilespmem:s23+$0x0] =	vst v28  }
0x19d: {  	v28 =	vld [tilespmem:$0x10800]  }
0x19e: {  	v29 =	vld [tilespmem:$0x10810];
	_ =	sdelay $0x1  }
0x19f: {  	v30 =	vld [tilespmem:$0x10820];
	_ =	sdelay $0x1  }
0x1a0: {  	v31 =	vld [tilespmem:$0x10830]  }
0x1a1: {  	v44 =	vmin.f32 v28, $-Inf;
	v52 =	vmin.f32 v28, v29  }
0x1a2: {  	v54 =	vld [tilespmem:$0x10840];
	v28 =	vmax.f32 v28, v29;
	v29 =	vmin.f32 v44, v52  }
0x1a3: {  	v56 =	vld [tilespmem:$0x10850];
	v33 =	vmax.f32 v44, v52;
	v53 =	vmin.f32 v28, v30;
	v28 =	vmax.f32 v28, v30  }
0x1a4: {  	v29 =	vmax.f32 v44, v29;
	v30 =	vmax.f32 v33, v53;
	v32 =	vmin.f32 v33, v53  }
0x1a5: {  	v58 =	vld [tilespmem:$0x10860];
	v55 =	vmin.f32 v28, v31;
	v28 =	vmax.f32 v28, v31;
	v33 =	vmax.f32 v29, v32  }
0x1a6: {  	v32 =	vmin.f32 v29, v32;
	v31 =	vmin.f32 v30, v55;
	v30 =	vmax.f32 v30, v55  }
0x1a7: {  	v60 =	vmin.f32 v28, v54;
	v28 =	vmax.f32 v28, v54;
	v29 =	vmax.f32 v29, v32  }
0x1a8: {  	v57 =	vmax.f32 v33, v31;
	v31 =	vmin.f32 v33, v31;
	v63 =	vmax.f32 v28, v56  }
0x1a9: {  	v28 =	vmin.f32 v28, v56;
	v59 =	vmax.f32 v29, v31;
	v31 =	vmin.f32 v29, v31  }
0x1aa: {  	v61 =	vld [tilespmem:$0x10870];
	v33 =	vmin.f32 v63, v58;
	v29 =	vmax.f32 v29, v31;
	v31 =	vmin.f32 v30, v60  }
0x1ab: {  	v30 =	vmax.f32 v30, v60;
	v62 =	vmax.f32 v57, v31;
	v31 =	vmin.f32 v57, v31  }
0x1ac: {  	v32 =	vmax.f32 v30, v28;
	v28 =	vmin.f32 v30, v28;
	v35 =	vmax.f32 v59, v31  }
0x1ad: {  	v31 =	vmin.f32 v59, v31;
	v30 =	vmax.f32 v32, v33;
	v24 =	vmax.f32 v62, v28  }
0x1ae: {  	v32 =	vmin.f32 v32, v33;
	v29 =	vmax.f32 v29, v31;
	v31 =	vmax.f32 v63, v58  }
0x1af: {  	v28 =	vmin.f32 v62, v28;
	v36 =	vmax.f32 v31, v61;
	v31 =	vmin.f32 v31, v61  }
0x1b0: {  	v25 =	vmax.f32 v24, v32;
	v32 =	vmin.f32 v24, v32;
	v33 =	vmax.f32 v30, v31  }
0x1b1: {  	[tilespmem:$0x10980] =	vst v36;
	v30 =	vmin.f32 v30, v31;
	v31 =	vmax.f32 v35, v28;
	v28 =	vmin.f32 v35, v28  }
0x1b2: {  	v38 =	vld.idx.msk [tilespmem:v45+s16+$0x0], $0xffff;
	[tilespmem:$0x10980] =	vst v33;
	v37 =	vmax.f32 v25, v30;
	v52 =	vmax.f32 v31, v32  }
0x1b3: {  	v30 =	vmin.f32 v25, v30;
	v28 =	vmax.f32 v29, v28;
	v29 =	vmin.f32 v31, v32;
	v26 =	vld.idx.msk [tilespmem:v45+s16+$0x0], $0xffff  }
0x1b4: {  	[tilespmem:$0x10980] =	vst v37;
	v31 =	vmax.f32 v52, v30;
	v28 =	vmax.f32 v28, v29;
	v29 =	vmin.f32 v52, v30  }
0x1b5: {  	v53 =	vld.idx.msk [tilespmem:v45+s16+$0x0], $0xffff;
	[tilespmem:$0x10980] =	vst v31;
	v28 =	vmax.f32 v28, v29  }
0x1b6: {  	v29 =	vld.idx.msk [tilespmem:v45+s16+$0x0], $0xffff;
	[tilespmem:$0x10980] =	vst v28  }
0x1b7: {  	v30 =	vld.idx.msk [tilespmem:v45+s16+$0x0], $0xffff  }
0x1b8: {  	v34 =	vmax.f32 v36, v38;
	v55 =	vmin.f32 v36, v38;
	v59 =	vmin.f32 v33, v38  }
0x1b9: {  	v24 =	vmin.f32 v37, v38;
	v54 =	vmax.f32 v33, v26;
	v57 =	vmin.f32 v36, v26  }
0x1ba: {  	v63 =	vmin.f32 v33, v26;
	v56 =	vmax.f32 v37, v53;
	v35 =	vmax.f32 v54, v55  }
0x1bb: {  	[tilespmem:$0x10980] =	vst v34;
	v61 =	vmin.f32 v36, v53;
	v58 =	vmax.f32 v56, v57;
	v60 =	vmax.f32 v31, v29  }
0x1bc: {  	v44 =	vld.idx.msk [tilespmem:v46+s16+$0x0], $0xffff;
	v29 =	vmin.f32 v36, v29;
	v40 =	vmax.f32 v58, v59;
	v28 =	vmax.f32 v28, v30  }
0x1bd: {  	[tilespmem:$0x10980] =	vst v35;
	v62 =	vmax.f32 v60, v61;
	v28 =	vmax.f32 v28, v29;
	v29 =	vmin.f32 v33, v53  }
0x1be: {  	v30 =	vld.idx.msk [tilespmem:v46+s16+$0x0], $0xffff;
	v41 =	vmax.f32 v62, v63;
	v28 =	vmax.f32 v28, v29;
	v29 =	vmin.f32 v37, v26  }
0x1bf: {  	[tilespmem:$0x10980] =	vst v40;
	v25 =	vmax.f32 v41, v24;
	v28 =	vmax.f32 v28, v29;
	v29 =	vmin.f32 v31, v38  }
0x1c0: {  	v26 =	vld.idx.msk [tilespmem:v46+s16+$0x0], $0xffff;
	[tilespmem:$0x10980] =	vst v25;
	v28 =	vmax.f32 v28, v29  }
0x1c1: {  	v29 =	vld.idx.msk [tilespmem:v46+s16+$0x0], $0xffff;
	[tilespmem:$0x10980] =	vst v28  }
0x1c2: {  	v31 =	vld.idx.msk [tilespmem:v46+s16+$0x0], $0xffff  }
0x1c3: {  	v36 =	vmax.f32 v34, v44;
	v53 =	vmin.f32 v34, v44;
	v57 =	vmin.f32 v35, v44  }
0x1c4: {  	v62 =	vmin.f32 v40, v44;
	v52 =	vmax.f32 v35, v30;
	v55 =	vmin.f32 v34, v30  }
0x1c5: {  	v61 =	vmin.f32 v35, v30;
	v37 =	vmax.f32 v52, v53;
	v54 =	vmax.f32 v40, v26  }
0x1c6: {  	[tilespmem:$0x10980] =	vst v36;
	v59 =	vmin.f32 v34, v26;
	v56 =	vmax.f32 v54, v55;
	v58 =	vmax.f32 v25, v29  }
0x1c7: {  	v43 =	vld.idx.msk [tilespmem:v20+s16+$0x0], $0xffff;
	v38 =	vmax.f32 v56, v57;
	v29 =	vmin.f32 v34, v29;
	v28 =	vmax.f32 v28, v31  }
0x1c8: {  	[tilespmem:$0x10980] =	vst v37;
	v60 =	vmax.f32 v58, v59;
	v28 =	vmax.f32 v28, v29;
	v29 =	vmin.f32 v35, v26  }
0x1c9: {  	v39 =	vmax.f32 v60, v61;
	v31 =	vld.idx.msk [tilespmem:v20+s16+$0x0], $0xffff;
	v28 =	vmax.f32 v28, v29;
	v29 =	vmin.f32 v40, v30  }
0x1ca: {  	[tilespmem:$0x10980] =	vst v38;
	v63 =	vmax.f32 v39, v62;
	v28 =	vmax.f32 v28, v29;
	v29 =	vmin.f32 v25, v44  }
0x1cb: {  	v30 =	vld.idx.msk [tilespmem:v20+s16+$0x0], $0xffff;
	[tilespmem:$0x10980] =	vst v63;
	v28 =	vmax.f32 v28, v29  }
0x1cc: {  	v29 =	vld.idx.msk [tilespmem:v20+s16+$0x0], $0xffff;
	[tilespmem:$0x10980] =	vst v28  }
0x1cd: {  	v24 =	vld.idx.msk [tilespmem:v20+s16+$0x0], $0xffff  }
0x1ce: {  	v55 =	vmin.f32 v37, v43;
	v62 =	vmin.f32 v38, v43;
	v25 =	vmax.f32 v36, v43  }
0x1cf: {  	v44 =	vmin.f32 v36, v43;
	v26 =	vmax.f32 v37, v31;
	v53 =	vmin.f32 v36, v31  }
0x1d0: {  	v60 =	vmin.f32 v37, v31;
	v35 =	vmax.f32 v26, v44;
	v52 =	vmax.f32 v38, v30  }
0x1d1: {  	[tilespmem:$0x10980] =	vst v25;
	v57 =	vmin.f32 v36, v30;
	v54 =	vmax.f32 v52, v53;
	v56 =	vmax.f32 v63, v29  }
0x1d2: {  	v58 =	vld.idx.msk [tilespmem:v21+s16+$0x0], $0xffff;
	v39 =	vmax.f32 v54, v55;
	v29 =	vmin.f32 v36, v29;
	v28 =	vmax.f32 v28, v24  }
0x1d3: {  	[tilespmem:$0x10980] =	vst v35;
	v59 =	vmax.f32 v56, v57;
	v28 =	vmax.f32 v28, v29;
	v29 =	vmin.f32 v37, v30  }
0x1d4: {  	v61 =	vld.idx.msk [tilespmem:v21+s16+$0x0], $0xffff;
	v40 =	vmax.f32 v59, v60;
	v28 =	vmax.f32 v28, v29;
	v29 =	vmin.f32 v38, v31  }
0x1d5: {  	[tilespmem:$0x10980] =	vst v39;
	v30 =	vmax.f32 v40, v62;
	v28 =	vmax.f32 v28, v29;
	v29 =	vmin.f32 v63, v43  }
0x1d6: {  	v31 =	vld.idx.msk [tilespmem:v21+s16+$0x0], $0xffff;
	[tilespmem:$0x10980] =	vst v30;
	v28 =	vmax.f32 v28, v29  }
0x1d7: {  	v29 =	vld.idx.msk [tilespmem:v21+s16+$0x0], $0xffff;
	[tilespmem:$0x10980] =	vst v28  }
0x1d8: {  	v63 =	vld.idx.msk [tilespmem:v21+s16+$0x0], $0xffff;
	_ =	sdelay $0x4  }
0x1d9: {  	v29 =	vmin.f32 v25, v29;
	v28 =	vmax.f32 v28, v63  }
0x1da: {  	v28 =	vmax.f32 v28, v29;
	v29 =	vmin.f32 v35, v31  }
0x1db: {  	v28 =	vmax.f32 v28, v29;
	v29 =	vmin.f32 v39, v61  }
0x1dc: {  	s23 =	simm.s32 $0x10800;
	v28 =	vmax.f32 v28, v29;
	v29 =	vmin.f32 v30, v58  }
0x1dd: {  	s24 =	simm.s32 $0x0;
	s25 =	simm.s32 $0x10;
	v31 =	vld [tilespmem:s23+$0x0];
	v30 =	vmax.f32 v28, v29;
	v29 =	vimm.s32 $0x0;
	v28 =	vimm.s32 $0x0  }
.LBB2_7:
0x1de: {  	p1 =	sne.s32 s25, $0x70;
	_ =	sdelay $0x3  }
0x1df: {  	vm0 =	vge.f32 v31, v30  }
0x1e0: {  	v31 =	vsel vm0, $0x1, v22;
	v32 =	vmpcnt.ones.xlane vm0  }
0x1e1: {  	(xrf0) =	vadd.scan.msk.s32 $0xffff, v31  }
0x1e2: {  	v29 =	vadd.s32 v29, v32;
	_ =	sdelay $0x4  }
0x1e3: {  	v31, _, _ =	vpop (xrf0)  }
0x1e4: {  	v31 =	vadd.s32 v31, v28;
	v28 =	vmov v29  }
0x1e5: {  	v31 =	vadd.s32 $0xFFFFFFFF, v31;
	_ =	sdelay $0x1  }
.Ltmp6:
0x1e6: {  	(pc) =	sbr.rel @p1 .LBB2_7-.Ltmp6, $4  }
0x1e7: {  	_ = 	snop  }
0x1e8: {  	v32 =	vor.u32 s24, v0;
	s24 =	smov.u32 s25  }
0x1e9: {  	s23 =	sadd.s32 $0x10, s23;
	[tilespmem:v31+s17+$0x0] =	vst.idx.msk vm0, v32  }
0x1ea: {  	s25 =	sadd.s32 $0x10, s25;
	v31 =	vld [tilespmem:s23+$0x0]  }
0x1eb: {  	_ =	sdelay $0x3  }
0x1ec: {  	vm0 =	vge.f32 v31, v30  }
0x1ed: {  	v30 =	vmpcnt.ones.xlane vm0;
	_ =	sdelay $0x1  }
0x1ee: {  	v31 =	vsel vm0, $0x1, v22;
	v29 =	vadd.s32 v29, v30  }
0x1ef: {  	(xrf0) =	vadd.scan.msk.s32 $0xffff, v31;
	v29 =	vxor.u32 $0x80000000, v29  }
0x1f0: {  	(xrf0) =	vmax.scan.msk.u32 $0xffff, v29;
	_ =	sdelay $0x4  }
0x1f1: {  	v61, _, _ =	vpop (xrf0)  }
0x1f2: {  	v62, _, _ =	vpop (xrf0)  }
0x1f3: {  	(v2sf) =	vpush v62, $0xF;
	_ =	sdelay $0xe  }
0x1f4: {  	s23 =	spop (v2sf)  }
0x1f5: {  	v28 =	vadd.s32 v61, v28;
	s23 =	sxor.u32 $0x80000000, s23  }
0x1f6: {  	v28 =	vadd.s32 $0xFFFFFFFF, v28;
	p1 =	slt.s32 s23, $0x1  }
.Ltmp7:
0x1f7: {  	_ = 	snop;
	(pc) =	sbr.rel @p1 .LBB2_9-.Ltmp7, $3  }
0x1f8: {  	_ =	sdelay $0x1  }
0x1f9: {  	v63 =	vor.u32 s24, v0  }
0x1fa: {  	[tilespmem:v28+s17+$0x0] =	vst.idx.msk vm0, v63  }
0x1fb: {  	s24 =	simm.s32 $0x0  }
0x1fc: {  	v28 =	vmov s24;
	_ =	sdelay $0x4  }
0x1fd: {  	v29 =	vld.idx.msk [tilespmem:v28+s17+$0x0], $0xffff;
	_ =	sdelay $0x4  }
0x1fe: {  	v28 =	vmov s22;
	v29 =	vshll.u32 v29, $0x8  }
0x1ff: {  	v44 =	vadd.s32 v28, v29  }
0x200: {  	[tilespmem:$0x1FFA0] =	vst v50;
	v50 =	vimm.f32 $-Inf;
	v30 =	vor.u32 $0xA0, v0;
	v43 =	vor.u32 v0, v44  }
0x201: {  	v31 =	vor.u32 $0x90, v0;
	v32 =	vor.u32 $0x10, v0;
	v33 =	vor.u32 $0xD0, v0  }
0x202: {  	v34 =	vor.u32 $0xC0, v0;
	v35 =	vor.u32 $0xE0, v0;
	v45 =	vor.u32 v32, v44  }
0x203: {  	v36 =	vor.u32 $0x80, v0;
	v37 =	vor.u32 $0x70, v0;
	v38 =	vor.u32 $0x20, v0  }
0x204: {  	v39 =	vor.u32 $0x60, v0;
	v40 =	vor.u32 $0xF0, v0;
	v46 =	vor.u32 v38, v44  }
0x205: {  	v41 =	vor.u32 $0x50, v0;
	v42 =	vor.u32 $0x40, v0;
	v29 =	vor.u32 $0x30, v0;
	v26 =	vld.idx.msk [tilespmem:v43+s1+$0x0], $0xffff  }
0x206: {  	[tilespmem:$0x1FFB0] =	vst v49;
	v52 =	vor.u32 v29, v44;
	v53 =	vor.u32 v42, v44;
	v54 =	vor.u32 v39, v44  }
0x207: {  	v55 =	vor.u32 v37, v44;
	v56 =	vor.u32 v36, v44;
	v49 =	vor.u32 v30, v44;
	v57 =	vld.idx.msk [tilespmem:v45+s1+$0x0], $0xffff  }
0x208: {  	[tilespmem:$0x1FFD0] =	vst v47;
	v63 =	vor.u32 v31, v44;
	v47 =	vor.u32 v34, v44;
	v58 =	vor.u32 v41, v44  }
0x209: {  	v43 =	vor.u32 $0xB0, v0;
	v45 =	vor.u32 v33, v44;
	v59 =	vld.idx.msk [tilespmem:v46+s1+$0x0], $0xffff;
	v46 =	vor.u32 v35, v44  }
0x20a: {  	[tilespmem:$0x1FFC0] =	vst v48;
	v48 =	vor.u32 v43, v44;
	v44 =	vor.u32 v40, v44;
	v60 =	vmin.f32 v50, v26  }
0x20b: {  	[tilespmem:$0x1FF90] =	vst v51;
	v51 =	vmax.f32 v50, v26;
	v61 =	vmax.f32 v50, v60;
	v60 =	vmin.f32 v50, v60  }
0x20c: {  	v52 =	vld.idx.msk [tilespmem:v52+s1+$0x0], $0xffff;
	v23 =	vmin.f32 v51, v57;
	v51 =	vmax.f32 v51, v57;
	v62 =	vmax.f32 v50, v60  }
0x20d: {  	v60 =	vmin.f32 v50, v60;
	v24 =	vmin.f32 v61, v23;
	v23 =	vmax.f32 v61, v23  }
0x20e: {  	v53 =	vld.idx.msk [tilespmem:v53+s1+$0x0], $0xffff;
	v25 =	vmax.f32 v50, v60;
	v60 =	vmin.f32 v50, v60;
	v57 =	vmax.f32 v62, v24  }
0x20f: {  	v58 =	vld.idx.msk [tilespmem:v58+s1+$0x0], $0xffff;
	v24 =	vmin.f32 v62, v24;
	v50 =	vmax.f32 v50, v60;
	v60 =	vmax.f32 v51, v59  }
0x210: {  	v54 =	vld.idx.msk [tilespmem:v54+s1+$0x0], $0xffff;
	v51 =	vmin.f32 v51, v59;
	v62 =	vmin.f32 v25, v24;
	v24 =	vmax.f32 v25, v24  }
0x211: {  	v59 =	vmax.f32 v23, v51;
	v61 =	vmin.f32 v60, v52;
	v52 =	vmax.f32 v60, v52  }
0x212: {  	v27 =	vmax.f32 v50, v62;
	v23 =	vmin.f32 v23, v51;
	v60 =	vmax.f32 v59, v61  }
0x213: {  	v55 =	vld.idx.msk [tilespmem:v55+s1+$0x0], $0xffff;
	v25 =	vmax.f32 v52, v53;
	v26 =	vmin.f32 v52, v53;
	v61 =	vmin.f32 v59, v61  }
0x214: {  	v62 =	vmax.f32 v25, v58;
	v25 =	vmin.f32 v25, v58;
	v52 =	vmax.f32 v60, v26  }
0x215: {  	v58 =	vmax.f32 v62, v54;
	v50 =	vmin.f32 v62, v54;
	v62 =	vmax.f32 v52, v25  }
0x216: {  	p1 =	sne.s32 s23, $0x1;
	v26 =	vmin.f32 v60, v26;
	v52 =	vmin.f32 v52, v25;
	v25 =	vld.idx.msk [tilespmem:v56+s1+$0x0], $0xffff;
	v53 =	vmax.f32 v62, v50  }
.Ltmp8:
0x217: {  	v50 =	vmin.f32 v62, v50;
	v62 =	vmax.f32 v57, v23;
	v23 =	vmin.f32 v57, v23;
	(pc) =	sbr.rel @!p1 .LBB2_12-.Ltmp8, $4  }
0x218: {  	v57 =	vmax.f32 v58, v55;
	v55 =	vmin.f32 v58, v55;
	v59 =	vmin.f32 v62, v61  }
0x219: {  	v56 =	vmin.f32 v24, v23;
	v54 =	vmax.f32 v62, v61;
	v51 =	vmin.f32 v53, v55  }
0x21a: {  	v62 =	vmax.f32 v24, v23;
	v58 =	vmax.f32 v54, v26;
	v60 =	vmin.f32 v54, v26  }
0x21b: {  	s22 =	simm.s32 $0x1;
	v61 =	vmax.f32 v27, v56;
	v56 =	vmax.f32 v57, v25;
	v54 =	vmin.f32 v57, v25;
	v57 =	vld.idx.msk [tilespmem:v63+s1+$0x0], $0xffff  }
.LBB2_11:
0x21c: {  	v23 =	vmax.f32 v62, v59;
	v24 =	vmin.f32 v62, v59;
	v25 =	vmin.f32 v58, v52;
	s24 =	smov.u32 s22;
	s22 =	sadd.s32 $0x1, s22  }
0x21d: {  	p1 =	sne.s32 s23, s22;
	v26 =	vmax.f32 v23, v60;
	v27 =	vld.idx.msk [tilespmem:v49+s1+$0x0], $0xffff  }
0x21e: {  	v24 =	vmax.f32 v61, v24;
	v48 =	vld.idx.msk [tilespmem:v48+s1+$0x0], $0xffff  }
0x21f: {  	v23 =	vmin.f32 v23, v60;
	v49 =	vmax.f32 v26, v25  }
0x220: {  	v23 =	vmax.f32 v24, v23;
	v24 =	vmax.f32 v58, v52  }
0x221: {  	v53 =	vmax.f32 v53, v55;
	v52 =	vmin.f32 v24, v50;
	v55 =	vmin.f32 v56, v57  }
0x222: {  	v59 =	vmax.f32 v53, v54;
	v58 =	vmin.f32 v49, v52;
	v56 =	vmax.f32 v56, v57  }
0x223: {  	v57 =	vmax.f32 v59, v55;
	v60 =	vmax.f32 v56, v27;
	v27 =	vmin.f32 v56, v27  }
0x224: {  	v56 =	vmax.f32 v57, v27;
	v61 =	vmin.f32 v60, v48;
	v47 =	vld.idx.msk [tilespmem:v47+s1+$0x0], $0xffff  }
0x225: {  	v24 =	vmax.f32 v24, v50;
	v50 =	vmin.f32 v56, v61  }
0x226: {  	v53 =	vmin.f32 v53, v54;
	v62 =	vmin.f32 v24, v51;
	v45 =	vld.idx.msk [tilespmem:v45+s1+$0x0], $0xffff  }
0x227: {  	v54 =	vmin.f32 v59, v55  }
0x228: {  	v49 =	vmax.f32 v49, v52;
	v24 =	vmax.f32 v24, v51  }
0x229: {  	v51 =	vmax.f32 v49, v62;
	v48 =	vmax.f32 v60, v48;
	v52 =	vmax.f32 v56, v61  }
0x22a: {  	v55 =	vmax.f32 v24, v53;
	v56 =	vmax.f32 v48, v47;
	v47 =	vmin.f32 v48, v47;
	v46 =	vld.idx.msk [tilespmem:v46+s1+$0x0], $0xffff  }
0x22b: {  	v25 =	vmin.f32 v26, v25;
	v26 =	vmax.f32 v52, v47;
	v47 =	vmin.f32 v52, v47  }
0x22c: {  	v23 =	vmax.f32 v23, v25;
	v25 =	vmin.f32 v55, v54;
	v48 =	vmin.f32 v56, v45  }
0x22d: {  	v24 =	vmin.f32 v24, v53;
	v52 =	vmov s24;
	v53 =	vmax.f32 v26, v48  }
0x22e: {  	v23 =	vmax.f32 v23, v58;
	v49 =	vmin.f32 v49, v62;
	v54 =	vmax.f32 v55, v54  }
0x22f: {  	v27 =	vmin.f32 v57, v27;
	v45 =	vmax.f32 v56, v45  }
0x230: {  	v55 =	vmax.f32 v54, v27;
	v27 =	vmin.f32 v54, v27;
	v54 =	vmax.f32 v45, v46  }
0x231: {  	v57 =	vmax.f32 v55, v50;
	v50 =	vmin.f32 v55, v50;
	v56 =	vmin.f32 v51, v24;
	v55 =	vld.idx.msk [tilespmem:v44+s1+$0x0], $0xffff  }
0x232: {  	v45 =	vmin.f32 v45, v46;
	v44 =	vld.idx.msk [tilespmem:v52+s17+$0x0], $0xffff;
	v52 =	vmax.f32 v57, v47  }
0x233: {  	v23 =	vmax.f32 v23, v49;
	v46 =	vmin.f32 v57, v47  }
0x234: {  	v24 =	vmax.f32 v51, v24;
	v26 =	vmin.f32 v26, v48  }
0x235: {  	v23 =	vmax.f32 v23, v56;
	v47 =	vmax.f32 v24, v25;
	v48 =	vmax.f32 v52, v26  }
0x236: {  	v51 =	vmax.f32 v53, v45;
	v24 =	vmin.f32 v24, v25;
	v25 =	vmax.f32 v47, v27  }
0x237: {  	v23 =	vmax.f32 v23, v24;
	v24 =	vmin.f32 v53, v45;
	v53 =	vmin.f32 v54, v55  }
0x238: {  	v26 =	vmin.f32 v52, v26;
	v52 =	vmax.f32 v48, v24;
	v44 =	vshll.u32 v44, $0x8  }
0x239: {  	v56 =	vmax.f32 v25, v50;
	v24 =	vmin.f32 v48, v24;
	v44 =	vadd.s32 v28, v44  }
0x23a: {  	v25 =	vmin.f32 v25, v50;
	v45 =	vor.u32 v0, v44;
	v57 =	vor.u32 v32, v44  }
0x23b: {  	v27 =	vmin.f32 v47, v27;
	v50 =	vor.u32 v29, v44;
	v58 =	vor.u32 v42, v44  }
0x23c: {  	v23 =	vmax.f32 v23, v27;
	v47 =	vor.u32 v38, v44;
	v59 =	vor.u32 v39, v44  }
0x23d: {  	v23 =	vmax.f32 v23, v25;
	v27 =	vor.u32 v37, v44;
	v60 =	vor.u32 v36, v44  }
0x23e: {  	v25 =	vmax.f32 v56, v46;
	v49 =	vor.u32 v30, v44;
	v48 =	vor.u32 v43, v44  }
0x23f: {  	v62 =	vmax.f32 v25, v26;
	v63 =	vmax.f32 v51, v53;
	v61 =	vld.idx.msk [tilespmem:v45+s1+$0x0], $0xffff;
	v45 =	vor.u32 v33, v44  }
0x240: {  	v56 =	vmin.f32 v56, v46;
	v25 =	vmin.f32 v25, v26;
	v18 =	vor.u32 v31, v44;
	v57 =	vld.idx.msk [tilespmem:v57+s1+$0x0], $0xffff  }
0x241: {  	v19 =	vmax.f32 v62, v24;
	v46 =	vmin.f32 v51, v53;
	v26 =	vld.idx.msk [tilespmem:v47+s1+$0x0], $0xffff;
	v47 =	vor.u32 v34, v44  }
0x242: {  	v24 =	vmin.f32 v62, v24;
	v51 =	vmax.f32 v52, v46;
	v52 =	vmin.f32 v52, v46  }
0x243: {  	v53 =	vor.u32 v41, v44;
	v46 =	vor.u32 v35, v44;
	v62 =	vmin.f32 v19, v52;
	v50 =	vld.idx.msk [tilespmem:v50+s1+$0x0], $0xffff  }
0x244: {  	v54 =	vmax.f32 v54, v55;
	v19 =	vmax.f32 v19, v52;
	v44 =	vor.u32 v40, v44  }
0x245: {  	v23 =	vmax.f32 v23, v56;
	v52 =	vmax.f32 v54, v61;
	v54 =	vmin.f32 v54, v61  }
0x246: {  	v23 =	vmax.f32 v23, v25;
	v55 =	vmax.f32 v63, v54;
	v54 =	vmin.f32 v63, v54  }
0x247: {  	v23 =	vmax.f32 v23, v24;
	v56 =	vmin.f32 v52, v57;
	v25 =	vmax.f32 v51, v54;
	v58 =	vld.idx.msk [tilespmem:v58+s1+$0x0], $0xffff  }
0x248: {  	v23 =	vmax.f32 v23, v62;
	v24 =	vmin.f32 v51, v54;
	v51 =	vmin.f32 v55, v56;
	v53 =	vld.idx.msk [tilespmem:v53+s1+$0x0], $0xffff  }
0x249: {  	v54 =	vmax.f32 v19, v24;
	v19 =	vmin.f32 v19, v24;
	v24 =	vmax.f32 v52, v57  }
0x24a: {  	v19 =	vmax.f32 v23, v19;
	v23 =	vmax.f32 v55, v56;
	v55 =	vmax.f32 v25, v51;
	v52 =	vld.idx.msk [tilespmem:v59+s1+$0x0], $0xffff  }
0x24b: {  	v56 =	vmax.f32 v24, v26;
	v24 =	vmin.f32 v24, v26  }
0x24c: {  	v25 =	vmin.f32 v25, v51;
	v26 =	vmax.f32 v23, v24;
	v51 =	vmin.f32 v56, v50  }
0x24d: {  	v57 =	vmin.f32 v54, v25;
	v50 =	vmax.f32 v56, v50;
	v56 =	vmax.f32 v26, v51  }
0x24e: {  	v25 =	vmax.f32 v54, v25;
	v54 =	vmax.f32 v50, v58;
	v58 =	vmin.f32 v50, v58;
	v27 =	vld.idx.msk [tilespmem:v27+s1+$0x0], $0xffff  }
0x24f: {  	v19 =	vmax.f32 v19, v57;
	v50 =	vmax.f32 v54, v53;
	v53 =	vmin.f32 v54, v53  }
0x250: {  	v54 =	vmax.f32 v56, v58;
	v57 =	vmax.f32 v50, v52;
	v50 =	vmin.f32 v50, v52  }
0x251: {  	v23 =	vmin.f32 v23, v24;
	v24 =	vmax.f32 v54, v53;
	v52 =	vmin.f32 v54, v53;
	v54 =	vld.idx.msk [tilespmem:v60+s1+$0x0], $0xffff  }
0x252: {  	v26 =	vmin.f32 v26, v51;
	v53 =	vmax.f32 v24, v50;
	v50 =	vmin.f32 v24, v50  }
.Ltmp9:
0x253: {  	v56 =	vmin.f32 v56, v58;
	v24 =	vmax.f32 v55, v23;
	v23 =	vmin.f32 v55, v23;
	(pc) =	sbr.rel @p1 .LBB2_11-.Ltmp9, $4  }
0x254: {  	v59 =	vmin.f32 v24, v26;
	v63 =	vmax.f32 v57, v27;
	v55 =	vmin.f32 v57, v27  }
0x255: {  	v24 =	vmax.f32 v24, v26;
	v27 =	vmin.f32 v25, v23;
	v51 =	vmin.f32 v53, v55  }
0x256: {  	v62 =	vmax.f32 v25, v23;
	v58 =	vmax.f32 v24, v56;
	v60 =	vmin.f32 v24, v56  }
0x257: {  	v61 =	vmax.f32 v19, v27;
	v56 =	vmax.f32 v63, v54;
	v54 =	vmin.f32 v63, v54;
	v57 =	vld.idx.msk [tilespmem:v18+s1+$0x0], $0xffff  }
.LBB2_12:
0x258: {  	v18 =	vmax.f32 v62, v59;
	v19 =	vmin.f32 v62, v59  }
0x259: {  	v24 =	vmin.f32 v58, v52;
	v28 =	vmax.f32 v58, v52;
	v29 =	vmax.f32 v53, v55  }
0x25a: {  	v25 =	vmax.f32 v18, v60;
	v19 =	vmax.f32 v61, v19;
	v18 =	vmin.f32 v18, v60  }
0x25b: {  	v31 =	vmax.f32 v29, v54;
	v29 =	vmin.f32 v29, v54;
	v27 =	vmax.f32 v25, v24  }
0x25c: {  	v23 =	vld.idx.msk [tilespmem:v49+s1+$0x0], $0xffff;
	v18 =	vmax.f32 v19, v18;
	v19 =	vmin.f32 v28, v50;
	v28 =	vmax.f32 v28, v50  }
0x25d: {  	v24 =	vmin.f32 v25, v24;
	v37 =	vmin.f32 v27, v19;
	v39 =	vmin.f32 v28, v51  }
0x25e: {  	v19 =	vmax.f32 v27, v19;
	v27 =	vmax.f32 v28, v51;
	v18 =	vmax.f32 v18, v24  }
0x25f: {  	v26 =	vld.idx.msk [tilespmem:v48+s1+$0x0], $0xffff;
	v30 =	vmin.f32 v56, v57;
	v32 =	vmax.f32 v56, v57;
	v28 =	vmax.f32 v19, v39  }
0x260: {  	v48 =	vmax.f32 v27, v29;
	v27 =	vmin.f32 v27, v29;
	v18 =	vmax.f32 v18, v37  }
0x261: {  	v47 =	vld.idx.msk [tilespmem:v47+s1+$0x0], $0xffff;
	v19 =	vmin.f32 v19, v39;
	v33 =	vmax.f32 v31, v30;
	v34 =	vmax.f32 v32, v23  }
0x262: {  	v23 =	vmin.f32 v32, v23;
	v30 =	vmin.f32 v31, v30;
	v55 =	vmin.f32 v28, v27  }
0x263: {  	v18 =	vmax.f32 v18, v19;
	v27 =	vmax.f32 v28, v27;
	v35 =	vmax.f32 v33, v23  }
0x264: {  	v40 =	vld.idx.msk [tilespmem:v45+s1+$0x0], $0xffff;
	v36 =	vmin.f32 v34, v26;
	v26 =	vmax.f32 v34, v26;
	v53 =	vmin.f32 v48, v30  }
0x265: {  	v30 =	vmax.f32 v48, v30;
	v23 =	vmin.f32 v33, v23;
	v18 =	vmax.f32 v18, v55  }
0x266: {  	v50 =	vld.idx.msk [tilespmem:v46+s1+$0x0], $0xffff;
	v38 =	vmin.f32 v35, v36;
	v31 =	vmax.f32 v35, v36;
	v49 =	vmin.f32 v26, v47  }
0x267: {  	v26 =	vmax.f32 v26, v47;
	v33 =	vmax.f32 v30, v23;
	v23 =	vmin.f32 v30, v23  }
0x268: {  	v58 =	vmax.f32 v27, v53;
	v27 =	vmin.f32 v27, v53;
	v51 =	vmax.f32 v31, v49  }
0x269: {  	v56 =	vld.idx.msk [tilespmem:v44+s1+$0x0], $0xffff;
	v31 =	vmin.f32 v31, v49;
	v52 =	vmin.f32 v26, v40;
	v26 =	vmax.f32 v26, v40  }
0x26a: {  	v54 =	vmax.f32 v33, v38;
	v33 =	vmin.f32 v33, v38;
	v18 =	vmax.f32 v18, v27  }
0x26b: {  	v29 =	vmax.f32 v51, v52;
	v30 =	vmax.f32 v26, v50;
	v57 =	vmax.f32 v54, v31  }
0x26c: {  	v26 =	vmin.f32 v26, v50;
	v19 =	vmin.f32 v54, v31;
	v24 =	vmin.f32 v51, v52  }
0x26d: {  	v31 =	vmax.f32 v58, v23;
	v23 =	vmin.f32 v58, v23;
	v28 =	vmax.f32 v57, v24  }
0x26e: {  	v32 =	vmax.f32 v29, v26;
	v26 =	vmin.f32 v29, v26;
	v27 =	vmin.f32 v30, v56  }
0x26f: {  	v24 =	vmin.f32 v57, v24;
	v59 =	vmax.f32 v31, v33;
	v60 =	vmin.f32 v31, v33  }
0x270: {  	v45 =	vld [tilespmem:$0x1FFE0];
	v18 =	vmax.f32 v18, v23;
	v29 =	vmax.f32 v28, v26;
	v23 =	vmax.f32 v59, v19  }
0x271: {  	v46 =	vld [tilespmem:$0x1FFF0];
	v26 =	vmin.f32 v28, v26;
	v18 =	vmax.f32 v18, v60;
	v28 =	vmax.f32 v32, v27  }
.Ltmp10:
0x272: {  	v48 =	vld [tilespmem:$0x1FFC0];
	v19 =	vmin.f32 v59, v19;
	v27 =	vmin.f32 v32, v27;
	v61 =	vmax.f32 v23, v24;
	(pc) =	sbr.rel .LBB2_13-.Ltmp10, $4  }
0x273: {  	v47 =	vld [tilespmem:$0x1FFD0];
	v23 =	vmin.f32 v23, v24;
	v18 =	vmax.f32 v18, v19;
	v63 =	vmin.f32 v29, v27  }
0x274: {  	v49 =	vld [tilespmem:$0x1FFB0];
	v62 =	vmax.f32 v61, v26;
	v19 =	vmin.f32 v61, v26;
	v18 =	vmax.f32 v18, v23  }
0x275: {  	v50 =	vld [tilespmem:$0x1FFA0];
	v31 =	vmax.f32 v30, v56;
	v23 =	vmin.f32 v62, v63;
	v18 =	vmax.f32 v18, v19  }
0x276: {  	v51 =	vld [tilespmem:$0x1FF90];
	v29 =	vmax.f32 v29, v27;
	v30 =	vmax.f32 v62, v63;
	v32 =	vmax.f32 v18, v23  }
.LBB2_15:
0x277: {  	_ =	sfence.sel $0x180000  }
0x278: {  	[bflag:$0x0] =	sbarrier.arrive $0xFFFF  }
0x279: {  	p0 =	sne.s32 s3, $0x0;
	_ =	strace $0x90000047  }
0x27a: {  	s0 =	sadd.s32 @!p0 $0x100000, s0;
	[bflag:$0x2] =	sbarrier.arrive $0xFFFF  }
0x27b: {  	[sflag:s0] =	ssyncadd.tile.s32 @!p0 $0x1;
	_ =	shalt  }
.Lfunc_end2:
_tile_overlayer_lowered:
.L_overlay_start_2:
0x27c: {  	(tag) =	ssettag $0x2  }
0x27d: {  	s0 =	rddreg [dreg:$0x0];
	s2 =	stileid.u32  }
0x27e: {  	s1 =	rddreg [dreg:$0x1];
	p0 =	sne.s32 s2, $0x0  }
0x27f: {  	s3 =	rddreg [dreg:$0x2];
	[bflag:$0x3] =	sbarrier.arrive $0xFFFF;
	s2 =	simm.s32 @!p0 $0x1C04  }
0x280: {  	[timem:s3], [sflag:s2] =	dma.local @!p0 [hbm:s0], s1  }
0x281: {  	s0 =	simm.s32 @!p0 $0x4  }
0x282: {  	_ =	swait.ge @!p0 [sflag:s0], s1  }
0x283: {  	s1 =	ssub.s32 @!p0 $0x0, s1;
	[sflag:s0] =	ssyncset.done @!p0 $0x0  }
0x284: {  	[sflag:s0] =	ssyncadd.s32 @!p0 s1  }
0x285: {  	[bflag:$0x3] =	sbarrier.arrive $0xFFFF  }
0x286: {  	_ =	shalt  }

</sc_bundles>
